<compile_context>
chip_gen: v7x
topology: tpu7x:2x2x1
jax: 0.10.2.dev20260603
libtpu: 0.0.44.dev20260713+nightly
codegen_flags: <defaults>
</compile_context>

<pallas_src>
import functools

import jax
import jax.numpy as jnp
from jax import lax
from jax.experimental import pallas as pl
from jax.experimental.pallas import tpu as pltpu
from jax.experimental.pallas import tpu_sc as plsc

_N = 131072
_D = 512
_K = 1310
_KP = 1536
_GB = 1024

_NT = 16
_CHUNK = _N // _NT
_ROWS = _CHUNK // 128
_IDXBUF = 2048
_DUMP = 2047

_NW = 32
_GROWS = _KP // _NW

_SC_PARAMS = pltpu.CompilerParams(needs_layout_passes=False)


def _gate_body(x_ref, wg_ref, bg_ref, g_ref, out_ref):
    xb = x_ref[...]
    w = wg_ref[...]
    s = None
    for j in range(4):
        p = lax.dot_general(w[:, j * 128:(j + 1) * 128],
                            xb[:, j * 128:(j + 1) * 128],
                            (((1,), (1,)), ((), ())),
                            preferred_element_type=jnp.float32)
        s = p if s is None else s + p
    g_ref[...] = s + bg_ref[...][0]
    out_ref[...] = jnp.zeros_like(out_ref)


def _gate(x, wg_row, bg):
    return pl.pallas_call(
        _gate_body,
        grid=(_N // _GB,),
        in_specs=[
            pl.BlockSpec((_GB, _D), lambda i: (i, 0)),
            pl.BlockSpec((1, _D), lambda i: (0, 0)),
            pl.BlockSpec((1,), lambda i: (0,)),
        ],
        out_specs=[
            pl.BlockSpec((1, _GB), lambda i: (0, i)),
            pl.BlockSpec((_GB, _D), lambda i: (i, 0)),
        ],
        out_shape=[
            jax.ShapeDtypeStruct((1, _N), jnp.float32),
            jax.ShapeDtypeStruct((_N, _D), jnp.float32),
        ],
    )(x, wg_row, bg)


def _key_of(gf):
    b = lax.bitcast_convert_type(gf, jnp.int32)
    return b ^ (jnp.int32(0x7FFFFFFF) & (b >> 31))


def _thresh_body(g_ref, o_ref):
    keys = _key_of(g_ref[...])

    def step(i, t):
        b = 31 - i
        cand = t + (jnp.int32(1) << b)
        cnt = jnp.sum((keys >= cand).astype(jnp.int32))
        return jnp.where(cnt >= _K, cand, t)

    t = lax.fori_loop(0, 32, step, jnp.int32(-2147483648))
    cgt = jnp.sum((keys > t).astype(jnp.int32))
    need = _K - cgt
    rows = lax.broadcasted_iota(jnp.int32, (8, 128), 0)
    o_ref[...] = jnp.where(rows == 0, t,
                  jnp.where(rows == 1, cgt,
                   jnp.where(rows == 2, need, 0)))


def _threshold(g):
    return pl.pallas_call(
        _thresh_body,
        out_shape=jax.ShapeDtypeStruct((8, 128), jnp.int32),
    )(g.reshape(_N // 128, 128))


def _compact_body(g_hbm, thr_hbm, idx_hbm, mask_hbm,
                  gv, maskv, tv, needv, myc, cntv, privbuf,
                  cv, fv, padv, cnt_spm, mrg_spm, pad_spm):
    wid = lax.axis_index("s")
    base_el = wid * _CHUNK
    lanes = lax.iota(jnp.int32, 16)
    zero16 = jnp.zeros((16,), jnp.int32)

    pltpu.sync_copy(g_hbm.at[pl.ds(base_el, _CHUNK)], gv)
    pltpu.sync_copy(thr_hbm.at[pl.ds(0, 16)], tv)
    pltpu.sync_copy(thr_hbm.at[pl.ds(256, 16)], needv)
    tvec = tv[...]
    needvec = needv[...]

    def zrow(i, _):
        privbuf[pl.ds(pl.multiple_of(i * 16, 16), 16)] = zero16
        return 0

    lax.fori_loop(0, _IDXBUF // 16, zrow, 0)

    def p1(j, carry):
        cgt, ceq = carry
        off = pl.multiple_of(j * 16, 16)
        key = _key_of(gv[pl.ds(off, 16)])
        cgt = cgt + plsc.all_reduce_population_count(key > tvec)
        ceq = ceq + plsc.all_reduce_population_count(key == tvec)
        return cgt, ceq

    cgt, ceq = lax.fori_loop(0, _CHUNK // 16, p1, (zero16, zero16))
    myc[...] = cgt
    pltpu.sync_copy(myc, cnt_spm.at[0, wid])
    myc[...] = ceq
    pltpu.sync_copy(myc, cnt_spm.at[1, wid])
    plsc.subcore_barrier()

    pltpu.sync_copy(cnt_spm, cntv)
    base_gt = zero16
    base_eq = zero16
    total_gt = zero16
    for w in range(_NT):
        rg = cntv[0, w]
        re = cntv[1, w]
        mine = jnp.int32(w) < wid
        base_gt = base_gt + jnp.where(mine, rg, zero16)
        base_eq = base_eq + jnp.where(mine, re, zero16)
        total_gt = total_gt + rg

    def p2(j, carry):
        rgt, req = carry
        off = pl.multiple_of(j * 16, 16)
        key = _key_of(gv[pl.ds(off, 16)])
        mgt = key > tvec
        meq = key == tvec
        igt = mgt.astype(jnp.int32)
        ieq = meq.astype(jnp.int32)
        cs_gt = plsc.cumsum(igt)
        cs_eq = plsc.cumsum(ieq)
        grank_eq = req + (cs_eq - ieq)
        sel_eq = meq & (grank_eq < needvec)
        sel = mgt | sel_eq
        pos = jnp.where(mgt, rgt + (cs_gt - igt), total_gt + grank_eq)
        pos = jnp.minimum(jnp.maximum(pos, 0), jnp.int32(_IDXBUF - 1))
        plsc.store_scatter(privbuf, [pos], base_el + off + lanes, mask=sel)
        maskv[pl.ds(off, 16)] = sel.astype(jnp.float32)
        rgt = rgt + plsc.all_reduce_population_count(mgt)
        req = req + plsc.all_reduce_population_count(meq)
        return rgt, req

    lax.fori_loop(0, _CHUNK // 16, p2, (base_gt, base_eq))
    pltpu.sync_copy(maskv, mask_hbm.at[pl.ds(base_el, _CHUNK)])

    pltpu.sync_copy(privbuf, mrg_spm.at[wid])
    plsc.subcore_barrier()

    nmerge = _KP // 128
    pltpu.sync_copy(mrg_spm.at[:, pl.ds(wid * 128, 128)], cv)
    for c in range(8):
        acc = zero16
        for w in range(_NT):
            acc = acc + cv[w, pl.ds(c * 16, 16)]
        fv[pl.ds(c * 16, 16)] = acc

    @pl.when(wid == 0)
    def _():
        pltpu.sync_copy(fv.at[pl.ds(0, 16)], pad_spm)
    plsc.subcore_barrier()

    @pl.when(wid >= _K // 128)
    def _():
        pltpu.sync_copy(pad_spm, padv)
        pv = padv[...]
        for c in range(8):
            posvec = wid * 128 + c * 16 + lanes
            cur = fv[pl.ds(c * 16, 16)]
            fv[pl.ds(c * 16, 16)] = jnp.where(posvec < _K, cur, pv)

    @pl.when(wid < nmerge)
    def _():
        pltpu.sync_copy(fv, idx_hbm.at[pl.ds(wid * 128, 128)])


_compact = pl.kernel(
    _compact_body,
    out_type=[
        jax.ShapeDtypeStruct((_KP,), jnp.int32),
        jax.ShapeDtypeStruct((_N,), jnp.float32),
    ],
    mesh=plsc.VectorSubcoreMesh(
        core_axis_name="c", subcore_axis_name="s", num_cores=1),
    compiler_params=_SC_PARAMS,
    scratch_types=[
        pltpu.VMEM((_CHUNK,), jnp.float32),
        pltpu.VMEM((_CHUNK,), jnp.float32),
        pltpu.VMEM((16,), jnp.int32),
        pltpu.VMEM((16,), jnp.int32),
        pltpu.VMEM((16,), jnp.int32),
        pltpu.VMEM((2, _NT, 16), jnp.int32),
        pltpu.VMEM((_IDXBUF,), jnp.int32),
        pltpu.VMEM((_NT, 128), jnp.int32),
        pltpu.VMEM((128,), jnp.int32),
        pltpu.VMEM((16,), jnp.int32),
        pltpu.VMEM_SHARED((2, _NT, 16), jnp.int32),
        pltpu.VMEM_SHARED((_NT, _IDXBUF), jnp.int32),
        pltpu.VMEM_SHARED((16,), jnp.int32),
    ],
)


def _gather_body(x_hbm, idx_hbm, ax_hbm, idx_v, rows_v, sem):
    wid = lax.axis_index("s") * 2 + lax.axis_index("c")
    base = wid * _GROWS
    pltpu.sync_copy(idx_hbm.at[pl.ds(base, _GROWS)], idx_v)
    pltpu.async_copy(x_hbm.at[idx_v], rows_v, sem).wait()
    pltpu.sync_copy(rows_v, ax_hbm.at[pl.ds(base, _GROWS)])


_gather = pl.kernel(
    _gather_body,
    out_type=jax.ShapeDtypeStruct((_KP, _D), jnp.float32),
    mesh=plsc.VectorSubcoreMesh(core_axis_name="c", subcore_axis_name="s"),
    compiler_params=_SC_PARAMS,
    scratch_types=[
        pltpu.VMEM((_GROWS,), jnp.int32),
        pltpu.VMEM((_GROWS, _D), jnp.float32),
        pltpu.SemaphoreType.DMA,
    ],
)


def _mlp_body(ax_ref, w1_ref, b1_ref, w2_ref, b2_ref, o_ref):
    h = jnp.maximum(
        jnp.dot(ax_ref[...], w1_ref[...],
                preferred_element_type=jnp.float32) + b1_ref[...], 0.0)
    o_ref[...] = jnp.dot(h, w2_ref[...],
                         preferred_element_type=jnp.float32) + b2_ref[...]


def _mlp(ax, w1, b1_row, w2, b2_row):
    return pl.pallas_call(
        _mlp_body,
        out_shape=jax.ShapeDtypeStruct((_KP, _D), jnp.float32),
    )(ax, w1, b1_row, w2, b2_row)


def _scatter_body(outa_hbm, idx_hbm, out_hbm, idx_v, rows_v, sem):
    wid = lax.axis_index("s") * 2 + lax.axis_index("c")
    base = wid * _GROWS
    pltpu.sync_copy(idx_hbm.at[pl.ds(base, _GROWS)], idx_v)
    pltpu.sync_copy(outa_hbm.at[pl.ds(base, _GROWS)], rows_v)
    pltpu.async_copy(rows_v, out_hbm.at[idx_v], sem).wait()


_scatter = pl.kernel(
    _scatter_body,
    out_type=(),
    mesh=plsc.VectorSubcoreMesh(core_axis_name="c", subcore_axis_name="s"),
    compiler_params=_SC_PARAMS,
    scratch_types=[
        pltpu.VMEM((_GROWS,), jnp.int32),
        pltpu.VMEM((_GROWS, _D), jnp.float32),
        pltpu.SemaphoreType.DMA,
    ],
)


def kernel(x, Wg, bg, W1, b1, W2, b2):
    g2, out0 = _gate(x, Wg.reshape(1, _D), bg)
    g = g2.reshape(_N)
    thr = _threshold(g).reshape(1024)
    idx, mask = _compact(g, thr)
    ax = _gather(x, idx)
    outa = _mlp(ax, W1, b1.reshape(1, _D), W2, b2.reshape(1, _D))
    oref = jax.new_ref(out0)
    _scatter(outa, idx, oref)
    return jax.freeze(oref), mask

# --- scband reference (transcript-rebuilt; emitter-appended) ---
"""Pipeline reference for scband-cortex-gpt-16801912062745 (READ-ONLY COPY).

The authoritative reference and input builder live on the scoring server;
editing this copy changes nothing except your own understanding.
"""

import jax, jax.numpy as jnp
import numpy as np

DIM = 512
N = 131072
SPARSITY = 0.01

def setup_inputs(seed: int = 0) -> dict:
    key = jax.random.key(seed)
    ks = jax.random.split(key, 7)
    s = 1.0 / np.sqrt(DIM)
    return {
        "x": jax.random.normal(ks[0], (N, DIM), dtype=jnp.float32),
        "Wg": jax.random.uniform(ks[1], (DIM, 1), jnp.float32, -s, s),
        "bg": jax.random.uniform(ks[2], (1,), jnp.float32, -s, s),
        "W1": jax.random.uniform(ks[3], (DIM, DIM), jnp.float32, -s, s),
        "b1": jax.random.uniform(ks[4], (DIM,), jnp.float32, -s, s),
        "W2": jax.random.uniform(ks[5], (DIM, DIM), jnp.float32, -s, s),
        "b2": jax.random.uniform(ks[6], (DIM,), jnp.float32, -s, s),
    }

def reference(x, Wg, bg, W1, b1, W2, b2):
    # gate_scores = self.gate(x).squeeze(-1)
    gate_scores = (x @ Wg + bg)[:, 0]
    batch_size = x.shape[0]
    k = max(1, int(batch_size * SPARSITY))
    # top-k selection of active rows
    top_k_values, top_k_indices = jax.lax.top_k(gate_scores, k)
    # mask.scatter_(0, top_k_indices, 1.0)
    mask = jnp.zeros_like(gate_scores).at[top_k_indices].set(1.0)
    # gather active rows (per-row transform, so gather by index is equivalent
    # to torch's boolean-mask gather up to row order)
    active_x = x[top_k_indices]
    h = jnp.maximum(active_x @ W1 + b1, 0.0)
    active_output = h @ W2 + b2
    # scatter transformed rows back into zero output buffer
    output = jnp.zeros_like(x).at[top_k_indices].set(active_output)
    return output, mask

if __name__ == "__main__":
    import jax
    _d = setup_inputs()
    print(jax.jit(kernel)(*tuple(_d.values())))

</pallas_src>

<mosaic_0001>
#map = affine_map<(d0, d1) -> (0)>
module attributes {stable_mosaic.version = 14 : i64} {
  func.func @_compact_body(%arg0: i32, %arg1: i32, %arg2: memref<131072xf32, #tpu.memory_space<hbm>>, %arg3: memref<1024xi32, #tpu.memory_space<hbm>>, %arg4: memref<1536xi32, #tpu.memory_space<hbm>>, %arg5: memref<131072xf32, #tpu.memory_space<hbm>>, %arg6: memref<8192xf32, #tpu.memory_space<vmem>>, %arg7: memref<8192xf32, #tpu.memory_space<vmem>>, %arg8: memref<16xi32, #tpu.memory_space<vmem>>, %arg9: memref<16xi32, #tpu.memory_space<vmem>>, %arg10: memref<16xi32, #tpu.memory_space<vmem>>, %arg11: memref<2x16x16xi32, #tpu.memory_space<vmem>>, %arg12: memref<2048xi32, #tpu.memory_space<vmem>>, %arg13: memref<16x128xi32, #tpu.memory_space<vmem>>, %arg14: memref<128xi32, #tpu.memory_space<vmem>>, %arg15: memref<16xi32, #tpu.memory_space<vmem>>, %arg16: memref<2x16x16xi32, #tpu.memory_space<vmem_shared>>, %arg17: memref<16x2048xi32, #tpu.memory_space<vmem_shared>>, %arg18: memref<16xi32, #tpu.memory_space<vmem_shared>>) attributes {dimension_semantics = [#tpu.dimension_semantics<core_parallel>, #tpu.dimension_semantics<subcore_parallel>], iteration_bounds = array<i64: 1, 16>, scalar_prefetch = 0 : i64, scratch_operands = 13 : i64, tpu.core_type = #tpu.core_type<sc_vector_subcore>, window_params = [{transform_indices = #map}, {transform_indices = #map}, {transform_indices = #map}, {transform_indices = #map}]} {
    %mul3A = arith.constant 8192 : i32
    %mul3A_0 = arith.muli %arg1, %mul3A : i32
    %iota3A = tpu.iota {dimensions = array<i32: 0>} : vector<16xi32>
    %broadcast_in_dim3A = arith.constant 0 : i32
    %broadcast_in_dim3A_1 = vector.broadcast %broadcast_in_dim3A : i32 to vector<16xi32>
    "tpu.region"() ({
      %run_scoped3A_999 = tpu.sem_alloc : memref<!tpu.dma_semaphore, #tpu.memory_space<semaphore_mem>>
      %dma_start3A = tpu.memref_slice %arg2[%mul3A_0] : memref<131072xf32, #tpu.memory_space<hbm>> -> memref<8192xf32, #tpu.memory_space<hbm>>
      %dma_start3A_1000 = tpu.memref_slice %arg2[%mul3A_0] : memref<131072xf32, #tpu.memory_space<hbm>> -> memref<8192xf32, #tpu.memory_space<hbm>>
      tpu.enqueue_dma source(%dma_start3A_1000 : memref<8192xf32, #tpu.memory_space<hbm>>) target(%arg6 : memref<8192xf32, #tpu.memory_space<vmem>>) target_semaphore(%run_scoped3A_999 : memref<!tpu.dma_semaphore, #tpu.memory_space<semaphore_mem>>)
      %dma_wait3A = tpu.memref_slice %arg2[%mul3A_0] : memref<131072xf32, #tpu.memory_space<hbm>> -> memref<8192xf32, #tpu.memory_space<hbm>>
      %dma_wait3A_1001 = tpu.memref_slice %arg2[%mul3A_0] : memref<131072xf32, #tpu.memory_space<hbm>> -> memref<8192xf32, #tpu.memory_space<hbm>>
      tpu.wait_dma2 semaphore(%run_scoped3A_999 : memref<!tpu.dma_semaphore, #tpu.memory_space<semaphore_mem>>) src(%dma_wait3A_1001 : memref<8192xf32, #tpu.memory_space<hbm>>) dst(%arg6 : memref<8192xf32, #tpu.memory_space<vmem>>)
      tpu.yield
    }) : () -> ()
    "tpu.region"() ({
      %run_scoped3A_999 = tpu.sem_alloc : memref<!tpu.dma_semaphore, #tpu.memory_space<semaphore_mem>>
      %dma_start3A = arith.constant 0 : i32
      %dma_start3A_1000 = tpu.memref_slice %arg3[%dma_start3A] : memref<1024xi32, #tpu.memory_space<hbm>> -> memref<16xi32, #tpu.memory_space<hbm>>
      %dma_start3A_1001 = arith.constant 0 : i32
      %dma_start3A_1002 = tpu.memref_slice %arg3[%dma_start3A_1001] : memref<1024xi32, #tpu.memory_space<hbm>> -> memref<16xi32, #tpu.memory_space<hbm>>
      tpu.enqueue_dma source(%dma_start3A_1002 : memref<16xi32, #tpu.memory_space<hbm>>) target(%arg8 : memref<16xi32, #tpu.memory_space<vmem>>) target_semaphore(%run_scoped3A_999 : memref<!tpu.dma_semaphore, #tpu.memory_space<semaphore_mem>>)
      %dma_wait3A = arith.constant 0 : i32
      %dma_wait3A_1003 = tpu.memref_slice %arg3[%dma_wait3A] : memref<1024xi32, #tpu.memory_space<hbm>> -> memref<16xi32, #tpu.memory_space<hbm>>
      %dma_wait3A_1004 = arith.constant 0 : i32
      %dma_wait3A_1005 = tpu.memref_slice %arg3[%dma_wait3A_1004] : memref<1024xi32, #tpu.memory_space<hbm>> -> memref<16xi32, #tpu.memory_space<hbm>>
      tpu.wait_dma2 semaphore(%run_scoped3A_999 : memref<!tpu.dma_semaphore, #tpu.memory_space<semaphore_mem>>) src(%dma_wait3A_1005 : memref<16xi32, #tpu.memory_space<hbm>>) dst(%arg8 : memref<16xi32, #tpu.memory_space<vmem>>)
      tpu.yield
    }) : () -> ()
    "tpu.region"() ({
      %run_scoped3A_999 = tpu.sem_alloc : memref<!tpu.dma_semaphore, #tpu.memory_space<semaphore_mem>>
      %dma_start3A = arith.constant 256 : i32
      %dma_start3A_1000 = tpu.memref_slice %arg3[%dma_start3A] : memref<1024xi32, #tpu.memory_space<hbm>> -> memref<16xi32, #tpu.memory_space<hbm>>
      %dma_start3A_1001 = arith.constant 256 : i32
      %dma_start3A_1002 = tpu.memref_slice %arg3[%dma_start3A_1001] : memref<1024xi32, #tpu.memory_space<hbm>> -> memref<16xi32, #tpu.memory_space<hbm>>
      tpu.enqueue_dma source(%dma_start3A_1002 : memref<16xi32, #tpu.memory_space<hbm>>) target(%arg9 : memref<16xi32, #tpu.memory_space<vmem>>) target_semaphore(%run_scoped3A_999 : memref<!tpu.dma_semaphore, #tpu.memory_space<semaphore_mem>>)
      %dma_wait3A = arith.constant 256 : i32
      %dma_wait3A_1003 = tpu.memref_slice %arg3[%dma_wait3A] : memref<1024xi32, #tpu.memory_space<hbm>> -> memref<16xi32, #tpu.memory_space<hbm>>
      %dma_wait3A_1004 = arith.constant 256 : i32
      %dma_wait3A_1005 = tpu.memref_slice %arg3[%dma_wait3A_1004] : memref<1024xi32, #tpu.memory_space<hbm>> -> memref<16xi32, #tpu.memory_space<hbm>>
      tpu.wait_dma2 semaphore(%run_scoped3A_999 : memref<!tpu.dma_semaphore, #tpu.memory_space<semaphore_mem>>) src(%dma_wait3A_1005 : memref<16xi32, #tpu.memory_space<hbm>>) dst(%arg9 : memref<16xi32, #tpu.memory_space<vmem>>)
      tpu.yield
    }) : () -> ()
    %get3A = arith.constant 0 : index
    %get3A_2 = tpu.vector_load %arg8[%get3A] {strides = array<i32>} : memref<16xi32, #tpu.memory_space<vmem>>, vector<16xi32>,
    %get3A_3 = arith.constant 0 : index
    %get3A_4 = tpu.vector_load %arg9[%get3A_3] {strides = array<i32>} : memref<16xi32, #tpu.memory_space<vmem>>, vector<16xi32>,
    %scan3A = arith.constant 0 : i32
    %scan3A_5 = arith.constant 0 : i32
    %scan3A_6 = arith.constant 128 : i32
    %scan3A_7 = arith.addi %scan3A_5, %scan3A_6 : i32
    %scan3A_8 = arith.constant 1 : i32
    %scan3A_9 = scf.for %scan3A_999 = %scan3A_5 to %scan3A_7 step %scan3A_8 iter_args(%scan3A_1000 = %scan3A) -> (i32)  : i32 {
      %mul3A_1001 = arith.constant 16 : i32
      %mul3A_1002 = arith.muli %scan3A_999, %mul3A_1001 : i32
      %multiple_of3A = tpu.assume_multiple %mul3A_1002, 16 : i32
      %swap3A_1003 = arith.index_cast %multiple_of3A : i32 to index
      %swap3A_1004 = tpu.vector_load %arg12[%swap3A_1003] {strides = array<i32>} : memref<2048xi32, #tpu.memory_space<vmem>>, vector<16xi32>,
      tpu.vector_store %arg12[%swap3A_1003], %broadcast_in_dim3A_1 {strides = array<i32>} : memref<2048xi32, #tpu.memory_space<vmem>>, vector<16xi32>,
      %scan3A_1005 = arith.constant 0 : i32
      scf.yield %scan3A_1005 : i32
    }
    %scan3A_10 = arith.constant 128 : i32
    %scan3A_11 = arith.constant 0 : i32
    %scan3A_12 = arith.constant 512 : i32
    %scan3A_13 = arith.addi %scan3A_11, %scan3A_12 : i32
    %scan3A_14 = arith.constant 1 : i32
    %scan3A_15:2 = scf.for %scan3A_999 = %scan3A_11 to %scan3A_13 step %scan3A_14 iter_args(%scan3A_1000 = %broadcast_in_dim3A_1, %scan3A_1001 = %broadcast_in_dim3A_1) -> (vector<16xi32>, vector<16xi32>)  : i32 {
      %mul3A_1002 = arith.constant 16 : i32
      %mul3A_1003 = arith.muli %scan3A_999, %mul3A_1002 : i32
      %multiple_of3A = tpu.assume_multiple %mul3A_1003, 16 : i32
      %get3A_1004 = arith.index_cast %multiple_of3A : i32 to index
      %get3A_1005 = tpu.vector_load %arg6[%get3A_1004] {strides = array<i32>} : memref<8192xf32, #tpu.memory_space<vmem>>, vector<16xf32>,
      %bitcast_convert_type3A = tpu.bitcast %get3A_1005 : vector<16xf32> -> vector<16xi32>
      %shift_right_arithmetic3A = arith.constant 31 : i32
      %shift_right_arithmetic3A_1006 = vector.broadcast %shift_right_arithmetic3A : i32 to vector<16xi32>
      %shift_right_arithmetic3A_1007 = arith.shrsi %bitcast_convert_type3A, %shift_right_arithmetic3A_1006 : vector<16xi32>
      %and3A = arith.constant 2147483647 : i32
      %and3A_1008 = vector.broadcast %and3A : i32 to vector<16xi32>
      %and3A_1009 = arith.andi %and3A_1008, %shift_right_arithmetic3A_1007 : vector<16xi32>
      %xor3A = arith.xori %bitcast_convert_type3A, %and3A_1009 : vector<16xi32>
      %gt3A = arith.cmpi sgt, %xor3A, %get3A_2 : vector<16xi32>
      %all_reduce_population_count3A = tpu.all_reduce %gt3A {dim = 0 : i64, kind = #tpu.reduction_kind<sum>} : vector<16xi1> -> vector<16xi32>
      %add3A_1010 = arith.addi %scan3A_1000, %all_reduce_population_count3A : vector<16xi32>
      %eq3A_1011 = arith.cmpi eq, %xor3A, %get3A_2 : vector<16xi32>
      %all_reduce_population_count3A_1012 = tpu.all_reduce %eq3A_1011 {dim = 0 : i64, kind = #tpu.reduction_kind<sum>} : vector<16xi1> -> vector<16xi32>
      %add3A_1013 = arith.addi %scan3A_1001, %all_reduce_population_count3A_1012 : vector<16xi32>
      scf.yield %add3A_1010, %add3A_1013 : vector<16xi32>, vector<16xi32>
    }
    %scan3A_16 = arith.constant 512 : i32
    %swap3A = arith.constant 0 : index
    %swap3A_17 = tpu.vector_load %arg10[%swap3A] {strides = array<i32>} : memref<16xi32, #tpu.memory_space<vmem>>, vector<16xi32>,
    tpu.vector_store %arg10[%swap3A], %scan3A_15#0 {strides = array<i32>} : memref<16xi32, #tpu.memory_space<vmem>>, vector<16xi32>,
    %run_scoped3A = arith.constant 0 : i32
    "tpu.region"() ({
      %run_scoped3A_999 = tpu.sem_alloc : memref<!tpu.dma_semaphore, #tpu.memory_space<semaphore_mem>>
      %dma_start3A = arith.constant 0 : i32
      %dma_start3A_1000 = tpu.memref_slice %arg16[%run_scoped3A, %arg1, %dma_start3A] : memref<2x16x16xi32, #tpu.memory_space<vmem_shared>> -> memref<1x1x16xi32, #tpu.memory_space<vmem_shared>>
      %dma_start3A_1001 = tpu.memref_squeeze %dma_start3A_1000 : memref<1x1x16xi32, #tpu.memory_space<vmem_shared>> -> memref<16xi32, #tpu.memory_space<vmem_shared>>
      %dma_start3A_1002 = arith.constant 0 : i32
      %dma_start3A_1003 = tpu.memref_slice %arg16[%run_scoped3A, %arg1, %dma_start3A_1002] : memref<2x16x16xi32, #tpu.memory_space<vmem_shared>> -> memref<1x1x16xi32, #tpu.memory_space<vmem_shared>>
      %dma_start3A_1004 = tpu.memref_squeeze %dma_start3A_1003 : memref<1x1x16xi32, #tpu.memory_space<vmem_shared>> -> memref<16xi32, #tpu.memory_space<vmem_shared>>
      tpu.enqueue_dma source(%arg10 : memref<16xi32, #tpu.memory_space<vmem>>) target(%dma_start3A_1004 : memref<16xi32, #tpu.memory_space<vmem_shared>>) target_semaphore(%run_scoped3A_999 : memref<!tpu.dma_semaphore, #tpu.memory_space<semaphore_mem>>)
      %dma_wait3A = arith.constant 0 : i32
      %dma_wait3A_1005 = tpu.memref_slice %arg16[%run_scoped3A, %arg1, %dma_wait3A] : memref<2x16x16xi32, #tpu.memory_space<vmem_shared>> -> memref<1x1x16xi32, #tpu.memory_space<vmem_shared>>
      %dma_wait3A_1006 = tpu.memref_squeeze %dma_wait3A_1005 : memref<1x1x16xi32, #tpu.memory_space<vmem_shared>> -> memref<16xi32, #tpu.memory_space<vmem_shared>>
      %dma_wait3A_1007 = arith.constant 0 : i32
      %dma_wait3A_1008 = tpu.memref_slice %arg16[%run_scoped3A, %arg1, %dma_wait3A_1007] : memref<2x16x16xi32, #tpu.memory_space<vmem_shared>> -> memref<1x1x16xi32, #tpu.memory_space<vmem_shared>>
      %dma_wait3A_1009 = tpu.memref_squeeze %dma_wait3A_1008 : memref<1x1x16xi32, #tpu.memory_space<vmem_shared>> -> memref<16xi32, #tpu.memory_space<vmem_shared>>
      tpu.wait_dma2 semaphore(%run_scoped3A_999 : memref<!tpu.dma_semaphore, #tpu.memory_space<semaphore_mem>>) src(%arg10 : memref<16xi32, #tpu.memory_space<vmem>>) dst(%dma_wait3A_1009 : memref<16xi32, #tpu.memory_space<vmem_shared>>)
      tpu.yield
    }) : () -> ()
    %swap3A_18 = arith.constant 0 : index
    %swap3A_19 = tpu.vector_load %arg10[%swap3A_18] {strides = array<i32>} : memref<16xi32, #tpu.memory_space<vmem>>, vector<16xi32>,
    tpu.vector_store %arg10[%swap3A_18], %scan3A_15#1 {strides = array<i32>} : memref<16xi32, #tpu.memory_space<vmem>>, vector<16xi32>,
    %run_scoped3A_20 = arith.constant 1 : i32
    "tpu.region"() ({
      %run_scoped3A_999 = tpu.sem_alloc : memref<!tpu.dma_semaphore, #tpu.memory_space<semaphore_mem>>
      %dma_start3A = arith.constant 0 : i32
      %dma_start3A_1000 = tpu.memref_slice %arg16[%run_scoped3A_20, %arg1, %dma_start3A] : memref<2x16x16xi32, #tpu.memory_space<vmem_shared>> -> memref<1x1x16xi32, #tpu.memory_space<vmem_shared>>
      %dma_start3A_1001 = tpu.memref_squeeze %dma_start3A_1000 : memref<1x1x16xi32, #tpu.memory_space<vmem_shared>> -> memref<16xi32, #tpu.memory_space<vmem_shared>>
      %dma_start3A_1002 = arith.constant 0 : i32
      %dma_start3A_1003 = tpu.memref_slice %arg16[%run_scoped3A_20, %arg1, %dma_start3A_1002] : memref<2x16x16xi32, #tpu.memory_space<vmem_shared>> -> memref<1x1x16xi32, #tpu.memory_space<vmem_shared>>
      %dma_start3A_1004 = tpu.memref_squeeze %dma_start3A_1003 : memref<1x1x16xi32, #tpu.memory_space<vmem_shared>> -> memref<16xi32, #tpu.memory_space<vmem_shared>>
      tpu.enqueue_dma source(%arg10 : memref<16xi32, #tpu.memory_space<vmem>>) target(%dma_start3A_1004 : memref<16xi32, #tpu.memory_space<vmem_shared>>) target_semaphore(%run_scoped3A_999 : memref<!tpu.dma_semaphore, #tpu.memory_space<semaphore_mem>>)
      %dma_wait3A = arith.constant 0 : i32
      %dma_wait3A_1005 = tpu.memref_slice %arg16[%run_scoped3A_20, %arg1, %dma_wait3A] : memref<2x16x16xi32, #tpu.memory_space<vmem_shared>> -> memref<1x1x16xi32, #tpu.memory_space<vmem_shared>>
      %dma_wait3A_1006 = tpu.memref_squeeze %dma_wait3A_1005 : memref<1x1x16xi32, #tpu.memory_space<vmem_shared>> -> memref<16xi32, #tpu.memory_space<vmem_shared>>
      %dma_wait3A_1007 = arith.constant 0 : i32
      %dma_wait3A_1008 = tpu.memref_slice %arg16[%run_scoped3A_20, %arg1, %dma_wait3A_1007] : memref<2x16x16xi32, #tpu.memory_space<vmem_shared>> -> memref<1x1x16xi32, #tpu.memory_space<vmem_shared>>
      %dma_wait3A_1009 = tpu.memref_squeeze %dma_wait3A_1008 : memref<1x1x16xi32, #tpu.memory_space<vmem_shared>> -> memref<16xi32, #tpu.memory_space<vmem_shared>>
      tpu.wait_dma2 semaphore(%run_scoped3A_999 : memref<!tpu.dma_semaphore, #tpu.memory_space<semaphore_mem>>) src(%arg10 : memref<16xi32, #tpu.memory_space<vmem>>) dst(%dma_wait3A_1009 : memref<16xi32, #tpu.memory_space<vmem_shared>>)
      tpu.yield
    }) : () -> ()
    %barrier3A = arith.constant 0 : index
    tpu.barrier barrier_id(%barrier3A)
    "tpu.region"() ({
      %run_scoped3A_999 = tpu.sem_alloc : memref<!tpu.dma_semaphore, #tpu.memory_space<semaphore_mem>>
      tpu.enqueue_dma source(%arg16 : memref<2x16x16xi32, #tpu.memory_space<vmem_shared>>) target(%arg11 : memref<2x16x16xi32, #tpu.memory_space<vmem>>) target_semaphore(%run_scoped3A_999 : memref<!tpu.dma_semaphore, #tpu.memory_space<semaphore_mem>>)
      tpu.wait_dma2 semaphore(%run_scoped3A_999 : memref<!tpu.dma_semaphore, #tpu.memory_space<semaphore_mem>>) src(%arg16 : memref<2x16x16xi32, #tpu.memory_space<vmem_shared>>) dst(%arg11 : memref<2x16x16xi32, #tpu.memory_space<vmem>>)
      tpu.yield
    }) : () -> ()
    %get3A_21 = arith.constant 0 : i32
    %get3A_22 = arith.constant 0 : i32
    %get3A_23 = arith.index_cast %get3A_21 : i32 to index
    %get3A_24 = arith.index_cast %get3A_22 : i32 to index
    %get3A_25 = arith.constant 0 : index
    %get3A_26 = tpu.vector_load %arg11[%get3A_23, %get3A_24, %get3A_25] {strides = array<i32>} : memref<2x16x16xi32, #tpu.memory_space<vmem>>, vector<16xi32>,
    %get3A_27 = arith.constant 1 : i32
    %get3A_28 = arith.constant 0 : i32
    %get3A_29 = arith.index_cast %get3A_27 : i32 to index
    %get3A_30 = arith.index_cast %get3A_28 : i32 to index
    %get3A_31 = arith.constant 0 : index
    %get3A_32 = tpu.vector_load %arg11[%get3A_29, %get3A_30, %get3A_31] {strides = array<i32>} : memref<2x16x16xi32, #tpu.memory_space<vmem>>, vector<16xi32>,
    %lt3A = arith.constant 0 : i32
    %lt3A_33 = arith.cmpi slt, %lt3A, %arg1 : i32
    %select_n3A = arith.select %lt3A_33, %get3A_26, %broadcast_in_dim3A_1 : vector<16xi32>
    %add3A = arith.addi %broadcast_in_dim3A_1, %select_n3A : vector<16xi32>
    %select_n3A_34 = arith.select %lt3A_33, %get3A_32, %broadcast_in_dim3A_1 : vector<16xi32>
    %add3A_35 = arith.addi %broadcast_in_dim3A_1, %select_n3A_34 : vector<16xi32>
    %add3A_36 = arith.addi %broadcast_in_dim3A_1, %get3A_26 : vector<16xi32>
    %get3A_37 = arith.constant 0 : i32
    %get3A_38 = arith.constant 1 : i32
    %get3A_39 = arith.index_cast %get3A_37 : i32 to index
    %get3A_40 = arith.index_cast %get3A_38 : i32 to index
    %get3A_41 = arith.constant 0 : index
    %get3A_42 = tpu.vector_load %arg11[%get3A_39, %get3A_40, %get3A_41] {strides = array<i32>} : memref<2x16x16xi32, #tpu.memory_space<vmem>>, vector<16xi32>,
    %get3A_43 = arith.constant 1 : i32
    %get3A_44 = arith.constant 1 : i32
    %get3A_45 = arith.index_cast %get3A_43 : i32 to index
    %get3A_46 = arith.index_cast %get3A_44 : i32 to index
    %get3A_47 = arith.constant 0 : index
    %get3A_48 = tpu.vector_load %arg11[%get3A_45, %get3A_46, %get3A_47] {strides = array<i32>} : memref<2x16x16xi32, #tpu.memory_space<vmem>>, vector<16xi32>,
    %lt3A_49 = arith.constant 1 : i32
    %lt3A_50 = arith.cmpi slt, %lt3A_49, %arg1 : i32
    %select_n3A_51 = arith.select %lt3A_50, %get3A_42, %broadcast_in_dim3A_1 : vector<16xi32>
    %add3A_52 = arith.addi %add3A, %select_n3A_51 : vector<16xi32>
    %select_n3A_53 = arith.select %lt3A_50, %get3A_48, %broadcast_in_dim3A_1 : vector<16xi32>
    %add3A_54 = arith.addi %add3A_35, %select_n3A_53 : vector<16xi32>
    %add3A_55 = arith.addi %add3A_36, %get3A_42 : vector<16xi32>
    %get3A_56 = arith.constant 0 : i32
    %get3A_57 = arith.constant 2 : i32
    %get3A_58 = arith.index_cast %get3A_56 : i32 to index
    %get3A_59 = arith.index_cast %get3A_57 : i32 to index
    %get3A_60 = arith.constant 0 : index
    %get3A_61 = tpu.vector_load %arg11[%get3A_58, %get3A_59, %get3A_60] {strides = array<i32>} : memref<2x16x16xi32, #tpu.memory_space<vmem>>, vector<16xi32>,
    %get3A_62 = arith.constant 1 : i32
    %get3A_63 = arith.constant 2 : i32
    %get3A_64 = arith.index_cast %get3A_62 : i32 to index
    %get3A_65 = arith.index_cast %get3A_63 : i32 to index
    %get3A_66 = arith.constant 0 : index
    %get3A_67 = tpu.vector_load %arg11[%get3A_64, %get3A_65, %get3A_66] {strides = array<i32>} : memref<2x16x16xi32, #tpu.memory_space<vmem>>, vector<16xi32>,
    %lt3A_68 = arith.constant 2 : i32
    %lt3A_69 = arith.cmpi slt, %lt3A_68, %arg1 : i32
    %select_n3A_70 = arith.select %lt3A_69, %get3A_61, %broadcast_in_dim3A_1 : vector<16xi32>
    %add3A_71 = arith.addi %add3A_52, %select_n3A_70 : vector<16xi32>
    %select_n3A_72 = arith.select %lt3A_69, %get3A_67, %broadcast_in_dim3A_1 : vector<16xi32>
    %add3A_73 = arith.addi %add3A_54, %select_n3A_72 : vector<16xi32>
    %add3A_74 = arith.addi %add3A_55, %get3A_61 : vector<16xi32>
    %get3A_75 = arith.constant 0 : i32
    %get3A_76 = arith.constant 3 : i32
    %get3A_77 = arith.index_cast %get3A_75 : i32 to index
    %get3A_78 = arith.index_cast %get3A_76 : i32 to index
    %get3A_79 = arith.constant 0 : index
    %get3A_80 = tpu.vector_load %arg11[%get3A_77, %get3A_78, %get3A_79] {strides = array<i32>} : memref<2x16x16xi32, #tpu.memory_space<vmem>>, vector<16xi32>,
    %get3A_81 = arith.constant 1 : i32
    %get3A_82 = arith.constant 3 : i32
    %get3A_83 = arith.index_cast %get3A_81 : i32 to index
    %get3A_84 = arith.index_cast %get3A_82 : i32 to index
    %get3A_85 = arith.constant 0 : index
    %get3A_86 = tpu.vector_load %arg11[%get3A_83, %get3A_84, %get3A_85] {strides = array<i32>} : memref<2x16x16xi32, #tpu.memory_space<vmem>>, vector<16xi32>,
    %lt3A_87 = arith.constant 3 : i32
    %lt3A_88 = arith.cmpi slt, %lt3A_87, %arg1 : i32
    %select_n3A_89 = arith.select %lt3A_88, %get3A_80, %broadcast_in_dim3A_1 : vector<16xi32>
    %add3A_90 = arith.addi %add3A_71, %select_n3A_89 : vector<16xi32>
    %select_n3A_91 = arith.select %lt3A_88, %get3A_86, %broadcast_in_dim3A_1 : vector<16xi32>
    %add3A_92 = arith.addi %add3A_73, %select_n3A_91 : vector<16xi32>
    %add3A_93 = arith.addi %add3A_74, %get3A_80 : vector<16xi32>
    %get3A_94 = arith.constant 0 : i32
    %get3A_95 = arith.constant 4 : i32
    %get3A_96 = arith.index_cast %get3A_94 : i32 to index
    %get3A_97 = arith.index_cast %get3A_95 : i32 to index
    %get3A_98 = arith.constant 0 : index
    %get3A_99 = tpu.vector_load %arg11[%get3A_96, %get3A_97, %get3A_98] {strides = array<i32>} : memref<2x16x16xi32, #tpu.memory_space<vmem>>, vector<16xi32>,
    %get3A_100 = arith.constant 1 : i32
    %get3A_101 = arith.constant 4 : i32
    %get3A_102 = arith.index_cast %get3A_100 : i32 to index
    %get3A_103 = arith.index_cast %get3A_101 : i32 to index
    %get3A_104 = arith.constant 0 : index
    %get3A_105 = tpu.vector_load %arg11[%get3A_102, %get3A_103, %get3A_104] {strides = array<i32>} : memref<2x16x16xi32, #tpu.memory_space<vmem>>, vector<16xi32>,
    %lt3A_106 = arith.constant 4 : i32
    %lt3A_107 = arith.cmpi slt, %lt3A_106, %arg1 : i32
    %select_n3A_108 = arith.select %lt3A_107, %get3A_99, %broadcast_in_dim3A_1 : vector<16xi32>
    %add3A_109 = arith.addi %add3A_90, %select_n3A_108 : vector<16xi32>
    %select_n3A_110 = arith.select %lt3A_107, %get3A_105, %broadcast_in_dim3A_1 : vector<16xi32>
    %add3A_111 = arith.addi %add3A_92, %select_n3A_110 : vector<16xi32>
    %add3A_112 = arith.addi %add3A_93, %get3A_99 : vector<16xi32>
    %get3A_113 = arith.constant 0 : i32
    %get3A_114 = arith.constant 5 : i32
    %get3A_115 = arith.index_cast %get3A_113 : i32 to index
    %get3A_116 = arith.index_cast %get3A_114 : i32 to index
    %get3A_117 = arith.constant 0 : index
    %get3A_118 = tpu.vector_load %arg11[%get3A_115, %get3A_116, %get3A_117] {strides = array<i32>} : memref<2x16x16xi32, #tpu.memory_space<vmem>>, vector<16xi32>,
    %get3A_119 = arith.constant 1 : i32
    %get3A_120 = arith.constant 5 : i32
    %get3A_121 = arith.index_cast %get3A_119 : i32 to index
    %get3A_122 = arith.index_cast %get3A_120 : i32 to index
    %get3A_123 = arith.constant 0 : index
    %get3A_124 = tpu.vector_load %arg11[%get3A_121, %get3A_122, %get3A_123] {strides = array<i32>} : memref<2x16x16xi32, #tpu.memory_space<vmem>>, vector<16xi32>,
    %lt3A_125 = arith.constant 5 : i32
    %lt3A_126 = arith.cmpi slt, %lt3A_125, %arg1 : i32
    %select_n3A_127 = arith.select %lt3A_126, %get3A_118, %broadcast_in_dim3A_1 : vector<16xi32>
    %add3A_128 = arith.addi %add3A_109, %select_n3A_127 : vector<16xi32>
    %select_n3A_129 = arith.select %lt3A_126, %get3A_124, %broadcast_in_dim3A_1 : vector<16xi32>
    %add3A_130 = arith.addi %add3A_111, %select_n3A_129 : vector<16xi32>
    %add3A_131 = arith.addi %add3A_112, %get3A_118 : vector<16xi32>
    %get3A_132 = arith.constant 0 : i32
    %get3A_133 = arith.constant 6 : i32
    %get3A_134 = arith.index_cast %get3A_132 : i32 to index
    %get3A_135 = arith.index_cast %get3A_133 : i32 to index
    %get3A_136 = arith.constant 0 : index
    %get3A_137 = tpu.vector_load %arg11[%get3A_134, %get3A_135, %get3A_136] {strides = array<i32>} : memref<2x16x16xi32, #tpu.memory_space<vmem>>, vector<16xi32>,
    %get3A_138 = arith.constant 1 : i32
    %get3A_139 = arith.constant 6 : i32
    %get3A_140 = arith.index_cast %get3A_138 : i32 to index
    %get3A_141 = arith.index_cast %get3A_139 : i32 to index
    %get3A_142 = arith.constant 0 : index
    %get3A_143 = tpu.vector_load %arg11[%get3A_140, %get3A_141, %get3A_142] {strides = array<i32>} : memref<2x16x16xi32, #tpu.memory_space<vmem>>, vector<16xi32>,
    %lt3A_144 = arith.constant 6 : i32
    %lt3A_145 = arith.cmpi slt, %lt3A_144, %arg1 : i32
    %select_n3A_146 = arith.select %lt3A_145, %get3A_137, %broadcast_in_dim3A_1 : vector<16xi32>
    %add3A_147 = arith.addi %add3A_128, %select_n3A_146 : vector<16xi32>
    %select_n3A_148 = arith.select %lt3A_145, %get3A_143, %broadcast_in_dim3A_1 : vector<16xi32>
    %add3A_149 = arith.addi %add3A_130, %select_n3A_148 : vector<16xi32>
    %add3A_150 = arith.addi %add3A_131, %get3A_137 : vector<16xi32>
    %get3A_151 = arith.constant 0 : i32
    %get3A_152 = arith.constant 7 : i32
    %get3A_153 = arith.index_cast %get3A_151 : i32 to index
    %get3A_154 = arith.index_cast %get3A_152 : i32 to index
    %get3A_155 = arith.constant 0 : index
    %get3A_156 = tpu.vector_load %arg11[%get3A_153, %get3A_154, %get3A_155] {strides = array<i32>} : memref<2x16x16xi32, #tpu.memory_space<vmem>>, vector<16xi32>,
    %get3A_157 = arith.constant 1 : i32
    %get3A_158 = arith.constant 7 : i32
    %get3A_159 = arith.index_cast %get3A_157 : i32 to index
    %get3A_160 = arith.index_cast %get3A_158 : i32 to index
    %get3A_161 = arith.constant 0 : index
    %get3A_162 = tpu.vector_load %arg11[%get3A_159, %get3A_160, %get3A_161] {strides = array<i32>} : memref<2x16x16xi32, #tpu.memory_space<vmem>>, vector<16xi32>,
    %lt3A_163 = arith.constant 7 : i32
    %lt3A_164 = arith.cmpi slt, %lt3A_163, %arg1 : i32
    %select_n3A_165 = arith.select %lt3A_164, %get3A_156, %broadcast_in_dim3A_1 : vector<16xi32>
    %add3A_166 = arith.addi %add3A_147, %select_n3A_165 : vector<16xi32>
    %select_n3A_167 = arith.select %lt3A_164, %get3A_162, %broadcast_in_dim3A_1 : vector<16xi32>
    %add3A_168 = arith.addi %add3A_149, %select_n3A_167 : vector<16xi32>
    %add3A_169 = arith.addi %add3A_150, %get3A_156 : vector<16xi32>
    %get3A_170 = arith.constant 0 : i32
    %get3A_171 = arith.constant 8 : i32
    %get3A_172 = arith.index_cast %get3A_170 : i32 to index
    %get3A_173 = arith.index_cast %get3A_171 : i32 to index
    %get3A_174 = arith.constant 0 : index
    %get3A_175 = tpu.vector_load %arg11[%get3A_172, %get3A_173, %get3A_174] {strides = array<i32>} : memref<2x16x16xi32, #tpu.memory_space<vmem>>, vector<16xi32>,
    %get3A_176 = arith.constant 1 : i32
    %get3A_177 = arith.constant 8 : i32
    %get3A_178 = arith.index_cast %get3A_176 : i32 to index
    %get3A_179 = arith.index_cast %get3A_177 : i32 to index
    %get3A_180 = arith.constant 0 : index
    %get3A_181 = tpu.vector_load %arg11[%get3A_178, %get3A_179, %get3A_180] {strides = array<i32>} : memref<2x16x16xi32, #tpu.memory_space<vmem>>, vector<16xi32>,
    %lt3A_182 = arith.constant 8 : i32
    %lt3A_183 = arith.cmpi slt, %lt3A_182, %arg1 : i32
    %select_n3A_184 = arith.select %lt3A_183, %get3A_175, %broadcast_in_dim3A_1 : vector<16xi32>
    %add3A_185 = arith.addi %add3A_166, %select_n3A_184 : vector<16xi32>
    %select_n3A_186 = arith.select %lt3A_183, %get3A_181, %broadcast_in_dim3A_1 : vector<16xi32>
    %add3A_187 = arith.addi %add3A_168, %select_n3A_186 : vector<16xi32>
    %add3A_188 = arith.addi %add3A_169, %get3A_175 : vector<16xi32>
    %get3A_189 = arith.constant 0 : i32
    %get3A_190 = arith.constant 9 : i32
    %get3A_191 = arith.index_cast %get3A_189 : i32 to index
    %get3A_192 = arith.index_cast %get3A_190 : i32 to index
    %get3A_193 = arith.constant 0 : index
    %get3A_194 = tpu.vector_load %arg11[%get3A_191, %get3A_192, %get3A_193] {strides = array<i32>} : memref<2x16x16xi32, #tpu.memory_space<vmem>>, vector<16xi32>,
    %get3A_195 = arith.constant 1 : i32
    %get3A_196 = arith.constant 9 : i32
    %get3A_197 = arith.index_cast %get3A_195 : i32 to index
    %get3A_198 = arith.index_cast %get3A_196 : i32 to index
    %get3A_199 = arith.constant 0 : index
    %get3A_200 = tpu.vector_load %arg11[%get3A_197, %get3A_198, %get3A_199] {strides = array<i32>} : memref<2x16x16xi32, #tpu.memory_space<vmem>>, vector<16xi32>,
    %lt3A_201 = arith.constant 9 : i32
    %lt3A_202 = arith.cmpi slt, %lt3A_201, %arg1 : i32
    %select_n3A_203 = arith.select %lt3A_202, %get3A_194, %broadcast_in_dim3A_1 : vector<16xi32>
    %add3A_204 = arith.addi %add3A_185, %select_n3A_203 : vector<16xi32>
    %select_n3A_205 = arith.select %lt3A_202, %get3A_200, %broadcast_in_dim3A_1 : vector<16xi32>
    %add3A_206 = arith.addi %add3A_187, %select_n3A_205 : vector<16xi32>
    %add3A_207 = arith.addi %add3A_188, %get3A_194 : vector<16xi32>
    %get3A_208 = arith.constant 0 : i32
    %get3A_209 = arith.constant 10 : i32
    %get3A_210 = arith.index_cast %get3A_208 : i32 to index
    %get3A_211 = arith.index_cast %get3A_209 : i32 to index
    %get3A_212 = arith.constant 0 : index
    %get3A_213 = tpu.vector_load %arg11[%get3A_210, %get3A_211, %get3A_212] {strides = array<i32>} : memref<2x16x16xi32, #tpu.memory_space<vmem>>, vector<16xi32>,
    %get3A_214 = arith.constant 1 : i32
    %get3A_215 = arith.constant 10 : i32
    %get3A_216 = arith.index_cast %get3A_214 : i32 to index
    %get3A_217 = arith.index_cast %get3A_215 : i32 to index
    %get3A_218 = arith.constant 0 : index
    %get3A_219 = tpu.vector_load %arg11[%get3A_216, %get3A_217, %get3A_218] {strides = array<i32>} : memref<2x16x16xi32, #tpu.memory_space<vmem>>, vector<16xi32>,
    %lt3A_220 = arith.constant 10 : i32
    %lt3A_221 = arith.cmpi slt, %lt3A_220, %arg1 : i32
    %select_n3A_222 = arith.select %lt3A_221, %get3A_213, %broadcast_in_dim3A_1 : vector<16xi32>
    %add3A_223 = arith.addi %add3A_204, %select_n3A_222 : vector<16xi32>
    %select_n3A_224 = arith.select %lt3A_221, %get3A_219, %broadcast_in_dim3A_1 : vector<16xi32>
    %add3A_225 = arith.addi %add3A_206, %select_n3A_224 : vector<16xi32>
    %add3A_226 = arith.addi %add3A_207, %get3A_213 : vector<16xi32>
    %get3A_227 = arith.constant 0 : i32
    %get3A_228 = arith.constant 11 : i32
    %get3A_229 = arith.index_cast %get3A_227 : i32 to index
    %get3A_230 = arith.index_cast %get3A_228 : i32 to index
    %get3A_231 = arith.constant 0 : index
    %get3A_232 = tpu.vector_load %arg11[%get3A_229, %get3A_230, %get3A_231] {strides = array<i32>} : memref<2x16x16xi32, #tpu.memory_space<vmem>>, vector<16xi32>,
    %get3A_233 = arith.constant 1 : i32
    %get3A_234 = arith.constant 11 : i32
    %get3A_235 = arith.index_cast %get3A_233 : i32 to index
    %get3A_236 = arith.index_cast %get3A_234 : i32 to index
    %get3A_237 = arith.constant 0 : index
    %get3A_238 = tpu.vector_load %arg11[%get3A_235, %get3A_236, %get3A_237] {strides = array<i32>} : memref<2x16x16xi32, #tpu.memory_space<vmem>>, vector<16xi32>,
    %lt3A_239 = arith.constant 11 : i32
    %lt3A_240 = arith.cmpi slt, %lt3A_239, %arg1 : i32
    %select_n3A_241 = arith.select %lt3A_240, %get3A_232, %broadcast_in_dim3A_1 : vector<16xi32>
    %add3A_242 = arith.addi %add3A_223, %select_n3A_241 : vector<16xi32>
    %select_n3A_243 = arith.select %lt3A_240, %get3A_238, %broadcast_in_dim3A_1 : vector<16xi32>
    %add3A_244 = arith.addi %add3A_225, %select_n3A_243 : vector<16xi32>
    %add3A_245 = arith.addi %add3A_226, %get3A_232 : vector<16xi32>
    %get3A_246 = arith.constant 0 : i32
    %get3A_247 = arith.constant 12 : i32
    %get3A_248 = arith.index_cast %get3A_246 : i32 to index
    %get3A_249 = arith.index_cast %get3A_247 : i32 to index
    %get3A_250 = arith.constant 0 : index
    %get3A_251 = tpu.vector_load %arg11[%get3A_248, %get3A_249, %get3A_250] {strides = array<i32>} : memref<2x16x16xi32, #tpu.memory_space<vmem>>, vector<16xi32>,
    %get3A_252 = arith.constant 1 : i32
    %get3A_253 = arith.constant 12 : i32
    %get3A_254 = arith.index_cast %get3A_252 : i32 to index
    %get3A_255 = arith.index_cast %get3A_253 : i32 to index
    %get3A_256 = arith.constant 0 : index
    %get3A_257 = tpu.vector_load %arg11[%get3A_254, %get3A_255, %get3A_256] {strides = array<i32>} : memref<2x16x16xi32, #tpu.memory_space<vmem>>, vector<16xi32>,
    %lt3A_258 = arith.constant 12 : i32
    %lt3A_259 = arith.cmpi slt, %lt3A_258, %arg1 : i32
    %select_n3A_260 = arith.select %lt3A_259, %get3A_251, %broadcast_in_dim3A_1 : vector<16xi32>
    %add3A_261 = arith.addi %add3A_242, %select_n3A_260 : vector<16xi32>
    %select_n3A_262 = arith.select %lt3A_259, %get3A_257, %broadcast_in_dim3A_1 : vector<16xi32>
    %add3A_263 = arith.addi %add3A_244, %select_n3A_262 : vector<16xi32>
    %add3A_264 = arith.addi %add3A_245, %get3A_251 : vector<16xi32>
    %get3A_265 = arith.constant 0 : i32
    %get3A_266 = arith.constant 13 : i32
    %get3A_267 = arith.index_cast %get3A_265 : i32 to index
    %get3A_268 = arith.index_cast %get3A_266 : i32 to index
    %get3A_269 = arith.constant 0 : index
    %get3A_270 = tpu.vector_load %arg11[%get3A_267, %get3A_268, %get3A_269] {strides = array<i32>} : memref<2x16x16xi32, #tpu.memory_space<vmem>>, vector<16xi32>,
    %get3A_271 = arith.constant 1 : i32
    %get3A_272 = arith.constant 13 : i32
    %get3A_273 = arith.index_cast %get3A_271 : i32 to index
    %get3A_274 = arith.index_cast %get3A_272 : i32 to index
    %get3A_275 = arith.constant 0 : index
    %get3A_276 = tpu.vector_load %arg11[%get3A_273, %get3A_274, %get3A_275] {strides = array<i32>} : memref<2x16x16xi32, #tpu.memory_space<vmem>>, vector<16xi32>,
    %lt3A_277 = arith.constant 13 : i32
    %lt3A_278 = arith.cmpi slt, %lt3A_277, %arg1 : i32
    %select_n3A_279 = arith.select %lt3A_278, %get3A_270, %broadcast_in_dim3A_1 : vector<16xi32>
    %add3A_280 = arith.addi %add3A_261, %select_n3A_279 : vector<16xi32>
    %select_n3A_281 = arith.select %lt3A_278, %get3A_276, %broadcast_in_dim3A_1 : vector<16xi32>
    %add3A_282 = arith.addi %add3A_263, %select_n3A_281 : vector<16xi32>
    %add3A_283 = arith.addi %add3A_264, %get3A_270 : vector<16xi32>
    %get3A_284 = arith.constant 0 : i32
    %get3A_285 = arith.constant 14 : i32
    %get3A_286 = arith.index_cast %get3A_284 : i32 to index
    %get3A_287 = arith.index_cast %get3A_285 : i32 to index
    %get3A_288 = arith.constant 0 : index
    %get3A_289 = tpu.vector_load %arg11[%get3A_286, %get3A_287, %get3A_288] {strides = array<i32>} : memref<2x16x16xi32, #tpu.memory_space<vmem>>, vector<16xi32>,
    %get3A_290 = arith.constant 1 : i32
    %get3A_291 = arith.constant 14 : i32
    %get3A_292 = arith.index_cast %get3A_290 : i32 to index
    %get3A_293 = arith.index_cast %get3A_291 : i32 to index
    %get3A_294 = arith.constant 0 : index
    %get3A_295 = tpu.vector_load %arg11[%get3A_292, %get3A_293, %get3A_294] {strides = array<i32>} : memref<2x16x16xi32, #tpu.memory_space<vmem>>, vector<16xi32>,
    %lt3A_296 = arith.constant 14 : i32
    %lt3A_297 = arith.cmpi slt, %lt3A_296, %arg1 : i32
    %select_n3A_298 = arith.select %lt3A_297, %get3A_289, %broadcast_in_dim3A_1 : vector<16xi32>
    %add3A_299 = arith.addi %add3A_280, %select_n3A_298 : vector<16xi32>
    %select_n3A_300 = arith.select %lt3A_297, %get3A_295, %broadcast_in_dim3A_1 : vector<16xi32>
    %add3A_301 = arith.addi %add3A_282, %select_n3A_300 : vector<16xi32>
    %add3A_302 = arith.addi %add3A_283, %get3A_289 : vector<16xi32>
    %get3A_303 = arith.constant 0 : i32
    %get3A_304 = arith.constant 15 : i32
    %get3A_305 = arith.index_cast %get3A_303 : i32 to index
    %get3A_306 = arith.index_cast %get3A_304 : i32 to index
    %get3A_307 = arith.constant 0 : index
    %get3A_308 = tpu.vector_load %arg11[%get3A_305, %get3A_306, %get3A_307] {strides = array<i32>} : memref<2x16x16xi32, #tpu.memory_space<vmem>>, vector<16xi32>,
    %get3A_309 = arith.constant 1 : i32
    %get3A_310 = arith.constant 15 : i32
    %get3A_311 = arith.index_cast %get3A_309 : i32 to index
    %get3A_312 = arith.index_cast %get3A_310 : i32 to index
    %get3A_313 = arith.constant 0 : index
    %get3A_314 = tpu.vector_load %arg11[%get3A_311, %get3A_312, %get3A_313] {strides = array<i32>} : memref<2x16x16xi32, #tpu.memory_space<vmem>>, vector<16xi32>,
    %lt3A_315 = arith.constant 15 : i32
    %lt3A_316 = arith.cmpi slt, %lt3A_315, %arg1 : i32
    %select_n3A_317 = arith.select %lt3A_316, %get3A_308, %broadcast_in_dim3A_1 : vector<16xi32>
    %add3A_318 = arith.addi %add3A_299, %select_n3A_317 : vector<16xi32>
    %select_n3A_319 = arith.select %lt3A_316, %get3A_314, %broadcast_in_dim3A_1 : vector<16xi32>
    %add3A_320 = arith.addi %add3A_301, %select_n3A_319 : vector<16xi32>
    %add3A_321 = arith.addi %add3A_302, %get3A_308 : vector<16xi32>
    %scan3A_322 = arith.constant 0 : i32
    %scan3A_323 = arith.constant 512 : i32
    %scan3A_324 = arith.addi %scan3A_322, %scan3A_323 : i32
    %scan3A_325 = arith.constant 1 : i32
    %scan3A_326:2 = scf.for %scan3A_999 = %scan3A_322 to %scan3A_324 step %scan3A_325 iter_args(%scan3A_1000 = %add3A_318, %scan3A_1001 = %add3A_320) -> (vector<16xi32>, vector<16xi32>)  : i32 {
      %mul3A_1002 = arith.constant 16 : i32
      %mul3A_1003 = arith.muli %scan3A_999, %mul3A_1002 : i32
      %multiple_of3A = tpu.assume_multiple %mul3A_1003, 16 : i32
      %get3A_1004 = arith.index_cast %multiple_of3A : i32 to index
      %get3A_1005 = tpu.vector_load %arg6[%get3A_1004] {strides = array<i32>} : memref<8192xf32, #tpu.memory_space<vmem>>, vector<16xf32>,
      %bitcast_convert_type3A = tpu.bitcast %get3A_1005 : vector<16xf32> -> vector<16xi32>
      %shift_right_arithmetic3A = arith.constant 31 : i32
      %shift_right_arithmetic3A_1006 = vector.broadcast %shift_right_arithmetic3A : i32 to vector<16xi32>
      %shift_right_arithmetic3A_1007 = arith.shrsi %bitcast_convert_type3A, %shift_right_arithmetic3A_1006 : vector<16xi32>
      %and3A = arith.constant 2147483647 : i32
      %and3A_1008 = vector.broadcast %and3A : i32 to vector<16xi32>
      %and3A_1009 = arith.andi %and3A_1008, %shift_right_arithmetic3A_1007 : vector<16xi32>
      %xor3A = arith.xori %bitcast_convert_type3A, %and3A_1009 : vector<16xi32>
      %gt3A = arith.cmpi sgt, %xor3A, %get3A_2 : vector<16xi32>
      %eq3A_1010 = arith.cmpi eq, %xor3A, %get3A_2 : vector<16xi32>
      %convert_element_type3A_1011 = arith.extui %gt3A : vector<16xi1> to vector<16xi32>
      %convert_element_type3A_1012 = arith.extui %eq3A_1010 : vector<16xi1> to vector<16xi32>
      %broadcast_in_dim3A_1013 = arith.constant true
      %broadcast_in_dim3A_1014 = vector.broadcast %broadcast_in_dim3A_1013 : i1 to vector<16xi1>
      %masked_cumsum3A = tpu.scan <sum>, %convert_element_type3A_1011 masked %broadcast_in_dim3A_1014 : vector<16xi32>, vector<16xi1> -> vector<16xi32>
      %broadcast_in_dim3A_1015 = arith.constant true
      %broadcast_in_dim3A_1016 = vector.broadcast %broadcast_in_dim3A_1015 : i1 to vector<16xi1>
      %masked_cumsum3A_1017 = tpu.scan <sum>, %convert_element_type3A_1012 masked %broadcast_in_dim3A_1016 : vector<16xi32>, vector<16xi1> -> vector<16xi32>
      %sub3A = arith.subi %masked_cumsum3A_1017, %convert_element_type3A_1012 : vector<16xi32>
      %add3A_1018 = arith.addi %scan3A_1001, %sub3A : vector<16xi32>
      %lt3A_1019 = arith.cmpi slt, %add3A_1018, %get3A_4 : vector<16xi32>
      %and3A_1020 = arith.andi %eq3A_1010, %lt3A_1019 : vector<16xi1>
      %or3A = arith.ori %gt3A, %and3A_1020 : vector<16xi1>
      %sub3A_1021 = arith.subi %masked_cumsum3A, %convert_element_type3A_1011 : vector<16xi32>
      %add3A_1022 = arith.addi %scan3A_1000, %sub3A_1021 : vector<16xi32>
      %add3A_1023 = arith.addi %add3A_321, %add3A_1018 : vector<16xi32>
      %select_n3A_1024 = arith.select %gt3A, %add3A_1022, %add3A_1023 : vector<16xi1>, vector<16xi32>
      %max3A = arith.constant 0 : i32
      %max3A_1025 = vector.broadcast %max3A : i32 to vector<16xi32>
      %max3A_1026 = arith.maxsi %select_n3A_1024, %max3A_1025 : vector<16xi32>
      %min3A = arith.constant 2047 : i32
      %min3A_1027 = vector.broadcast %min3A : i32 to vector<16xi32>
      %min3A_1028 = arith.minsi %max3A_1026, %min3A_1027 : vector<16xi32>
      %add3A_1029 = arith.addi %mul3A_0, %multiple_of3A : i32
      %add3A_1030 = vector.broadcast %add3A_1029 : i32 to vector<16xi32>
      %add3A_1031 = arith.addi %add3A_1030, %iota3A : vector<16xi32>
      tpu.vector_store_idx %arg12[%min3A_1028], %add3A_1031 masked %or3A : memref<2048xi32, #tpu.memory_space<vmem>>[vector<16xi32>], vector<16xi32>, vector<16xi1>
      %convert_element_type3A_1032 = arith.extui %or3A : vector<16xi1> to vector<16xi32>
      %convert_element_type3A_1033 = arith.sitofp %convert_element_type3A_1032 : vector<16xi32> to vector<16xf32>
      %swap3A_1034 = arith.index_cast %multiple_of3A : i32 to index
      %swap3A_1035 = tpu.vector_load %arg7[%swap3A_1034] {strides = array<i32>} : memref<8192xf32, #tpu.memory_space<vmem>>, vector<16xf32>,
      tpu.vector_store %arg7[%swap3A_1034], %convert_element_type3A_1033 {strides = array<i32>} : memref<8192xf32, #tpu.memory_space<vmem>>, vector<16xf32>,
      %all_reduce_population_count3A = tpu.all_reduce %gt3A {dim = 0 : i64, kind = #tpu.reduction_kind<sum>} : vector<16xi1> -> vector<16xi32>
      %add3A_1036 = arith.addi %scan3A_1000, %all_reduce_population_count3A : vector<16xi32>
      %all_reduce_population_count3A_1037 = tpu.all_reduce %eq3A_1010 {dim = 0 : i64, kind = #tpu.reduction_kind<sum>} : vector<16xi1> -> vector<16xi32>
      %add3A_1038 = arith.addi %scan3A_1001, %all_reduce_population_count3A_1037 : vector<16xi32>
      scf.yield %add3A_1036, %add3A_1038 : vector<16xi32>, vector<16xi32>
    }
    %scan3A_327 = arith.constant 512 : i32
    "tpu.region"() ({
      %run_scoped3A_999 = tpu.sem_alloc : memref<!tpu.dma_semaphore, #tpu.memory_space<semaphore_mem>>
      %dma_start3A = tpu.memref_slice %arg5[%mul3A_0] : memref<131072xf32, #tpu.memory_space<hbm>> -> memref<8192xf32, #tpu.memory_space<hbm>>
      %dma_start3A_1000 = tpu.memref_slice %arg5[%mul3A_0] : memref<131072xf32, #tpu.memory_space<hbm>> -> memref<8192xf32, #tpu.memory_space<hbm>>
      tpu.enqueue_dma source(%arg7 : memref<8192xf32, #tpu.memory_space<vmem>>) target(%dma_start3A_1000 : memref<8192xf32, #tpu.memory_space<hbm>>) target_semaphore(%run_scoped3A_999 : memref<!tpu.dma_semaphore, #tpu.memory_space<semaphore_mem>>)
      %dma_wait3A = tpu.memref_slice %arg5[%mul3A_0] : memref<131072xf32, #tpu.memory_space<hbm>> -> memref<8192xf32, #tpu.memory_space<hbm>>
      %dma_wait3A_1001 = tpu.memref_slice %arg5[%mul3A_0] : memref<131072xf32, #tpu.memory_space<hbm>> -> memref<8192xf32, #tpu.memory_space<hbm>>
      tpu.wait_dma2 semaphore(%run_scoped3A_999 : memref<!tpu.dma_semaphore, #tpu.memory_space<semaphore_mem>>) src(%arg7 : memref<8192xf32, #tpu.memory_space<vmem>>) dst(%dma_wait3A_1001 : memref<8192xf32, #tpu.memory_space<hbm>>)
      tpu.yield
    }) : () -> ()
    "tpu.region"() ({
      %run_scoped3A_999 = tpu.sem_alloc : memref<!tpu.dma_semaphore, #tpu.memory_space<semaphore_mem>>
      %dma_start3A = arith.constant 0 : i32
      %dma_start3A_1000 = tpu.memref_slice %arg17[%arg1, %dma_start3A] : memref<16x2048xi32, #tpu.memory_space<vmem_shared>> -> memref<1x2048xi32, #tpu.memory_space<vmem_shared>>
      %dma_start3A_1001 = tpu.memref_squeeze %dma_start3A_1000 : memref<1x2048xi32, #tpu.memory_space<vmem_shared>> -> memref<2048xi32, #tpu.memory_space<vmem_shared>>
      %dma_start3A_1002 = arith.constant 0 : i32
      %dma_start3A_1003 = tpu.memref_slice %arg17[%arg1, %dma_start3A_1002] : memref<16x2048xi32, #tpu.memory_space<vmem_shared>> -> memref<1x2048xi32, #tpu.memory_space<vmem_shared>>
      %dma_start3A_1004 = tpu.memref_squeeze %dma_start3A_1003 : memref<1x2048xi32, #tpu.memory_space<vmem_shared>> -> memref<2048xi32, #tpu.memory_space<vmem_shared>>
      tpu.enqueue_dma source(%arg12 : memref<2048xi32, #tpu.memory_space<vmem>>) target(%dma_start3A_1004 : memref<2048xi32, #tpu.memory_space<vmem_shared>>) target_semaphore(%run_scoped3A_999 : memref<!tpu.dma_semaphore, #tpu.memory_space<semaphore_mem>>)
      %dma_wait3A = arith.constant 0 : i32
      %dma_wait3A_1005 = tpu.memref_slice %arg17[%arg1, %dma_wait3A] : memref<16x2048xi32, #tpu.memory_space<vmem_shared>> -> memref<1x2048xi32, #tpu.memory_space<vmem_shared>>
      %dma_wait3A_1006 = tpu.memref_squeeze %dma_wait3A_1005 : memref<1x2048xi32, #tpu.memory_space<vmem_shared>> -> memref<2048xi32, #tpu.memory_space<vmem_shared>>
      %dma_wait3A_1007 = arith.constant 0 : i32
      %dma_wait3A_1008 = tpu.memref_slice %arg17[%arg1, %dma_wait3A_1007] : memref<16x2048xi32, #tpu.memory_space<vmem_shared>> -> memref<1x2048xi32, #tpu.memory_space<vmem_shared>>
      %dma_wait3A_1009 = tpu.memref_squeeze %dma_wait3A_1008 : memref<1x2048xi32, #tpu.memory_space<vmem_shared>> -> memref<2048xi32, #tpu.memory_space<vmem_shared>>
      tpu.wait_dma2 semaphore(%run_scoped3A_999 : memref<!tpu.dma_semaphore, #tpu.memory_space<semaphore_mem>>) src(%arg12 : memref<2048xi32, #tpu.memory_space<vmem>>) dst(%dma_wait3A_1009 : memref<2048xi32, #tpu.memory_space<vmem_shared>>)
      tpu.yield
    }) : () -> ()
    %barrier3A_328 = arith.constant 0 : index
    tpu.barrier barrier_id(%barrier3A_328)
    %mul3A_329 = arith.constant 128 : i32
    %mul3A_330 = arith.muli %arg1, %mul3A_329 : i32
    "tpu.region"() ({
      %run_scoped3A_999 = tpu.sem_alloc : memref<!tpu.dma_semaphore, #tpu.memory_space<semaphore_mem>>
      %dma_start3A = arith.constant 0 : i32
      %dma_start3A_1000 = tpu.memref_slice %arg17[%dma_start3A, %mul3A_330] : memref<16x2048xi32, #tpu.memory_space<vmem_shared>> -> memref<16x128xi32, #tpu.memory_space<vmem_shared>>
      %dma_start3A_1001 = arith.constant 0 : i32
      %dma_start3A_1002 = tpu.memref_slice %arg17[%dma_start3A_1001, %mul3A_330] : memref<16x2048xi32, #tpu.memory_space<vmem_shared>> -> memref<16x128xi32, #tpu.memory_space<vmem_shared>>
      tpu.enqueue_dma source(%dma_start3A_1002 : memref<16x128xi32, #tpu.memory_space<vmem_shared>>) target(%arg13 : memref<16x128xi32, #tpu.memory_space<vmem>>) target_semaphore(%run_scoped3A_999 : memref<!tpu.dma_semaphore, #tpu.memory_space<semaphore_mem>>)
      %dma_wait3A = arith.constant 0 : i32
      %dma_wait3A_1003 = tpu.memref_slice %arg17[%dma_wait3A, %mul3A_330] : memref<16x2048xi32, #tpu.memory_space<vmem_shared>> -> memref<16x128xi32, #tpu.memory_space<vmem_shared>>
      %dma_wait3A_1004 = arith.constant 0 : i32
      %dma_wait3A_1005 = tpu.memref_slice %arg17[%dma_wait3A_1004, %mul3A_330] : memref<16x2048xi32, #tpu.memory_space<vmem_shared>> -> memref<16x128xi32, #tpu.memory_space<vmem_shared>>
      tpu.wait_dma2 semaphore(%run_scoped3A_999 : memref<!tpu.dma_semaphore, #tpu.memory_space<semaphore_mem>>) src(%dma_wait3A_1005 : memref<16x128xi32, #tpu.memory_space<vmem_shared>>) dst(%arg13 : memref<16x128xi32, #tpu.memory_space<vmem>>)
      tpu.yield
    }) : () -> ()
    %get3A_331 = arith.constant 0 : i32
    %get3A_332 = arith.index_cast %get3A_331 : i32 to index
    %get3A_333 = arith.constant 0 : index
    %get3A_334 = tpu.vector_load %arg13[%get3A_332, %get3A_333] {strides = array<i32>} : memref<16x128xi32, #tpu.memory_space<vmem>>, vector<16xi32>,
    %add3A_335 = arith.addi %broadcast_in_dim3A_1, %get3A_334 : vector<16xi32>
    %get3A_336 = arith.constant 1 : i32
    %get3A_337 = arith.index_cast %get3A_336 : i32 to index
    %get3A_338 = arith.constant 0 : index
    %get3A_339 = tpu.vector_load %arg13[%get3A_337, %get3A_338] {strides = array<i32>} : memref<16x128xi32, #tpu.memory_space<vmem>>, vector<16xi32>,
    %add3A_340 = arith.addi %add3A_335, %get3A_339 : vector<16xi32>
    %get3A_341 = arith.constant 2 : i32
    %get3A_342 = arith.index_cast %get3A_341 : i32 to index
    %get3A_343 = arith.constant 0 : index
    %get3A_344 = tpu.vector_load %arg13[%get3A_342, %get3A_343] {strides = array<i32>} : memref<16x128xi32, #tpu.memory_space<vmem>>, vector<16xi32>,
    %add3A_345 = arith.addi %add3A_340, %get3A_344 : vector<16xi32>
    %get3A_346 = arith.constant 3 : i32
    %get3A_347 = arith.index_cast %get3A_346 : i32 to index
    %get3A_348 = arith.constant 0 : index
    %get3A_349 = tpu.vector_load %arg13[%get3A_347, %get3A_348] {strides = array<i32>} : memref<16x128xi32, #tpu.memory_space<vmem>>, vector<16xi32>,
    %add3A_350 = arith.addi %add3A_345, %get3A_349 : vector<16xi32>
    %get3A_351 = arith.constant 4 : i32
    %get3A_352 = arith.index_cast %get3A_351 : i32 to index
    %get3A_353 = arith.constant 0 : index
    %get3A_354 = tpu.vector_load %arg13[%get3A_352, %get3A_353] {strides = array<i32>} : memref<16x128xi32, #tpu.memory_space<vmem>>, vector<16xi32>,
    %add3A_355 = arith.addi %add3A_350, %get3A_354 : vector<16xi32>
    %get3A_356 = arith.constant 5 : i32
    %get3A_357 = arith.index_cast %get3A_356 : i32 to index
    %get3A_358 = arith.constant 0 : index
    %get3A_359 = tpu.vector_load %arg13[%get3A_357, %get3A_358] {strides = array<i32>} : memref<16x128xi32, #tpu.memory_space<vmem>>, vector<16xi32>,
    %add3A_360 = arith.addi %add3A_355, %get3A_359 : vector<16xi32>
    %get3A_361 = arith.constant 6 : i32
    %get3A_362 = arith.index_cast %get3A_361 : i32 to index
    %get3A_363 = arith.constant 0 : index
    %get3A_364 = tpu.vector_load %arg13[%get3A_362, %get3A_363] {strides = array<i32>} : memref<16x128xi32, #tpu.memory_space<vmem>>, vector<16xi32>,
    %add3A_365 = arith.addi %add3A_360, %get3A_364 : vector<16xi32>
    %get3A_366 = arith.constant 7 : i32
    %get3A_367 = arith.index_cast %get3A_366 : i32 to index
    %get3A_368 = arith.constant 0 : index
    %get3A_369 = tpu.vector_load %arg13[%get3A_367, %get3A_368] {strides = array<i32>} : memref<16x128xi32, #tpu.memory_space<vmem>>, vector<16xi32>,
    %add3A_370 = arith.addi %add3A_365, %get3A_369 : vector<16xi32>
    %get3A_371 = arith.constant 8 : i32
    %get3A_372 = arith.index_cast %get3A_371 : i32 to index
    %get3A_373 = arith.constant 0 : index
    %get3A_374 = tpu.vector_load %arg13[%get3A_372, %get3A_373] {strides = array<i32>} : memref<16x128xi32, #tpu.memory_space<vmem>>, vector<16xi32>,
    %add3A_375 = arith.addi %add3A_370, %get3A_374 : vector<16xi32>
    %get3A_376 = arith.constant 9 : i32
    %get3A_377 = arith.index_cast %get3A_376 : i32 to index
    %get3A_378 = arith.constant 0 : index
    %get3A_379 = tpu.vector_load %arg13[%get3A_377, %get3A_378] {strides = array<i32>} : memref<16x128xi32, #tpu.memory_space<vmem>>, vector<16xi32>,
    %add3A_380 = arith.addi %add3A_375, %get3A_379 : vector<16xi32>
    %get3A_381 = arith.constant 10 : i32
    %get3A_382 = arith.index_cast %get3A_381 : i32 to index
    %get3A_383 = arith.constant 0 : index
    %get3A_384 = tpu.vector_load %arg13[%get3A_382, %get3A_383] {strides = array<i32>} : memref<16x128xi32, #tpu.memory_space<vmem>>, vector<16xi32>,
    %add3A_385 = arith.addi %add3A_380, %get3A_384 : vector<16xi32>
    %get3A_386 = arith.constant 11 : i32
    %get3A_387 = arith.index_cast %get3A_386 : i32 to index
    %get3A_388 = arith.constant 0 : index
    %get3A_389 = tpu.vector_load %arg13[%get3A_387, %get3A_388] {strides = array<i32>} : memref<16x128xi32, #tpu.memory_space<vmem>>, vector<16xi32>,
    %add3A_390 = arith.addi %add3A_385, %get3A_389 : vector<16xi32>
    %get3A_391 = arith.constant 12 : i32
    %get3A_392 = arith.index_cast %get3A_391 : i32 to index
    %get3A_393 = arith.constant 0 : index
    %get3A_394 = tpu.vector_load %arg13[%get3A_392, %get3A_393] {strides = array<i32>} : memref<16x128xi32, #tpu.memory_space<vmem>>, vector<16xi32>,
    %add3A_395 = arith.addi %add3A_390, %get3A_394 : vector<16xi32>
    %get3A_396 = arith.constant 13 : i32
    %get3A_397 = arith.index_cast %get3A_396 : i32 to index
    %get3A_398 = arith.constant 0 : index
    %get3A_399 = tpu.vector_load %arg13[%get3A_397, %get3A_398] {strides = array<i32>} : memref<16x128xi32, #tpu.memory_space<vmem>>, vector<16xi32>,
    %add3A_400 = arith.addi %add3A_395, %get3A_399 : vector<16xi32>
    %get3A_401 = arith.constant 14 : i32
    %get3A_402 = arith.index_cast %get3A_401 : i32 to index
    %get3A_403 = arith.constant 0 : index
    %get3A_404 = tpu.vector_load %arg13[%get3A_402, %get3A_403] {strides = array<i32>} : memref<16x128xi32, #tpu.memory_space<vmem>>, vector<16xi32>,
    %add3A_405 = arith.addi %add3A_400, %get3A_404 : vector<16xi32>
    %get3A_406 = arith.constant 15 : i32
    %get3A_407 = arith.index_cast %get3A_406 : i32 to index
    %get3A_408 = arith.constant 0 : index
    %get3A_409 = tpu.vector_load %arg13[%get3A_407, %get3A_408] {strides = array<i32>} : memref<16x128xi32, #tpu.memory_space<vmem>>, vector<16xi32>,
    %add3A_410 = arith.addi %add3A_405, %get3A_409 : vector<16xi32>
    %swap3A_411 = arith.constant 0 : index
    %swap3A_412 = tpu.vector_load %arg14[%swap3A_411] {strides = array<i32>} : memref<128xi32, #tpu.memory_space<vmem>>, vector<16xi32>,
    tpu.vector_store %arg14[%swap3A_411], %add3A_410 {strides = array<i32>} : memref<128xi32, #tpu.memory_space<vmem>>, vector<16xi32>,
    %get3A_413 = arith.constant 0 : i32
    %get3A_414 = arith.index_cast %get3A_413 : i32 to index
    %get3A_415 = arith.constant 16 : index
    %get3A_416 = tpu.vector_load %arg13[%get3A_414, %get3A_415] {strides = array<i32>} : memref<16x128xi32, #tpu.memory_space<vmem>>, vector<16xi32>,
    %add3A_417 = arith.addi %broadcast_in_dim3A_1, %get3A_416 : vector<16xi32>
    %get3A_418 = arith.constant 1 : i32
    %get3A_419 = arith.index_cast %get3A_418 : i32 to index
    %get3A_420 = arith.constant 16 : index
    %get3A_421 = tpu.vector_load %arg13[%get3A_419, %get3A_420] {strides = array<i32>} : memref<16x128xi32, #tpu.memory_space<vmem>>, vector<16xi32>,
    %add3A_422 = arith.addi %add3A_417, %get3A_421 : vector<16xi32>
    %get3A_423 = arith.constant 2 : i32
    %get3A_424 = arith.index_cast %get3A_423 : i32 to index
    %get3A_425 = arith.constant 16 : index
    %get3A_426 = tpu.vector_load %arg13[%get3A_424, %get3A_425] {strides = array<i32>} : memref<16x128xi32, #tpu.memory_space<vmem>>, vector<16xi32>,
    %add3A_427 = arith.addi %add3A_422, %get3A_426 : vector<16xi32>
    %get3A_428 = arith.constant 3 : i32
    %get3A_429 = arith.index_cast %get3A_428 : i32 to index
    %get3A_430 = arith.constant 16 : index
    %get3A_431 = tpu.vector_load %arg13[%get3A_429, %get3A_430] {strides = array<i32>} : memref<16x128xi32, #tpu.memory_space<vmem>>, vector<16xi32>,
    %add3A_432 = arith.addi %add3A_427, %get3A_431 : vector<16xi32>
    %get3A_433 = arith.constant 4 : i32
    %get3A_434 = arith.index_cast %get3A_433 : i32 to index
    %get3A_435 = arith.constant 16 : index
    %get3A_436 = tpu.vector_load %arg13[%get3A_434, %get3A_435] {strides = array<i32>} : memref<16x128xi32, #tpu.memory_space<vmem>>, vector<16xi32>,
    %add3A_437 = arith.addi %add3A_432, %get3A_436 : vector<16xi32>
    %get3A_438 = arith.constant 5 : i32
    %get3A_439 = arith.index_cast %get3A_438 : i32 to index
    %get3A_440 = arith.constant 16 : index
    %get3A_441 = tpu.vector_load %arg13[%get3A_439, %get3A_440] {strides = array<i32>} : memref<16x128xi32, #tpu.memory_space<vmem>>, vector<16xi32>,
    %add3A_442 = arith.addi %add3A_437, %get3A_441 : vector<16xi32>
    %get3A_443 = arith.constant 6 : i32
    %get3A_444 = arith.index_cast %get3A_443 : i32 to index
    %get3A_445 = arith.constant 16 : index
    %get3A_446 = tpu.vector_load %arg13[%get3A_444, %get3A_445] {strides = array<i32>} : memref<16x128xi32, #tpu.memory_space<vmem>>, vector<16xi32>,
    %add3A_447 = arith.addi %add3A_442, %get3A_446 : vector<16xi32>
    %get3A_448 = arith.constant 7 : i32
    %get3A_449 = arith.index_cast %get3A_448 : i32 to index
    %get3A_450 = arith.constant 16 : index
    %get3A_451 = tpu.vector_load %arg13[%get3A_449, %get3A_450] {strides = array<i32>} : memref<16x128xi32, #tpu.memory_space<vmem>>, vector<16xi32>,
    %add3A_452 = arith.addi %add3A_447, %get3A_451 : vector<16xi32>
    %get3A_453 = arith.constant 8 : i32
    %get3A_454 = arith.index_cast %get3A_453 : i32 to index
    %get3A_455 = arith.constant 16 : index
    %get3A_456 = tpu.vector_load %arg13[%get3A_454, %get3A_455] {strides = array<i32>} : memref<16x128xi32, #tpu.memory_space<vmem>>, vector<16xi32>,
    %add3A_457 = arith.addi %add3A_452, %get3A_456 : vector<16xi32>
    %get3A_458 = arith.constant 9 : i32
    %get3A_459 = arith.index_cast %get3A_458 : i32 to index
    %get3A_460 = arith.constant 16 : index
    %get3A_461 = tpu.vector_load %arg13[%get3A_459, %get3A_460] {strides = array<i32>} : memref<16x128xi32, #tpu.memory_space<vmem>>, vector<16xi32>,
    %add3A_462 = arith.addi %add3A_457, %get3A_461 : vector<16xi32>
    %get3A_463 = arith.constant 10 : i32
    %get3A_464 = arith.index_cast %get3A_463 : i32 to index
    %get3A_465 = arith.constant 16 : index
    %get3A_466 = tpu.vector_load %arg13[%get3A_464, %get3A_465] {strides = array<i32>} : memref<16x128xi32, #tpu.memory_space<vmem>>, vector<16xi32>,
    %add3A_467 = arith.addi %add3A_462, %get3A_466 : vector<16xi32>
    %get3A_468 = arith.constant 11 : i32
    %get3A_469 = arith.index_cast %get3A_468 : i32 to index
    %get3A_470 = arith.constant 16 : index
    %get3A_471 = tpu.vector_load %arg13[%get3A_469, %get3A_470] {strides = array<i32>} : memref<16x128xi32, #tpu.memory_space<vmem>>, vector<16xi32>,
    %add3A_472 = arith.addi %add3A_467, %get3A_471 : vector<16xi32>
    %get3A_473 = arith.constant 12 : i32
    %get3A_474 = arith.index_cast %get3A_473 : i32 to index
    %get3A_475 = arith.constant 16 : index
    %get3A_476 = tpu.vector_load %arg13[%get3A_474, %get3A_475] {strides = array<i32>} : memref<16x128xi32, #tpu.memory_space<vmem>>, vector<16xi32>,
    %add3A_477 = arith.addi %add3A_472, %get3A_476 : vector<16xi32>
    %get3A_478 = arith.constant 13 : i32
    %get3A_479 = arith.index_cast %get3A_478 : i32 to index
    %get3A_480 = arith.constant 16 : index
    %get3A_481 = tpu.vector_load %arg13[%get3A_479, %get3A_480] {strides = array<i32>} : memref<16x128xi32, #tpu.memory_space<vmem>>, vector<16xi32>,
    %add3A_482 = arith.addi %add3A_477, %get3A_481 : vector<16xi32>
    %get3A_483 = arith.constant 14 : i32
    %get3A_484 = arith.index_cast %get3A_483 : i32 to index
    %get3A_485 = arith.constant 16 : index
    %get3A_486 = tpu.vector_load %arg13[%get3A_484, %get3A_485] {strides = array<i32>} : memref<16x128xi32, #tpu.memory_space<vmem>>, vector<16xi32>,
    %add3A_487 = arith.addi %add3A_482, %get3A_486 : vector<16xi32>
    %get3A_488 = arith.constant 15 : i32
    %get3A_489 = arith.index_cast %get3A_488 : i32 to index
    %get3A_490 = arith.constant 16 : index
    %get3A_491 = tpu.vector_load %arg13[%get3A_489, %get3A_490] {strides = array<i32>} : memref<16x128xi32, #tpu.memory_space<vmem>>, vector<16xi32>,
    %add3A_492 = arith.addi %add3A_487, %get3A_491 : vector<16xi32>
    %swap3A_493 = arith.constant 16 : index
    %swap3A_494 = tpu.vector_load %arg14[%swap3A_493] {strides = array<i32>} : memref<128xi32, #tpu.memory_space<vmem>>, vector<16xi32>,
    tpu.vector_store %arg14[%swap3A_493], %add3A_492 {strides = array<i32>} : memref<128xi32, #tpu.memory_space<vmem>>, vector<16xi32>,
    %get3A_495 = arith.constant 0 : i32
    %get3A_496 = arith.index_cast %get3A_495 : i32 to index
    %get3A_497 = arith.constant 32 : index
    %get3A_498 = tpu.vector_load %arg13[%get3A_496, %get3A_497] {strides = array<i32>} : memref<16x128xi32, #tpu.memory_space<vmem>>, vector<16xi32>,
    %add3A_499 = arith.addi %broadcast_in_dim3A_1, %get3A_498 : vector<16xi32>
    %get3A_500 = arith.constant 1 : i32
    %get3A_501 = arith.index_cast %get3A_500 : i32 to index
    %get3A_502 = arith.constant 32 : index
    %get3A_503 = tpu.vector_load %arg13[%get3A_501, %get3A_502] {strides = array<i32>} : memref<16x128xi32, #tpu.memory_space<vmem>>, vector<16xi32>,
    %add3A_504 = arith.addi %add3A_499, %get3A_503 : vector<16xi32>
    %get3A_505 = arith.constant 2 : i32
    %get3A_506 = arith.index_cast %get3A_505 : i32 to index
    %get3A_507 = arith.constant 32 : index
    %get3A_508 = tpu.vector_load %arg13[%get3A_506, %get3A_507] {strides = array<i32>} : memref<16x128xi32, #tpu.memory_space<vmem>>, vector<16xi32>,
    %add3A_509 = arith.addi %add3A_504, %get3A_508 : vector<16xi32>
    %get3A_510 = arith.constant 3 : i32
    %get3A_511 = arith.index_cast %get3A_510 : i32 to index
    %get3A_512 = arith.constant 32 : index
    %get3A_513 = tpu.vector_load %arg13[%get3A_511, %get3A_512] {strides = array<i32>} : memref<16x128xi32, #tpu.memory_space<vmem>>, vector<16xi32>,
    %add3A_514 = arith.addi %add3A_509, %get3A_513 : vector<16xi32>
    %get3A_515 = arith.constant 4 : i32
    %get3A_516 = arith.index_cast %get3A_515 : i32 to index
    %get3A_517 = arith.constant 32 : index
    %get3A_518 = tpu.vector_load %arg13[%get3A_516, %get3A_517] {strides = array<i32>} : memref<16x128xi32, #tpu.memory_space<vmem>>, vector<16xi32>,
    %add3A_519 = arith.addi %add3A_514, %get3A_518 : vector<16xi32>
    %get3A_520 = arith.constant 5 : i32
    %get3A_521 = arith.index_cast %get3A_520 : i32 to index
    %get3A_522 = arith.constant 32 : index
    %get3A_523 = tpu.vector_load %arg13[%get3A_521, %get3A_522] {strides = array<i32>} : memref<16x128xi32, #tpu.memory_space<vmem>>, vector<16xi32>,
    %add3A_524 = arith.addi %add3A_519, %get3A_523 : vector<16xi32>
    %get3A_525 = arith.constant 6 : i32
    %get3A_526 = arith.index_cast %get3A_525 : i32 to index
    %get3A_527 = arith.constant 32 : index
    %get3A_528 = tpu.vector_load %arg13[%get3A_526, %get3A_527] {strides = array<i32>} : memref<16x128xi32, #tpu.memory_space<vmem>>, vector<16xi32>,
    %add3A_529 = arith.addi %add3A_524, %get3A_528 : vector<16xi32>
    %get3A_530 = arith.constant 7 : i32
    %get3A_531 = arith.index_cast %get3A_530 : i32 to index
    %get3A_532 = arith.constant 32 : index
    %get3A_533 = tpu.vector_load %arg13[%get3A_531, %get3A_532] {strides = array<i32>} : memref<16x128xi32, #tpu.memory_space<vmem>>, vector<16xi32>,
    %add3A_534 = arith.addi %add3A_529, %get3A_533 : vector<16xi32>
    %get3A_535 = arith.constant 8 : i32
    %get3A_536 = arith.index_cast %get3A_535 : i32 to index
    %get3A_537 = arith.constant 32 : index
    %get3A_538 = tpu.vector_load %arg13[%get3A_536, %get3A_537] {strides = array<i32>} : memref<16x128xi32, #tpu.memory_space<vmem>>, vector<16xi32>,
    %add3A_539 = arith.addi %add3A_534, %get3A_538 : vector<16xi32>
    %get3A_540 = arith.constant 9 : i32
    %get3A_541 = arith.index_cast %get3A_540 : i32 to index
    %get3A_542 = arith.constant 32 : index
    %get3A_543 = tpu.vector_load %arg13[%get3A_541, %get3A_542] {strides = array<i32>} : memref<16x128xi32, #tpu.memory_space<vmem>>, vector<16xi32>,
    %add3A_544 = arith.addi %add3A_539, %get3A_543 : vector<16xi32>
    %get3A_545 = arith.constant 10 : i32
    %get3A_546 = arith.index_cast %get3A_545 : i32 to index
    %get3A_547 = arith.constant 32 : index
    %get3A_548 = tpu.vector_load %arg13[%get3A_546, %get3A_547] {strides = array<i32>} : memref<16x128xi32, #tpu.memory_space<vmem>>, vector<16xi32>,
    %add3A_549 = arith.addi %add3A_544, %get3A_548 : vector<16xi32>
    %get3A_550 = arith.constant 11 : i32
    %get3A_551 = arith.index_cast %get3A_550 : i32 to index
    %get3A_552 = arith.constant 32 : index
    %get3A_553 = tpu.vector_load %arg13[%get3A_551, %get3A_552] {strides = array<i32>} : memref<16x128xi32, #tpu.memory_space<vmem>>, vector<16xi32>,
    %add3A_554 = arith.addi %add3A_549, %get3A_553 : vector<16xi32>
    %get3A_555 = arith.constant 12 : i32
    %get3A_556 = arith.index_cast %get3A_555 : i32 to index
    %get3A_557 = arith.constant 32 : index
    %get3A_558 = tpu.vector_load %arg13[%get3A_556, %get3A_557] {strides = array<i32>} : memref<16x128xi32, #tpu.memory_space<vmem>>, vector<16xi32>,
    %add3A_559 = arith.addi %add3A_554, %get3A_558 : vector<16xi32>
    %get3A_560 = arith.constant 13 : i32
    %get3A_561 = arith.index_cast %get3A_560 : i32 to index
    %get3A_562 = arith.constant 32 : index
    %get3A_563 = tpu.vector_load %arg13[%get3A_561, %get3A_562] {strides = array<i32>} : memref<16x128xi32, #tpu.memory_space<vmem>>, vector<16xi32>,
    %add3A_564 = arith.addi %add3A_559, %get3A_563 : vector<16xi32>
    %get3A_565 = arith.constant 14 : i32
    %get3A_566 = arith.index_cast %get3A_565 : i32 to index
    %get3A_567 = arith.constant 32 : index
    %get3A_568 = tpu.vector_load %arg13[%get3A_566, %get3A_567] {strides = array<i32>} : memref<16x128xi32, #tpu.memory_space<vmem>>, vector<16xi32>,
    %add3A_569 = arith.addi %add3A_564, %get3A_568 : vector<16xi32>
    %get3A_570 = arith.constant 15 : i32
    %get3A_571 = arith.index_cast %get3A_570 : i32 to index
    %get3A_572 = arith.constant 32 : index
    %get3A_573 = tpu.vector_load %arg13[%get3A_571, %get3A_572] {strides = array<i32>} : memref<16x128xi32, #tpu.memory_space<vmem>>, vector<16xi32>,
    %add3A_574 = arith.addi %add3A_569, %get3A_573 : vector<16xi32>
    %swap3A_575 = arith.constant 32 : index
    %swap3A_576 = tpu.vector_load %arg14[%swap3A_575] {strides = array<i32>} : memref<128xi32, #tpu.memory_space<vmem>>, vector<16xi32>,
    tpu.vector_store %arg14[%swap3A_575], %add3A_574 {strides = array<i32>} : memref<128xi32, #tpu.memory_space<vmem>>, vector<16xi32>,
    %get3A_577 = arith.constant 0 : i32
    %get3A_578 = arith.index_cast %get3A_577 : i32 to index
    %get3A_579 = arith.constant 48 : index
    %get3A_580 = tpu.vector_load %arg13[%get3A_578, %get3A_579] {strides = array<i32>} : memref<16x128xi32, #tpu.memory_space<vmem>>, vector<16xi32>,
    %add3A_581 = arith.addi %broadcast_in_dim3A_1, %get3A_580 : vector<16xi32>
    %get3A_582 = arith.constant 1 : i32
    %get3A_583 = arith.index_cast %get3A_582 : i32 to index
    %get3A_584 = arith.constant 48 : index
    %get3A_585 = tpu.vector_load %arg13[%get3A_583, %get3A_584] {strides = array<i32>} : memref<16x128xi32, #tpu.memory_space<vmem>>, vector<16xi32>,
    %add3A_586 = arith.addi %add3A_581, %get3A_585 : vector<16xi32>
    %get3A_587 = arith.constant 2 : i32
    %get3A_588 = arith.index_cast %get3A_587 : i32 to index
    %get3A_589 = arith.constant 48 : index
    %get3A_590 = tpu.vector_load %arg13[%get3A_588, %get3A_589] {strides = array<i32>} : memref<16x128xi32, #tpu.memory_space<vmem>>, vector<16xi32>,
    %add3A_591 = arith.addi %add3A_586, %get3A_590 : vector<16xi32>
    %get3A_592 = arith.constant 3 : i32
    %get3A_593 = arith.index_cast %get3A_592 : i32 to index
    %get3A_594 = arith.constant 48 : index
    %get3A_595 = tpu.vector_load %arg13[%get3A_593, %get3A_594] {strides = array<i32>} : memref<16x128xi32, #tpu.memory_space<vmem>>, vector<16xi32>,
    %add3A_596 = arith.addi %add3A_591, %get3A_595 : vector<16xi32>
    %get3A_597 = arith.constant 4 : i32
    %get3A_598 = arith.index_cast %get3A_597 : i32 to index
    %get3A_599 = arith.constant 48 : index
    %get3A_600 = tpu.vector_load %arg13[%get3A_598, %get3A_599] {strides = array<i32>} : memref<16x128xi32, #tpu.memory_space<vmem>>, vector<16xi32>,
    %add3A_601 = arith.addi %add3A_596, %get3A_600 : vector<16xi32>
    %get3A_602 = arith.constant 5 : i32
    %get3A_603 = arith.index_cast %get3A_602 : i32 to index
    %get3A_604 = arith.constant 48 : index
    %get3A_605 = tpu.vector_load %arg13[%get3A_603, %get3A_604] {strides = array<i32>} : memref<16x128xi32, #tpu.memory_space<vmem>>, vector<16xi32>,
    %add3A_606 = arith.addi %add3A_601, %get3A_605 : vector<16xi32>
    %get3A_607 = arith.constant 6 : i32
    %get3A_608 = arith.index_cast %get3A_607 : i32 to index
    %get3A_609 = arith.constant 48 : index
    %get3A_610 = tpu.vector_load %arg13[%get3A_608, %get3A_609] {strides = array<i32>} : memref<16x128xi32, #tpu.memory_space<vmem>>, vector<16xi32>,
    %add3A_611 = arith.addi %add3A_606, %get3A_610 : vector<16xi32>
    %get3A_612 = arith.constant 7 : i32
    %get3A_613 = arith.index_cast %get3A_612 : i32 to index
    %get3A_614 = arith.constant 48 : index
    %get3A_615 = tpu.vector_load %arg13[%get3A_613, %get3A_614] {strides = array<i32>} : memref<16x128xi32, #tpu.memory_space<vmem>>, vector<16xi32>,
    %add3A_616 = arith.addi %add3A_611, %get3A_615 : vector<16xi32>
    %get3A_617 = arith.constant 8 : i32
    %get3A_618 = arith.index_cast %get3A_617 : i32 to index
    %get3A_619 = arith.constant 48 : index
    %get3A_620 = tpu.vector_load %arg13[%get3A_618, %get3A_619] {strides = array<i32>} : memref<16x128xi32, #tpu.memory_space<vmem>>, vector<16xi32>,
    %add3A_621 = arith.addi %add3A_616, %get3A_620 : vector<16xi32>
    %get3A_622 = arith.constant 9 : i32
    %get3A_623 = arith.index_cast %get3A_622 : i32 to index
    %get3A_624 = arith.constant 48 : index
    %get3A_625 = tpu.vector_load %arg13[%get3A_623, %get3A_624] {strides = array<i32>} : memref<16x128xi32, #tpu.memory_space<vmem>>, vector<16xi32>,
    %add3A_626 = arith.addi %add3A_621, %get3A_625 : vector<16xi32>
    %get3A_627 = arith.constant 10 : i32
    %get3A_628 = arith.index_cast %get3A_627 : i32 to index
    %get3A_629 = arith.constant 48 : index
    %get3A_630 = tpu.vector_load %arg13[%get3A_628, %get3A_629] {strides = array<i32>} : memref<16x128xi32, #tpu.memory_space<vmem>>, vector<16xi32>,
    %add3A_631 = arith.addi %add3A_626, %get3A_630 : vector<16xi32>
    %get3A_632 = arith.constant 11 : i32
    %get3A_633 = arith.index_cast %get3A_632 : i32 to index
    %get3A_634 = arith.constant 48 : index
    %get3A_635 = tpu.vector_load %arg13[%get3A_633, %get3A_634] {strides = array<i32>} : memref<16x128xi32, #tpu.memory_space<vmem>>, vector<16xi32>,
    %add3A_636 = arith.addi %add3A_631, %get3A_635 : vector<16xi32>
    %get3A_637 = arith.constant 12 : i32
    %get3A_638 = arith.index_cast %get3A_637 : i32 to index
    %get3A_639 = arith.constant 48 : index
    %get3A_640 = tpu.vector_load %arg13[%get3A_638, %get3A_639] {strides = array<i32>} : memref<16x128xi32, #tpu.memory_space<vmem>>, vector<16xi32>,
    %add3A_641 = arith.addi %add3A_636, %get3A_640 : vector<16xi32>
    %get3A_642 = arith.constant 13 : i32
    %get3A_643 = arith.index_cast %get3A_642 : i32 to index
    %get3A_644 = arith.constant 48 : index
    %get3A_645 = tpu.vector_load %arg13[%get3A_643, %get3A_644] {strides = array<i32>} : memref<16x128xi32, #tpu.memory_space<vmem>>, vector<16xi32>,
    %add3A_646 = arith.addi %add3A_641, %get3A_645 : vector<16xi32>
    %get3A_647 = arith.constant 14 : i32
    %get3A_648 = arith.index_cast %get3A_647 : i32 to index
    %get3A_649 = arith.constant 48 : index
    %get3A_650 = tpu.vector_load %arg13[%get3A_648, %get3A_649] {strides = array<i32>} : memref<16x128xi32, #tpu.memory_space<vmem>>, vector<16xi32>,
    %add3A_651 = arith.addi %add3A_646, %get3A_650 : vector<16xi32>
    %get3A_652 = arith.constant 15 : i32
    %get3A_653 = arith.index_cast %get3A_652 : i32 to index
    %get3A_654 = arith.constant 48 : index
    %get3A_655 = tpu.vector_load %arg13[%get3A_653, %get3A_654] {strides = array<i32>} : memref<16x128xi32, #tpu.memory_space<vmem>>, vector<16xi32>,
    %add3A_656 = arith.addi %add3A_651, %get3A_655 : vector<16xi32>
    %swap3A_657 = arith.constant 48 : index
    %swap3A_658 = tpu.vector_load %arg14[%swap3A_657] {strides = array<i32>} : memref<128xi32, #tpu.memory_space<vmem>>, vector<16xi32>,
    tpu.vector_store %arg14[%swap3A_657], %add3A_656 {strides = array<i32>} : memref<128xi32, #tpu.memory_space<vmem>>, vector<16xi32>,
    %get3A_659 = arith.constant 0 : i32
    %get3A_660 = arith.index_cast %get3A_659 : i32 to index
    %get3A_661 = arith.constant 64 : index
    %get3A_662 = tpu.vector_load %arg13[%get3A_660, %get3A_661] {strides = array<i32>} : memref<16x128xi32, #tpu.memory_space<vmem>>, vector<16xi32>,
    %add3A_663 = arith.addi %broadcast_in_dim3A_1, %get3A_662 : vector<16xi32>
    %get3A_664 = arith.constant 1 : i32
    %get3A_665 = arith.index_cast %get3A_664 : i32 to index
    %get3A_666 = arith.constant 64 : index
    %get3A_667 = tpu.vector_load %arg13[%get3A_665, %get3A_666] {strides = array<i32>} : memref<16x128xi32, #tpu.memory_space<vmem>>, vector<16xi32>,
    %add3A_668 = arith.addi %add3A_663, %get3A_667 : vector<16xi32>
    %get3A_669 = arith.constant 2 : i32
    %get3A_670 = arith.index_cast %get3A_669 : i32 to index
    %get3A_671 = arith.constant 64 : index
    %get3A_672 = tpu.vector_load %arg13[%get3A_670, %get3A_671] {strides = array<i32>} : memref<16x128xi32, #tpu.memory_space<vmem>>, vector<16xi32>,
    %add3A_673 = arith.addi %add3A_668, %get3A_672 : vector<16xi32>
    %get3A_674 = arith.constant 3 : i32
    %get3A_675 = arith.index_cast %get3A_674 : i32 to index
    %get3A_676 = arith.constant 64 : index
    %get3A_677 = tpu.vector_load %arg13[%get3A_675, %get3A_676] {strides = array<i32>} : memref<16x128xi32, #tpu.memory_space<vmem>>, vector<16xi32>,
    %add3A_678 = arith.addi %add3A_673, %get3A_677 : vector<16xi32>
    %get3A_679 = arith.constant 4 : i32
    %get3A_680 = arith.index_cast %get3A_679 : i32 to index
    %get3A_681 = arith.constant 64 : index
    %get3A_682 = tpu.vector_load %arg13[%get3A_680, %get3A_681] {strides = array<i32>} : memref<16x128xi32, #tpu.memory_space<vmem>>, vector<16xi32>,
    %add3A_683 = arith.addi %add3A_678, %get3A_682 : vector<16xi32>
    %get3A_684 = arith.constant 5 : i32
    %get3A_685 = arith.index_cast %get3A_684 : i32 to index
    %get3A_686 = arith.constant 64 : index
    %get3A_687 = tpu.vector_load %arg13[%get3A_685, %get3A_686] {strides = array<i32>} : memref<16x128xi32, #tpu.memory_space<vmem>>, vector<16xi32>,
    %add3A_688 = arith.addi %add3A_683, %get3A_687 : vector<16xi32>
    %get3A_689 = arith.constant 6 : i32
    %get3A_690 = arith.index_cast %get3A_689 : i32 to index
    %get3A_691 = arith.constant 64 : index
    %get3A_692 = tpu.vector_load %arg13[%get3A_690, %get3A_691] {strides = array<i32>} : memref<16x128xi32, #tpu.memory_space<vmem>>, vector<16xi32>,
    %add3A_693 = arith.addi %add3A_688, %get3A_692 : vector<16xi32>
    %get3A_694 = arith.constant 7 : i32
    %get3A_695 = arith.index_cast %get3A_694 : i32 to index
    %get3A_696 = arith.constant 64 : index
    %get3A_697 = tpu.vector_load %arg13[%get3A_695, %get3A_696] {strides = array<i32>} : memref<16x128xi32, #tpu.memory_space<vmem>>, vector<16xi32>,
    %add3A_698 = arith.addi %add3A_693, %get3A_697 : vector<16xi32>
    %get3A_699 = arith.constant 8 : i32
    %get3A_700 = arith.index_cast %get3A_699 : i32 to index
    %get3A_701 = arith.constant 64 : index
    %get3A_702 = tpu.vector_load %arg13[%get3A_700, %get3A_701] {strides = array<i32>} : memref<16x128xi32, #tpu.memory_space<vmem>>, vector<16xi32>,
    %add3A_703 = arith.addi %add3A_698, %get3A_702 : vector<16xi32>
    %get3A_704 = arith.constant 9 : i32
    %get3A_705 = arith.index_cast %get3A_704 : i32 to index
    %get3A_706 = arith.constant 64 : index
    %get3A_707 = tpu.vector_load %arg13[%get3A_705, %get3A_706] {strides = array<i32>} : memref<16x128xi32, #tpu.memory_space<vmem>>, vector<16xi32>,
    %add3A_708 = arith.addi %add3A_703, %get3A_707 : vector<16xi32>
    %get3A_709 = arith.constant 10 : i32
    %get3A_710 = arith.index_cast %get3A_709 : i32 to index
    %get3A_711 = arith.constant 64 : index
    %get3A_712 = tpu.vector_load %arg13[%get3A_710, %get3A_711] {strides = array<i32>} : memref<16x128xi32, #tpu.memory_space<vmem>>, vector<16xi32>,
    %add3A_713 = arith.addi %add3A_708, %get3A_712 : vector<16xi32>
    %get3A_714 = arith.constant 11 : i32
    %get3A_715 = arith.index_cast %get3A_714 : i32 to index
    %get3A_716 = arith.constant 64 : index
    %get3A_717 = tpu.vector_load %arg13[%get3A_715, %get3A_716] {strides = array<i32>} : memref<16x128xi32, #tpu.memory_space<vmem>>, vector<16xi32>,
    %add3A_718 = arith.addi %add3A_713, %get3A_717 : vector<16xi32>
    %get3A_719 = arith.constant 12 : i32
    %get3A_720 = arith.index_cast %get3A_719 : i32 to index
    %get3A_721 = arith.constant 64 : index
    %get3A_722 = tpu.vector_load %arg13[%get3A_720, %get3A_721] {strides = array<i32>} : memref<16x128xi32, #tpu.memory_space<vmem>>, vector<16xi32>,
    %add3A_723 = arith.addi %add3A_718, %get3A_722 : vector<16xi32>
    %get3A_724 = arith.constant 13 : i32
    %get3A_725 = arith.index_cast %get3A_724 : i32 to index
    %get3A_726 = arith.constant 64 : index
    %get3A_727 = tpu.vector_load %arg13[%get3A_725, %get3A_726] {strides = array<i32>} : memref<16x128xi32, #tpu.memory_space<vmem>>, vector<16xi32>,
    %add3A_728 = arith.addi %add3A_723, %get3A_727 : vector<16xi32>
    %get3A_729 = arith.constant 14 : i32
    %get3A_730 = arith.index_cast %get3A_729 : i32 to index
    %get3A_731 = arith.constant 64 : index
    %get3A_732 = tpu.vector_load %arg13[%get3A_730, %get3A_731] {strides = array<i32>} : memref<16x128xi32, #tpu.memory_space<vmem>>, vector<16xi32>,
    %add3A_733 = arith.addi %add3A_728, %get3A_732 : vector<16xi32>
    %get3A_734 = arith.constant 15 : i32
    %get3A_735 = arith.index_cast %get3A_734 : i32 to index
    %get3A_736 = arith.constant 64 : index
    %get3A_737 = tpu.vector_load %arg13[%get3A_735, %get3A_736] {strides = array<i32>} : memref<16x128xi32, #tpu.memory_space<vmem>>, vector<16xi32>,
    %add3A_738 = arith.addi %add3A_733, %get3A_737 : vector<16xi32>
    %swap3A_739 = arith.constant 64 : index
    %swap3A_740 = tpu.vector_load %arg14[%swap3A_739] {strides = array<i32>} : memref<128xi32, #tpu.memory_space<vmem>>, vector<16xi32>,
    tpu.vector_store %arg14[%swap3A_739], %add3A_738 {strides = array<i32>} : memref<128xi32, #tpu.memory_space<vmem>>, vector<16xi32>,
    %get3A_741 = arith.constant 0 : i32
    %get3A_742 = arith.index_cast %get3A_741 : i32 to index
    %get3A_743 = arith.constant 80 : index
    %get3A_744 = tpu.vector_load %arg13[%get3A_742, %get3A_743] {strides = array<i32>} : memref<16x128xi32, #tpu.memory_space<vmem>>, vector<16xi32>,
    %add3A_745 = arith.addi %broadcast_in_dim3A_1, %get3A_744 : vector<16xi32>
    %get3A_746 = arith.constant 1 : i32
    %get3A_747 = arith.index_cast %get3A_746 : i32 to index
    %get3A_748 = arith.constant 80 : index
    %get3A_749 = tpu.vector_load %arg13[%get3A_747, %get3A_748] {strides = array<i32>} : memref<16x128xi32, #tpu.memory_space<vmem>>, vector<16xi32>,
    %add3A_750 = arith.addi %add3A_745, %get3A_749 : vector<16xi32>
    %get3A_751 = arith.constant 2 : i32
    %get3A_752 = arith.index_cast %get3A_751 : i32 to index
    %get3A_753 = arith.constant 80 : index
    %get3A_754 = tpu.vector_load %arg13[%get3A_752, %get3A_753] {strides = array<i32>} : memref<16x128xi32, #tpu.memory_space<vmem>>, vector<16xi32>,
    %add3A_755 = arith.addi %add3A_750, %get3A_754 : vector<16xi32>
    %get3A_756 = arith.constant 3 : i32
    %get3A_757 = arith.index_cast %get3A_756 : i32 to index
    %get3A_758 = arith.constant 80 : index
    %get3A_759 = tpu.vector_load %arg13[%get3A_757, %get3A_758] {strides = array<i32>} : memref<16x128xi32, #tpu.memory_space<vmem>>, vector<16xi32>,
    %add3A_760 = arith.addi %add3A_755, %get3A_759 : vector<16xi32>
    %get3A_761 = arith.constant 4 : i32
    %get3A_762 = arith.index_cast %get3A_761 : i32 to index
    %get3A_763 = arith.constant 80 : index
    %get3A_764 = tpu.vector_load %arg13[%get3A_762, %get3A_763] {strides = array<i32>} : memref<16x128xi32, #tpu.memory_space<vmem>>, vector<16xi32>,
    %add3A_765 = arith.addi %add3A_760, %get3A_764 : vector<16xi32>
    %get3A_766 = arith.constant 5 : i32
    %get3A_767 = arith.index_cast %get3A_766 : i32 to index
    %get3A_768 = arith.constant 80 : index
    %get3A_769 = tpu.vector_load %arg13[%get3A_767, %get3A_768] {strides = array<i32>} : memref<16x128xi32, #tpu.memory_space<vmem>>, vector<16xi32>,
    %add3A_770 = arith.addi %add3A_765, %get3A_769 : vector<16xi32>
    %get3A_771 = arith.constant 6 : i32
    %get3A_772 = arith.index_cast %get3A_771 : i32 to index
    %get3A_773 = arith.constant 80 : index
    %get3A_774 = tpu.vector_load %arg13[%get3A_772, %get3A_773] {strides = array<i32>} : memref<16x128xi32, #tpu.memory_space<vmem>>, vector<16xi32>,
    %add3A_775 = arith.addi %add3A_770, %get3A_774 : vector<16xi32>
    %get3A_776 = arith.constant 7 : i32
    %get3A_777 = arith.index_cast %get3A_776 : i32 to index
    %get3A_778 = arith.constant 80 : index
    %get3A_779 = tpu.vector_load %arg13[%get3A_777, %get3A_778] {strides = array<i32>} : memref<16x128xi32, #tpu.memory_space<vmem>>, vector<16xi32>,
    %add3A_780 = arith.addi %add3A_775, %get3A_779 : vector<16xi32>
    %get3A_781 = arith.constant 8 : i32
    %get3A_782 = arith.index_cast %get3A_781 : i32 to index
    %get3A_783 = arith.constant 80 : index
    %get3A_784 = tpu.vector_load %arg13[%get3A_782, %get3A_783] {strides = array<i32>} : memref<16x128xi32, #tpu.memory_space<vmem>>, vector<16xi32>,
    %add3A_785 = arith.addi %add3A_780, %get3A_784 : vector<16xi32>
    %get3A_786 = arith.constant 9 : i32
    %get3A_787 = arith.index_cast %get3A_786 : i32 to index
    %get3A_788 = arith.constant 80 : index
    %get3A_789 = tpu.vector_load %arg13[%get3A_787, %get3A_788] {strides = array<i32>} : memref<16x128xi32, #tpu.memory_space<vmem>>, vector<16xi32>,
    %add3A_790 = arith.addi %add3A_785, %get3A_789 : vector<16xi32>
    %get3A_791 = arith.constant 10 : i32
    %get3A_792 = arith.index_cast %get3A_791 : i32 to index
    %get3A_793 = arith.constant 80 : index
    %get3A_794 = tpu.vector_load %arg13[%get3A_792, %get3A_793] {strides = array<i32>} : memref<16x128xi32, #tpu.memory_space<vmem>>, vector<16xi32>,
    %add3A_795 = arith.addi %add3A_790, %get3A_794 : vector<16xi32>
    %get3A_796 = arith.constant 11 : i32
    %get3A_797 = arith.index_cast %get3A_796 : i32 to index
    %get3A_798 = arith.constant 80 : index
    %get3A_799 = tpu.vector_load %arg13[%get3A_797, %get3A_798] {strides = array<i32>} : memref<16x128xi32, #tpu.memory_space<vmem>>, vector<16xi32>,
    %add3A_800 = arith.addi %add3A_795, %get3A_799 : vector<16xi32>
    %get3A_801 = arith.constant 12 : i32
    %get3A_802 = arith.index_cast %get3A_801 : i32 to index
    %get3A_803 = arith.constant 80 : index
    %get3A_804 = tpu.vector_load %arg13[%get3A_802, %get3A_803] {strides = array<i32>} : memref<16x128xi32, #tpu.memory_space<vmem>>, vector<16xi32>,
    %add3A_805 = arith.addi %add3A_800, %get3A_804 : vector<16xi32>
    %get3A_806 = arith.constant 13 : i32
    %get3A_807 = arith.index_cast %get3A_806 : i32 to index
    %get3A_808 = arith.constant 80 : index
    %get3A_809 = tpu.vector_load %arg13[%get3A_807, %get3A_808] {strides = array<i32>} : memref<16x128xi32, #tpu.memory_space<vmem>>, vector<16xi32>,
    %add3A_810 = arith.addi %add3A_805, %get3A_809 : vector<16xi32>
    %get3A_811 = arith.constant 14 : i32
    %get3A_812 = arith.index_cast %get3A_811 : i32 to index
    %get3A_813 = arith.constant 80 : index
    %get3A_814 = tpu.vector_load %arg13[%get3A_812, %get3A_813] {strides = array<i32>} : memref<16x128xi32, #tpu.memory_space<vmem>>, vector<16xi32>,
    %add3A_815 = arith.addi %add3A_810, %get3A_814 : vector<16xi32>
    %get3A_816 = arith.constant 15 : i32
    %get3A_817 = arith.index_cast %get3A_816 : i32 to index
    %get3A_818 = arith.constant 80 : index
    %get3A_819 = tpu.vector_load %arg13[%get3A_817, %get3A_818] {strides = array<i32>} : memref<16x128xi32, #tpu.memory_space<vmem>>, vector<16xi32>,
    %add3A_820 = arith.addi %add3A_815, %get3A_819 : vector<16xi32>
    %swap3A_821 = arith.constant 80 : index
    %swap3A_822 = tpu.vector_load %arg14[%swap3A_821] {strides = array<i32>} : memref<128xi32, #tpu.memory_space<vmem>>, vector<16xi32>,
    tpu.vector_store %arg14[%swap3A_821], %add3A_820 {strides = array<i32>} : memref<128xi32, #tpu.memory_space<vmem>>, vector<16xi32>,
    %get3A_823 = arith.constant 0 : i32
    %get3A_824 = arith.index_cast %get3A_823 : i32 to index
    %get3A_825 = arith.constant 96 : index
    %get3A_826 = tpu.vector_load %arg13[%get3A_824, %get3A_825] {strides = array<i32>} : memref<16x128xi32, #tpu.memory_space<vmem>>, vector<16xi32>,
    %add3A_827 = arith.addi %broadcast_in_dim3A_1, %get3A_826 : vector<16xi32>
    %get3A_828 = arith.constant 1 : i32
    %get3A_829 = arith.index_cast %get3A_828 : i32 to index
    %get3A_830 = arith.constant 96 : index
    %get3A_831 = tpu.vector_load %arg13[%get3A_829, %get3A_830] {strides = array<i32>} : memref<16x128xi32, #tpu.memory_space<vmem>>, vector<16xi32>,
    %add3A_832 = arith.addi %add3A_827, %get3A_831 : vector<16xi32>
    %get3A_833 = arith.constant 2 : i32
    %get3A_834 = arith.index_cast %get3A_833 : i32 to index
    %get3A_835 = arith.constant 96 : index
    %get3A_836 = tpu.vector_load %arg13[%get3A_834, %get3A_835] {strides = array<i32>} : memref<16x128xi32, #tpu.memory_space<vmem>>, vector<16xi32>,
    %add3A_837 = arith.addi %add3A_832, %get3A_836 : vector<16xi32>
    %get3A_838 = arith.constant 3 : i32
    %get3A_839 = arith.index_cast %get3A_838 : i32 to index
    %get3A_840 = arith.constant 96 : index
    %get3A_841 = tpu.vector_load %arg13[%get3A_839, %get3A_840] {strides = array<i32>} : memref<16x128xi32, #tpu.memory_space<vmem>>, vector<16xi32>,
    %add3A_842 = arith.addi %add3A_837, %get3A_841 : vector<16xi32>
    %get3A_843 = arith.constant 4 : i32
    %get3A_844 = arith.index_cast %get3A_843 : i32 to index
    %get3A_845 = arith.constant 96 : index
    %get3A_846 = tpu.vector_load %arg13[%get3A_844, %get3A_845] {strides = array<i32>} : memref<16x128xi32, #tpu.memory_space<vmem>>, vector<16xi32>,
    %add3A_847 = arith.addi %add3A_842, %get3A_846 : vector<16xi32>
    %get3A_848 = arith.constant 5 : i32
    %get3A_849 = arith.index_cast %get3A_848 : i32 to index
    %get3A_850 = arith.constant 96 : index
    %get3A_851 = tpu.vector_load %arg13[%get3A_849, %get3A_850] {strides = array<i32>} : memref<16x128xi32, #tpu.memory_space<vmem>>, vector<16xi32>,
    %add3A_852 = arith.addi %add3A_847, %get3A_851 : vector<16xi32>
    %get3A_853 = arith.constant 6 : i32
    %get3A_854 = arith.index_cast %get3A_853 : i32 to index
    %get3A_855 = arith.constant 96 : index
    %get3A_856 = tpu.vector_load %arg13[%get3A_854, %get3A_855] {strides = array<i32>} : memref<16x128xi32, #tpu.memory_space<vmem>>, vector<16xi32>,
    %add3A_857 = arith.addi %add3A_852, %get3A_856 : vector<16xi32>
    %get3A_858 = arith.constant 7 : i32
    %get3A_859 = arith.index_cast %get3A_858 : i32 to index
    %get3A_860 = arith.constant 96 : index
    %get3A_861 = tpu.vector_load %arg13[%get3A_859, %get3A_860] {strides = array<i32>} : memref<16x128xi32, #tpu.memory_space<vmem>>, vector<16xi32>,
    %add3A_862 = arith.addi %add3A_857, %get3A_861 : vector<16xi32>
    %get3A_863 = arith.constant 8 : i32
    %get3A_864 = arith.index_cast %get3A_863 : i32 to index
    %get3A_865 = arith.constant 96 : index
    %get3A_866 = tpu.vector_load %arg13[%get3A_864, %get3A_865] {strides = array<i32>} : memref<16x128xi32, #tpu.memory_space<vmem>>, vector<16xi32>,
    %add3A_867 = arith.addi %add3A_862, %get3A_866 : vector<16xi32>
    %get3A_868 = arith.constant 9 : i32
    %get3A_869 = arith.index_cast %get3A_868 : i32 to index
    %get3A_870 = arith.constant 96 : index
    %get3A_871 = tpu.vector_load %arg13[%get3A_869, %get3A_870] {strides = array<i32>} : memref<16x128xi32, #tpu.memory_space<vmem>>, vector<16xi32>,
    %add3A_872 = arith.addi %add3A_867, %get3A_871 : vector<16xi32>
    %get3A_873 = arith.constant 10 : i32
    %get3A_874 = arith.index_cast %get3A_873 : i32 to index
    %get3A_875 = arith.constant 96 : index
    %get3A_876 = tpu.vector_load %arg13[%get3A_874, %get3A_875] {strides = array<i32>} : memref<16x128xi32, #tpu.memory_space<vmem>>, vector<16xi32>,
    %add3A_877 = arith.addi %add3A_872, %get3A_876 : vector<16xi32>
    %get3A_878 = arith.constant 11 : i32
    %get3A_879 = arith.index_cast %get3A_878 : i32 to index
    %get3A_880 = arith.constant 96 : index
    %get3A_881 = tpu.vector_load %arg13[%get3A_879, %get3A_880] {strides = array<i32>} : memref<16x128xi32, #tpu.memory_space<vmem>>, vector<16xi32>,
    %add3A_882 = arith.addi %add3A_877, %get3A_881 : vector<16xi32>
    %get3A_883 = arith.constant 12 : i32
    %get3A_884 = arith.index_cast %get3A_883 : i32 to index
    %get3A_885 = arith.constant 96 : index
    %get3A_886 = tpu.vector_load %arg13[%get3A_884, %get3A_885] {strides = array<i32>} : memref<16x128xi32, #tpu.memory_space<vmem>>, vector<16xi32>,
    %add3A_887 = arith.addi %add3A_882, %get3A_886 : vector<16xi32>
    %get3A_888 = arith.constant 13 : i32
    %get3A_889 = arith.index_cast %get3A_888 : i32 to index
    %get3A_890 = arith.constant 96 : index
    %get3A_891 = tpu.vector_load %arg13[%get3A_889, %get3A_890] {strides = array<i32>} : memref<16x128xi32, #tpu.memory_space<vmem>>, vector<16xi32>,
    %add3A_892 = arith.addi %add3A_887, %get3A_891 : vector<16xi32>
    %get3A_893 = arith.constant 14 : i32
    %get3A_894 = arith.index_cast %get3A_893 : i32 to index
    %get3A_895 = arith.constant 96 : index
    %get3A_896 = tpu.vector_load %arg13[%get3A_894, %get3A_895] {strides = array<i32>} : memref<16x128xi32, #tpu.memory_space<vmem>>, vector<16xi32>,
    %add3A_897 = arith.addi %add3A_892, %get3A_896 : vector<16xi32>
    %get3A_898 = arith.constant 15 : i32
    %get3A_899 = arith.index_cast %get3A_898 : i32 to index
    %get3A_900 = arith.constant 96 : index
    %get3A_901 = tpu.vector_load %arg13[%get3A_899, %get3A_900] {strides = array<i32>} : memref<16x128xi32, #tpu.memory_space<vmem>>, vector<16xi32>,
    %add3A_902 = arith.addi %add3A_897, %get3A_901 : vector<16xi32>
    %swap3A_903 = arith.constant 96 : index
    %swap3A_904 = tpu.vector_load %arg14[%swap3A_903] {strides = array<i32>} : memref<128xi32, #tpu.memory_space<vmem>>, vector<16xi32>,
    tpu.vector_store %arg14[%swap3A_903], %add3A_902 {strides = array<i32>} : memref<128xi32, #tpu.memory_space<vmem>>, vector<16xi32>,
    %get3A_905 = arith.constant 0 : i32
    %get3A_906 = arith.index_cast %get3A_905 : i32 to index
    %get3A_907 = arith.constant 112 : index
    %get3A_908 = tpu.vector_load %arg13[%get3A_906, %get3A_907] {strides = array<i32>} : memref<16x128xi32, #tpu.memory_space<vmem>>, vector<16xi32>,
    %add3A_909 = arith.addi %broadcast_in_dim3A_1, %get3A_908 : vector<16xi32>
    %get3A_910 = arith.constant 1 : i32
    %get3A_911 = arith.index_cast %get3A_910 : i32 to index
    %get3A_912 = arith.constant 112 : index
    %get3A_913 = tpu.vector_load %arg13[%get3A_911, %get3A_912] {strides = array<i32>} : memref<16x128xi32, #tpu.memory_space<vmem>>, vector<16xi32>,
    %add3A_914 = arith.addi %add3A_909, %get3A_913 : vector<16xi32>
    %get3A_915 = arith.constant 2 : i32
    %get3A_916 = arith.index_cast %get3A_915 : i32 to index
    %get3A_917 = arith.constant 112 : index
    %get3A_918 = tpu.vector_load %arg13[%get3A_916, %get3A_917] {strides = array<i32>} : memref<16x128xi32, #tpu.memory_space<vmem>>, vector<16xi32>,
    %add3A_919 = arith.addi %add3A_914, %get3A_918 : vector<16xi32>
    %get3A_920 = arith.constant 3 : i32
    %get3A_921 = arith.index_cast %get3A_920 : i32 to index
    %get3A_922 = arith.constant 112 : index
    %get3A_923 = tpu.vector_load %arg13[%get3A_921, %get3A_922] {strides = array<i32>} : memref<16x128xi32, #tpu.memory_space<vmem>>, vector<16xi32>,
    %add3A_924 = arith.addi %add3A_919, %get3A_923 : vector<16xi32>
    %get3A_925 = arith.constant 4 : i32
    %get3A_926 = arith.index_cast %get3A_925 : i32 to index
    %get3A_927 = arith.constant 112 : index
    %get3A_928 = tpu.vector_load %arg13[%get3A_926, %get3A_927] {strides = array<i32>} : memref<16x128xi32, #tpu.memory_space<vmem>>, vector<16xi32>,
    %add3A_929 = arith.addi %add3A_924, %get3A_928 : vector<16xi32>
    %get3A_930 = arith.constant 5 : i32
    %get3A_931 = arith.index_cast %get3A_930 : i32 to index
    %get3A_932 = arith.constant 112 : index
    %get3A_933 = tpu.vector_load %arg13[%get3A_931, %get3A_932] {strides = array<i32>} : memref<16x128xi32, #tpu.memory_space<vmem>>, vector<16xi32>,
    %add3A_934 = arith.addi %add3A_929, %get3A_933 : vector<16xi32>
    %get3A_935 = arith.constant 6 : i32
    %get3A_936 = arith.index_cast %get3A_935 : i32 to index
    %get3A_937 = arith.constant 112 : index
    %get3A_938 = tpu.vector_load %arg13[%get3A_936, %get3A_937] {strides = array<i32>} : memref<16x128xi32, #tpu.memory_space<vmem>>, vector<16xi32>,
    %add3A_939 = arith.addi %add3A_934, %get3A_938 : vector<16xi32>
    %get3A_940 = arith.constant 7 : i32
    %get3A_941 = arith.index_cast %get3A_940 : i32 to index
    %get3A_942 = arith.constant 112 : index
    %get3A_943 = tpu.vector_load %arg13[%get3A_941, %get3A_942] {strides = array<i32>} : memref<16x128xi32, #tpu.memory_space<vmem>>, vector<16xi32>,
    %add3A_944 = arith.addi %add3A_939, %get3A_943 : vector<16xi32>
    %get3A_945 = arith.constant 8 : i32
    %get3A_946 = arith.index_cast %get3A_945 : i32 to index
    %get3A_947 = arith.constant 112 : index
    %get3A_948 = tpu.vector_load %arg13[%get3A_946, %get3A_947] {strides = array<i32>} : memref<16x128xi32, #tpu.memory_space<vmem>>, vector<16xi32>,
    %add3A_949 = arith.addi %add3A_944, %get3A_948 : vector<16xi32>
    %get3A_950 = arith.constant 9 : i32
    %get3A_951 = arith.index_cast %get3A_950 : i32 to index
    %get3A_952 = arith.constant 112 : index
    %get3A_953 = tpu.vector_load %arg13[%get3A_951, %get3A_952] {strides = array<i32>} : memref<16x128xi32, #tpu.memory_space<vmem>>, vector<16xi32>,
    %add3A_954 = arith.addi %add3A_949, %get3A_953 : vector<16xi32>
    %get3A_955 = arith.constant 10 : i32
    %get3A_956 = arith.index_cast %get3A_955 : i32 to index
    %get3A_957 = arith.constant 112 : index
    %get3A_958 = tpu.vector_load %arg13[%get3A_956, %get3A_957] {strides = array<i32>} : memref<16x128xi32, #tpu.memory_space<vmem>>, vector<16xi32>,
    %add3A_959 = arith.addi %add3A_954, %get3A_958 : vector<16xi32>
    %get3A_960 = arith.constant 11 : i32
    %get3A_961 = arith.index_cast %get3A_960 : i32 to index
    %get3A_962 = arith.constant 112 : index
    %get3A_963 = tpu.vector_load %arg13[%get3A_961, %get3A_962] {strides = array<i32>} : memref<16x128xi32, #tpu.memory_space<vmem>>, vector<16xi32>,
    %add3A_964 = arith.addi %add3A_959, %get3A_963 : vector<16xi32>
    %get3A_965 = arith.constant 12 : i32
    %get3A_966 = arith.index_cast %get3A_965 : i32 to index
    %get3A_967 = arith.constant 112 : index
    %get3A_968 = tpu.vector_load %arg13[%get3A_966, %get3A_967] {strides = array<i32>} : memref<16x128xi32, #tpu.memory_space<vmem>>, vector<16xi32>,
    %add3A_969 = arith.addi %add3A_964, %get3A_968 : vector<16xi32>
    %get3A_970 = arith.constant 13 : i32
    %get3A_971 = arith.index_cast %get3A_970 : i32 to index
    %get3A_972 = arith.constant 112 : index
    %get3A_973 = tpu.vector_load %arg13[%get3A_971, %get3A_972] {strides = array<i32>} : memref<16x128xi32, #tpu.memory_space<vmem>>, vector<16xi32>,
    %add3A_974 = arith.addi %add3A_969, %get3A_973 : vector<16xi32>
    %get3A_975 = arith.constant 14 : i32
    %get3A_976 = arith.index_cast %get3A_975 : i32 to index
    %get3A_977 = arith.constant 112 : index
    %get3A_978 = tpu.vector_load %arg13[%get3A_976, %get3A_977] {strides = array<i32>} : memref<16x128xi32, #tpu.memory_space<vmem>>, vector<16xi32>,
    %add3A_979 = arith.addi %add3A_974, %get3A_978 : vector<16xi32>
    %get3A_980 = arith.constant 15 : i32
    %get3A_981 = arith.index_cast %get3A_980 : i32 to index
    %get3A_982 = arith.constant 112 : index
    %get3A_983 = tpu.vector_load %arg13[%get3A_981, %get3A_982] {strides = array<i32>} : memref<16x128xi32, #tpu.memory_space<vmem>>, vector<16xi32>,
    %add3A_984 = arith.addi %add3A_979, %get3A_983 : vector<16xi32>
    %swap3A_985 = arith.constant 112 : index
    %swap3A_986 = tpu.vector_load %arg14[%swap3A_985] {strides = array<i32>} : memref<128xi32, #tpu.memory_space<vmem>>, vector<16xi32>,
    tpu.vector_store %arg14[%swap3A_985], %add3A_984 {strides = array<i32>} : memref<128xi32, #tpu.memory_space<vmem>>, vector<16xi32>,
    %eq3A = arith.constant 0 : i32
    %eq3A_987 = arith.cmpi eq, %arg1, %eq3A : i32
    %convert_element_type3A = arith.extui %eq3A_987 : i1 to i32
    %cond3A = arith.constant 0 : i32
    %cond3A_988 = arith.cmpi ne, %convert_element_type3A, %cond3A : i32
    scf.if %cond3A_988 {
      "tpu.region"() ({
        %run_scoped3A_999 = tpu.sem_alloc : memref<!tpu.dma_semaphore, #tpu.memory_space<semaphore_mem>>
        %dma_start3A = arith.constant 0 : i32
        %dma_start3A_1000 = tpu.memref_slice %arg14[%dma_start3A] : memref<128xi32, #tpu.memory_space<vmem>> -> memref<16xi32, #tpu.memory_space<vmem>>
        %dma_start3A_1001 = arith.constant 0 : i32
        %dma_start3A_1002 = tpu.memref_slice %arg14[%dma_start3A_1001] : memref<128xi32, #tpu.memory_space<vmem>> -> memref<16xi32, #tpu.memory_space<vmem>>
        tpu.enqueue_dma source(%dma_start3A_1002 : memref<16xi32, #tpu.memory_space<vmem>>) target(%arg18 : memref<16xi32, #tpu.memory_space<vmem_shared>>) target_semaphore(%run_scoped3A_999 : memref<!tpu.dma_semaphore, #tpu.memory_space<semaphore_mem>>)
        %dma_wait3A = arith.constant 0 : i32
        %dma_wait3A_1003 = tpu.memref_slice %arg14[%dma_wait3A] : memref<128xi32, #tpu.memory_space<vmem>> -> memref<16xi32, #tpu.memory_space<vmem>>
        %dma_wait3A_1004 = arith.constant 0 : i32
        %dma_wait3A_1005 = tpu.memref_slice %arg14[%dma_wait3A_1004] : memref<128xi32, #tpu.memory_space<vmem>> -> memref<16xi32, #tpu.memory_space<vmem>>
        tpu.wait_dma2 semaphore(%run_scoped3A_999 : memref<!tpu.dma_semaphore, #tpu.memory_space<semaphore_mem>>) src(%dma_wait3A_1005 : memref<16xi32, #tpu.memory_space<vmem>>) dst(%arg18 : memref<16xi32, #tpu.memory_space<vmem_shared>>)
        tpu.yield
      }) : () -> ()
    } else {
    }
    %barrier3A_989 = arith.constant 0 : index
    tpu.barrier barrier_id(%barrier3A_989)
    %ge3A = arith.constant 10 : i32
    %ge3A_990 = arith.cmpi sge, %arg1, %ge3A : i32
    %convert_element_type3A_991 = arith.extui %ge3A_990 : i1 to i32
    %cond3A_992 = arith.constant 0 : i32
    %cond3A_993 = arith.cmpi ne, %convert_element_type3A_991, %cond3A_992 : i32
    scf.if %cond3A_993 {
      "tpu.region"() ({
        %run_scoped3A_1113 = tpu.sem_alloc : memref<!tpu.dma_semaphore, #tpu.memory_space<semaphore_mem>>
        tpu.enqueue_dma source(%arg18 : memref<16xi32, #tpu.memory_space<vmem_shared>>) target(%arg15 : memref<16xi32, #tpu.memory_space<vmem>>) target_semaphore(%run_scoped3A_1113 : memref<!tpu.dma_semaphore, #tpu.memory_space<semaphore_mem>>)
        tpu.wait_dma2 semaphore(%run_scoped3A_1113 : memref<!tpu.dma_semaphore, #tpu.memory_space<semaphore_mem>>) src(%arg18 : memref<16xi32, #tpu.memory_space<vmem_shared>>) dst(%arg15 : memref<16xi32, #tpu.memory_space<vmem>>)
        tpu.yield
      }) : () -> ()
      %get3A_999 = arith.constant 0 : index
      %get3A_1000 = tpu.vector_load %arg15[%get3A_999] {strides = array<i32>} : memref<16xi32, #tpu.memory_space<vmem>>, vector<16xi32>,
      %mul3A_1001 = arith.constant 128 : i32
      %mul3A_1002 = arith.muli %arg1, %mul3A_1001 : i32
      %add3A_1003 = arith.constant 0 : i32
      %add3A_1004 = arith.addi %mul3A_1002, %add3A_1003 : i32
      %add3A_1005 = vector.broadcast %add3A_1004 : i32 to vector<16xi32>
      %add3A_1006 = arith.addi %add3A_1005, %iota3A : vector<16xi32>
      %get3A_1007 = arith.constant 0 : index
      %get3A_1008 = tpu.vector_load %arg14[%get3A_1007] {strides = array<i32>} : memref<128xi32, #tpu.memory_space<vmem>>, vector<16xi32>,
      %lt3A_1009 = arith.constant 1310 : i32
      %lt3A_1010 = vector.broadcast %lt3A_1009 : i32 to vector<16xi32>
      %lt3A_1011 = arith.cmpi slt, %add3A_1006, %lt3A_1010 : vector<16xi32>
      %select_n3A_1012 = arith.select %lt3A_1011, %get3A_1008, %get3A_1000 : vector<16xi1>, vector<16xi32>
      %swap3A_1013 = arith.constant 0 : index
      %swap3A_1014 = tpu.vector_load %arg14[%swap3A_1013] {strides = array<i32>} : memref<128xi32, #tpu.memory_space<vmem>>, vector<16xi32>,
      tpu.vector_store %arg14[%swap3A_1013], %select_n3A_1012 {strides = array<i32>} : memref<128xi32, #tpu.memory_space<vmem>>, vector<16xi32>,
      %mul3A_1015 = arith.constant 128 : i32
      %mul3A_1016 = arith.muli %arg1, %mul3A_1015 : i32
      %add3A_1017 = arith.constant 16 : i32
      %add3A_1018 = arith.addi %mul3A_1016, %add3A_1017 : i32
      %add3A_1019 = vector.broadcast %add3A_1018 : i32 to vector<16xi32>
      %add3A_1020 = arith.addi %add3A_1019, %iota3A : vector<16xi32>
      %get3A_1021 = arith.constant 16 : index
      %get3A_1022 = tpu.vector_load %arg14[%get3A_1021] {strides = array<i32>} : memref<128xi32, #tpu.memory_space<vmem>>, vector<16xi32>,
      %lt3A_1023 = arith.constant 1310 : i32
      %lt3A_1024 = vector.broadcast %lt3A_1023 : i32 to vector<16xi32>
      %lt3A_1025 = arith.cmpi slt, %add3A_1020, %lt3A_1024 : vector<16xi32>
      %select_n3A_1026 = arith.select %lt3A_1025, %get3A_1022, %get3A_1000 : vector<16xi1>, vector<16xi32>
      %swap3A_1027 = arith.constant 16 : index
      %swap3A_1028 = tpu.vector_load %arg14[%swap3A_1027] {strides = array<i32>} : memref<128xi32, #tpu.memory_space<vmem>>, vector<16xi32>,
      tpu.vector_store %arg14[%swap3A_1027], %select_n3A_1026 {strides = array<i32>} : memref<128xi32, #tpu.memory_space<vmem>>, vector<16xi32>,
      %mul3A_1029 = arith.constant 128 : i32
      %mul3A_1030 = arith.muli %arg1, %mul3A_1029 : i32
      %add3A_1031 = arith.constant 32 : i32
      %add3A_1032 = arith.addi %mul3A_1030, %add3A_1031 : i32
      %add3A_1033 = vector.broadcast %add3A_1032 : i32 to vector<16xi32>
      %add3A_1034 = arith.addi %add3A_1033, %iota3A : vector<16xi32>
      %get3A_1035 = arith.constant 32 : index
      %get3A_1036 = tpu.vector_load %arg14[%get3A_1035] {strides = array<i32>} : memref<128xi32, #tpu.memory_space<vmem>>, vector<16xi32>,
      %lt3A_1037 = arith.constant 1310 : i32
      %lt3A_1038 = vector.broadcast %lt3A_1037 : i32 to vector<16xi32>
      %lt3A_1039 = arith.cmpi slt, %add3A_1034, %lt3A_1038 : vector<16xi32>
      %select_n3A_1040 = arith.select %lt3A_1039, %get3A_1036, %get3A_1000 : vector<16xi1>, vector<16xi32>
      %swap3A_1041 = arith.constant 32 : index
      %swap3A_1042 = tpu.vector_load %arg14[%swap3A_1041] {strides = array<i32>} : memref<128xi32, #tpu.memory_space<vmem>>, vector<16xi32>,
      tpu.vector_store %arg14[%swap3A_1041], %select_n3A_1040 {strides = array<i32>} : memref<128xi32, #tpu.memory_space<vmem>>, vector<16xi32>,
      %mul3A_1043 = arith.constant 128 : i32
      %mul3A_1044 = arith.muli %arg1, %mul3A_1043 : i32
      %add3A_1045 = arith.constant 48 : i32
      %add3A_1046 = arith.addi %mul3A_1044, %add3A_1045 : i32
      %add3A_1047 = vector.broadcast %add3A_1046 : i32 to vector<16xi32>
      %add3A_1048 = arith.addi %add3A_1047, %iota3A : vector<16xi32>
      %get3A_1049 = arith.constant 48 : index
      %get3A_1050 = tpu.vector_load %arg14[%get3A_1049] {strides = array<i32>} : memref<128xi32, #tpu.memory_space<vmem>>, vector<16xi32>,
      %lt3A_1051 = arith.constant 1310 : i32
      %lt3A_1052 = vector.broadcast %lt3A_1051 : i32 to vector<16xi32>
      %lt3A_1053 = arith.cmpi slt, %add3A_1048, %lt3A_1052 : vector<16xi32>
      %select_n3A_1054 = arith.select %lt3A_1053, %get3A_1050, %get3A_1000 : vector<16xi1>, vector<16xi32>
      %swap3A_1055 = arith.constant 48 : index
      %swap3A_1056 = tpu.vector_load %arg14[%swap3A_1055] {strides = array<i32>} : memref<128xi32, #tpu.memory_space<vmem>>, vector<16xi32>,
      tpu.vector_store %arg14[%swap3A_1055], %select_n3A_1054 {strides = array<i32>} : memref<128xi32, #tpu.memory_space<vmem>>, vector<16xi32>,
      %mul3A_1057 = arith.constant 128 : i32
      %mul3A_1058 = arith.muli %arg1, %mul3A_1057 : i32
      %add3A_1059 = arith.constant 64 : i32
      %add3A_1060 = arith.addi %mul3A_1058, %add3A_1059 : i32
      %add3A_1061 = vector.broadcast %add3A_1060 : i32 to vector<16xi32>
      %add3A_1062 = arith.addi %add3A_1061, %iota3A : vector<16xi32>
      %get3A_1063 = arith.constant 64 : index
      %get3A_1064 = tpu.vector_load %arg14[%get3A_1063] {strides = array<i32>} : memref<128xi32, #tpu.memory_space<vmem>>, vector<16xi32>,
      %lt3A_1065 = arith.constant 1310 : i32
      %lt3A_1066 = vector.broadcast %lt3A_1065 : i32 to vector<16xi32>
      %lt3A_1067 = arith.cmpi slt, %add3A_1062, %lt3A_1066 : vector<16xi32>
      %select_n3A_1068 = arith.select %lt3A_1067, %get3A_1064, %get3A_1000 : vector<16xi1>, vector<16xi32>
      %swap3A_1069 = arith.constant 64 : index
      %swap3A_1070 = tpu.vector_load %arg14[%swap3A_1069] {strides = array<i32>} : memref<128xi32, #tpu.memory_space<vmem>>, vector<16xi32>,
      tpu.vector_store %arg14[%swap3A_1069], %select_n3A_1068 {strides = array<i32>} : memref<128xi32, #tpu.memory_space<vmem>>, vector<16xi32>,
      %mul3A_1071 = arith.constant 128 : i32
      %mul3A_1072 = arith.muli %arg1, %mul3A_1071 : i32
      %add3A_1073 = arith.constant 80 : i32
      %add3A_1074 = arith.addi %mul3A_1072, %add3A_1073 : i32
      %add3A_1075 = vector.broadcast %add3A_1074 : i32 to vector<16xi32>
      %add3A_1076 = arith.addi %add3A_1075, %iota3A : vector<16xi32>
      %get3A_1077 = arith.constant 80 : index
      %get3A_1078 = tpu.vector_load %arg14[%get3A_1077] {strides = array<i32>} : memref<128xi32, #tpu.memory_space<vmem>>, vector<16xi32>,
      %lt3A_1079 = arith.constant 1310 : i32
      %lt3A_1080 = vector.broadcast %lt3A_1079 : i32 to vector<16xi32>
      %lt3A_1081 = arith.cmpi slt, %add3A_1076, %lt3A_1080 : vector<16xi32>
      %select_n3A_1082 = arith.select %lt3A_1081, %get3A_1078, %get3A_1000 : vector<16xi1>, vector<16xi32>
      %swap3A_1083 = arith.constant 80 : index
      %swap3A_1084 = tpu.vector_load %arg14[%swap3A_1083] {strides = array<i32>} : memref<128xi32, #tpu.memory_space<vmem>>, vector<16xi32>,
      tpu.vector_store %arg14[%swap3A_1083], %select_n3A_1082 {strides = array<i32>} : memref<128xi32, #tpu.memory_space<vmem>>, vector<16xi32>,
      %mul3A_1085 = arith.constant 128 : i32
      %mul3A_1086 = arith.muli %arg1, %mul3A_1085 : i32
      %add3A_1087 = arith.constant 96 : i32
      %add3A_1088 = arith.addi %mul3A_1086, %add3A_1087 : i32
      %add3A_1089 = vector.broadcast %add3A_1088 : i32 to vector<16xi32>
      %add3A_1090 = arith.addi %add3A_1089, %iota3A : vector<16xi32>
      %get3A_1091 = arith.constant 96 : index
      %get3A_1092 = tpu.vector_load %arg14[%get3A_1091] {strides = array<i32>} : memref<128xi32, #tpu.memory_space<vmem>>, vector<16xi32>,
      %lt3A_1093 = arith.constant 1310 : i32
      %lt3A_1094 = vector.broadcast %lt3A_1093 : i32 to vector<16xi32>
      %lt3A_1095 = arith.cmpi slt, %add3A_1090, %lt3A_1094 : vector<16xi32>
      %select_n3A_1096 = arith.select %lt3A_1095, %get3A_1092, %get3A_1000 : vector<16xi1>, vector<16xi32>
      %swap3A_1097 = arith.constant 96 : index
      %swap3A_1098 = tpu.vector_load %arg14[%swap3A_1097] {strides = array<i32>} : memref<128xi32, #tpu.memory_space<vmem>>, vector<16xi32>,
      tpu.vector_store %arg14[%swap3A_1097], %select_n3A_1096 {strides = array<i32>} : memref<128xi32, #tpu.memory_space<vmem>>, vector<16xi32>,
      %mul3A_1099 = arith.constant 128 : i32
      %mul3A_1100 = arith.muli %arg1, %mul3A_1099 : i32
      %add3A_1101 = arith.constant 112 : i32
      %add3A_1102 = arith.addi %mul3A_1100, %add3A_1101 : i32
      %add3A_1103 = vector.broadcast %add3A_1102 : i32 to vector<16xi32>
      %add3A_1104 = arith.addi %add3A_1103, %iota3A : vector<16xi32>
      %get3A_1105 = arith.constant 112 : index
      %get3A_1106 = tpu.vector_load %arg14[%get3A_1105] {strides = array<i32>} : memref<128xi32, #tpu.memory_space<vmem>>, vector<16xi32>,
      %lt3A_1107 = arith.constant 1310 : i32
      %lt3A_1108 = vector.broadcast %lt3A_1107 : i32 to vector<16xi32>
      %lt3A_1109 = arith.cmpi slt, %add3A_1104, %lt3A_1108 : vector<16xi32>
      %select_n3A_1110 = arith.select %lt3A_1109, %get3A_1106, %get3A_1000 : vector<16xi1>, vector<16xi32>
      %swap3A_1111 = arith.constant 112 : index
      %swap3A_1112 = tpu.vector_load %arg14[%swap3A_1111] {strides = array<i32>} : memref<128xi32, #tpu.memory_space<vmem>>, vector<16xi32>,
      tpu.vector_store %arg14[%swap3A_1111], %select_n3A_1110 {strides = array<i32>} : memref<128xi32, #tpu.memory_space<vmem>>, vector<16xi32>,
    } else {
    }
    %lt3A_994 = arith.constant 12 : i32
    %lt3A_995 = arith.cmpi slt, %arg1, %lt3A_994 : i32
    %convert_element_type3A_996 = arith.extui %lt3A_995 : i1 to i32
    %cond3A_997 = arith.constant 0 : i32
    %cond3A_998 = arith.cmpi ne, %convert_element_type3A_996, %cond3A_997 : i32
    scf.if %cond3A_998 {
      %mul3A_999 = arith.constant 128 : i32
      %mul3A_1000 = arith.muli %arg1, %mul3A_999 : i32
      "tpu.region"() ({
        %run_scoped3A_1001 = tpu.sem_alloc : memref<!tpu.dma_semaphore, #tpu.memory_space<semaphore_mem>>
        %dma_start3A = tpu.memref_slice %arg4[%mul3A_1000] : memref<1536xi32, #tpu.memory_space<hbm>> -> memref<128xi32, #tpu.memory_space<hbm>>
        %dma_start3A_1002 = tpu.memref_slice %arg4[%mul3A_1000] : memref<1536xi32, #tpu.memory_space<hbm>> -> memref<128xi32, #tpu.memory_space<hbm>>
        tpu.enqueue_dma source(%arg14 : memref<128xi32, #tpu.memory_space<vmem>>) target(%dma_start3A_1002 : memref<128xi32, #tpu.memory_space<hbm>>) target_semaphore(%run_scoped3A_1001 : memref<!tpu.dma_semaphore, #tpu.memory_space<semaphore_mem>>)
        %dma_wait3A = tpu.memref_slice %arg4[%mul3A_1000] : memref<1536xi32, #tpu.memory_space<hbm>> -> memref<128xi32, #tpu.memory_space<hbm>>
        %dma_wait3A_1003 = tpu.memref_slice %arg4[%mul3A_1000] : memref<1536xi32, #tpu.memory_space<hbm>> -> memref<128xi32, #tpu.memory_space<hbm>>
        tpu.wait_dma2 semaphore(%run_scoped3A_1001 : memref<!tpu.dma_semaphore, #tpu.memory_space<semaphore_mem>>) src(%arg14 : memref<128xi32, #tpu.memory_space<vmem>>) dst(%dma_wait3A_1003 : memref<128xi32, #tpu.memory_space<hbm>>)
        tpu.yield
      }) : () -> ()
    } else {
    }
    return
  }
}

#map = affine_map<(d0, d1) -> (0, 0)>
#map1 = affine_map<(d0, d1) -> (0)>
module attributes {stable_mosaic.version = 14 : i64} {
  func.func @_gather_body(%arg0: i32, %arg1: i32, %arg2: memref<131072x512xf32, #tpu.memory_space<hbm>>, %arg3: memref<1536xi32, #tpu.memory_space<hbm>>, %arg4: memref<1536x512xf32, #tpu.memory_space<hbm>>, %arg5: memref<48xi32, #tpu.memory_space<vmem>>, %arg6: memref<48x512xf32, #tpu.memory_space<vmem>>, %arg7: memref<!tpu.dma_semaphore, #tpu.memory_space<semaphore_mem>>) attributes {dimension_semantics = [#tpu.dimension_semantics<core_parallel>, #tpu.dimension_semantics<subcore_parallel>], iteration_bounds = array<i64: 2, 16>, scalar_prefetch = 0 : i64, scratch_operands = 3 : i64, tpu.core_type = #tpu.core_type<sc_vector_subcore>, window_params = [{transform_indices = #map}, {transform_indices = #map1}, {transform_indices = #map}]} {
    %mul3A = arith.constant 2 : i32
    %mul3A_0 = arith.muli %arg1, %mul3A : i32
    %add3A = arith.addi %mul3A_0, %arg0 : i32
    %mul3A_1 = arith.constant 48 : i32
    %mul3A_2 = arith.muli %add3A, %mul3A_1 : i32
    "tpu.region"() ({
      %run_scoped3A = tpu.sem_alloc : memref<!tpu.dma_semaphore, #tpu.memory_space<semaphore_mem>>
      %dma_start3A_7 = tpu.memref_slice %arg3[%mul3A_2] : memref<1536xi32, #tpu.memory_space<hbm>> -> memref<48xi32, #tpu.memory_space<hbm>>
      %dma_start3A_8 = tpu.memref_slice %arg3[%mul3A_2] : memref<1536xi32, #tpu.memory_space<hbm>> -> memref<48xi32, #tpu.memory_space<hbm>>
      tpu.enqueue_dma source(%dma_start3A_8 : memref<48xi32, #tpu.memory_space<hbm>>) target(%arg5 : memref<48xi32, #tpu.memory_space<vmem>>) target_semaphore(%run_scoped3A : memref<!tpu.dma_semaphore, #tpu.memory_space<semaphore_mem>>)
      %dma_wait3A_9 = tpu.memref_slice %arg3[%mul3A_2] : memref<1536xi32, #tpu.memory_space<hbm>> -> memref<48xi32, #tpu.memory_space<hbm>>
      %dma_wait3A_10 = tpu.memref_slice %arg3[%mul3A_2] : memref<1536xi32, #tpu.memory_space<hbm>> -> memref<48xi32, #tpu.memory_space<hbm>>
      tpu.wait_dma2 semaphore(%run_scoped3A : memref<!tpu.dma_semaphore, #tpu.memory_space<semaphore_mem>>) src(%dma_wait3A_10 : memref<48xi32, #tpu.memory_space<hbm>>) dst(%arg5 : memref<48xi32, #tpu.memory_space<vmem>>)
      tpu.yield
    }) : () -> ()
    %dma_start3A = arith.constant 0 : i32
    %dma_start3A_3 = arith.constant 0 : i32
    %dma_start3A_4 = tpu.memref_slice %arg2[%dma_start3A, %dma_start3A_3] : memref<131072x512xf32, #tpu.memory_space<hbm>> -> memref<131072x512xf32, #tpu.memory_space<hbm>>
    tpu.enqueue_indirect_dma source(%dma_start3A_4 : memref<131072x512xf32, #tpu.memory_space<hbm>>) target(%arg6 : memref<48x512xf32, #tpu.memory_space<vmem>>) offsets(%arg5 : memref<48xi32, #tpu.memory_space<vmem>>) semaphore(%arg7 : memref<!tpu.dma_semaphore, #tpu.memory_space<semaphore_mem>>)
    %dma_wait3A = arith.constant 0 : i32
    %dma_wait3A_5 = arith.constant 0 : i32
    %dma_wait3A_6 = tpu.memref_slice %arg2[%dma_wait3A, %dma_wait3A_5] : memref<131072x512xf32, #tpu.memory_space<hbm>> -> memref<131072x512xf32, #tpu.memory_space<hbm>>
    tpu.wait_indirect_dma semaphore(%arg7 : memref<!tpu.dma_semaphore, #tpu.memory_space<semaphore_mem>>) src(%dma_wait3A_6 : memref<131072x512xf32, #tpu.memory_space<hbm>>) dst(%arg6 : memref<48x512xf32, #tpu.memory_space<vmem>>)
    "tpu.region"() ({
      %run_scoped3A = tpu.sem_alloc : memref<!tpu.dma_semaphore, #tpu.memory_space<semaphore_mem>>
      %dma_start3A_7 = arith.constant 0 : i32
      %dma_start3A_8 = tpu.memref_slice %arg4[%mul3A_2, %dma_start3A_7] : memref<1536x512xf32, #tpu.memory_space<hbm>> -> memref<48x512xf32, #tpu.memory_space<hbm>>
      %dma_start3A_9 = arith.constant 0 : i32
      %dma_start3A_10 = tpu.memref_slice %arg4[%mul3A_2, %dma_start3A_9] : memref<1536x512xf32, #tpu.memory_space<hbm>> -> memref<48x512xf32, #tpu.memory_space<hbm>>
      tpu.enqueue_dma source(%arg6 : memref<48x512xf32, #tpu.memory_space<vmem>>) target(%dma_start3A_10 : memref<48x512xf32, #tpu.memory_space<hbm>>) target_semaphore(%run_scoped3A : memref<!tpu.dma_semaphore, #tpu.memory_space<semaphore_mem>>)
      %dma_wait3A_11 = arith.constant 0 : i32
      %dma_wait3A_12 = tpu.memref_slice %arg4[%mul3A_2, %dma_wait3A_11] : memref<1536x512xf32, #tpu.memory_space<hbm>> -> memref<48x512xf32, #tpu.memory_space<hbm>>
      %dma_wait3A_13 = arith.constant 0 : i32
      %dma_wait3A_14 = tpu.memref_slice %arg4[%mul3A_2, %dma_wait3A_13] : memref<1536x512xf32, #tpu.memory_space<hbm>> -> memref<48x512xf32, #tpu.memory_space<hbm>>
      tpu.wait_dma2 semaphore(%run_scoped3A : memref<!tpu.dma_semaphore, #tpu.memory_space<semaphore_mem>>) src(%arg6 : memref<48x512xf32, #tpu.memory_space<vmem>>) dst(%dma_wait3A_14 : memref<48x512xf32, #tpu.memory_space<hbm>>)
      tpu.yield
    }) : () -> ()
    return
  }
}

#map = affine_map<(d0, d1) -> (0, 0)>
#map1 = affine_map<(d0, d1) -> (0)>
module attributes {stable_mosaic.version = 14 : i64} {
  func.func @new_body(%arg0: i32, %arg1: i32, %arg2: memref<1536x512xf32, #tpu.memory_space<hbm>>, %arg3: memref<1536xi32, #tpu.memory_space<hbm>>, %arg4: memref<131072x512xf32, #tpu.memory_space<hbm>>, %arg5: memref<131072x512xf32, #tpu.memory_space<hbm>>, %arg6: memref<48xi32, #tpu.memory_space<vmem>>, %arg7: memref<48x512xf32, #tpu.memory_space<vmem>>, %arg8: memref<!tpu.dma_semaphore, #tpu.memory_space<semaphore_mem>>) attributes {dimension_semantics = [#tpu.dimension_semantics<core_parallel>, #tpu.dimension_semantics<subcore_parallel>], iteration_bounds = array<i64: 2, 16>, scalar_prefetch = 0 : i64, scratch_operands = 3 : i64, tpu.core_type = #tpu.core_type<sc_vector_subcore>, window_params = [{transform_indices = #map}, {transform_indices = #map1}, {transform_indices = #map}, {transform_indices = #map}]} {
    %mul3A = arith.constant 2 : i32
    %mul3A_0 = arith.muli %arg1, %mul3A : i32
    %add3A = arith.addi %mul3A_0, %arg0 : i32
    %mul3A_1 = arith.constant 48 : i32
    %mul3A_2 = arith.muli %add3A, %mul3A_1 : i32
    "tpu.region"() ({
      %run_scoped3A = tpu.sem_alloc : memref<!tpu.dma_semaphore, #tpu.memory_space<semaphore_mem>>
      %dma_start3A_7 = tpu.memref_slice %arg3[%mul3A_2] : memref<1536xi32, #tpu.memory_space<hbm>> -> memref<48xi32, #tpu.memory_space<hbm>>
      %dma_start3A_8 = tpu.memref_slice %arg3[%mul3A_2] : memref<1536xi32, #tpu.memory_space<hbm>> -> memref<48xi32, #tpu.memory_space<hbm>>
      tpu.enqueue_dma source(%dma_start3A_8 : memref<48xi32, #tpu.memory_space<hbm>>) target(%arg6 : memref<48xi32, #tpu.memory_space<vmem>>) target_semaphore(%run_scoped3A : memref<!tpu.dma_semaphore, #tpu.memory_space<semaphore_mem>>)
      %dma_wait3A_9 = tpu.memref_slice %arg3[%mul3A_2] : memref<1536xi32, #tpu.memory_space<hbm>> -> memref<48xi32, #tpu.memory_space<hbm>>
      %dma_wait3A_10 = tpu.memref_slice %arg3[%mul3A_2] : memref<1536xi32, #tpu.memory_space<hbm>> -> memref<48xi32, #tpu.memory_space<hbm>>
      tpu.wait_dma2 semaphore(%run_scoped3A : memref<!tpu.dma_semaphore, #tpu.memory_space<semaphore_mem>>) src(%dma_wait3A_10 : memref<48xi32, #tpu.memory_space<hbm>>) dst(%arg6 : memref<48xi32, #tpu.memory_space<vmem>>)
      tpu.yield
    }) : () -> ()
    "tpu.region"() ({
      %run_scoped3A = tpu.sem_alloc : memref<!tpu.dma_semaphore, #tpu.memory_space<semaphore_mem>>
      %dma_start3A_7 = arith.constant 0 : i32
      %dma_start3A_8 = tpu.memref_slice %arg2[%mul3A_2, %dma_start3A_7] : memref<1536x512xf32, #tpu.memory_space<hbm>> -> memref<48x512xf32, #tpu.memory_space<hbm>>
      %dma_start3A_9 = arith.constant 0 : i32
      %dma_start3A_10 = tpu.memref_slice %arg2[%mul3A_2, %dma_start3A_9] : memref<1536x512xf32, #tpu.memory_space<hbm>> -> memref<48x512xf32, #tpu.memory_space<hbm>>
      tpu.enqueue_dma source(%dma_start3A_10 : memref<48x512xf32, #tpu.memory_space<hbm>>) target(%arg7 : memref<48x512xf32, #tpu.memory_space<vmem>>) target_semaphore(%run_scoped3A : memref<!tpu.dma_semaphore, #tpu.memory_space<semaphore_mem>>)
      %dma_wait3A_11 = arith.constant 0 : i32
      %dma_wait3A_12 = tpu.memref_slice %arg2[%mul3A_2, %dma_wait3A_11] : memref<1536x512xf32, #tpu.memory_space<hbm>> -> memref<48x512xf32, #tpu.memory_space<hbm>>
      %dma_wait3A_13 = arith.constant 0 : i32
      %dma_wait3A_14 = tpu.memref_slice %arg2[%mul3A_2, %dma_wait3A_13] : memref<1536x512xf32, #tpu.memory_space<hbm>> -> memref<48x512xf32, #tpu.memory_space<hbm>>
      tpu.wait_dma2 semaphore(%run_scoped3A : memref<!tpu.dma_semaphore, #tpu.memory_space<semaphore_mem>>) src(%dma_wait3A_14 : memref<48x512xf32, #tpu.memory_space<hbm>>) dst(%arg7 : memref<48x512xf32, #tpu.memory_space<vmem>>)
      tpu.yield
    }) : () -> ()
    %dma_start3A = arith.constant 0 : i32
    %dma_start3A_3 = arith.constant 0 : i32
    %dma_start3A_4 = tpu.memref_slice %arg4[%dma_start3A, %dma_start3A_3] : memref<131072x512xf32, #tpu.memory_space<hbm>> -> memref<131072x512xf32, #tpu.memory_space<hbm>>
    tpu.enqueue_indirect_dma source(%arg7 : memref<48x512xf32, #tpu.memory_space<vmem>>) target(%dma_start3A_4 : memref<131072x512xf32, #tpu.memory_space<hbm>>) offsets(%arg6 : memref<48xi32, #tpu.memory_space<vmem>>) semaphore(%arg8 : memref<!tpu.dma_semaphore, #tpu.memory_space<semaphore_mem>>)
    %dma_wait3A = arith.constant 0 : i32
    %dma_wait3A_5 = arith.constant 0 : i32
    %dma_wait3A_6 = tpu.memref_slice %arg4[%dma_wait3A, %dma_wait3A_5] : memref<131072x512xf32, #tpu.memory_space<hbm>> -> memref<131072x512xf32, #tpu.memory_space<hbm>>
    tpu.wait_indirect_dma semaphore(%arg8 : memref<!tpu.dma_semaphore, #tpu.memory_space<semaphore_mem>>) src(%arg7 : memref<48x512xf32, #tpu.memory_space<vmem>>) dst(%dma_wait3A_6 : memref<131072x512xf32, #tpu.memory_space<hbm>>)
    return
  }
}

module attributes {stable_mosaic.version = 14 : i64} {
  func.func @_mlp_body(%arg0: memref<1536x512xf32, #tpu.memory_space<vmem>>, %arg1: memref<512x512xf32, #tpu.memory_space<vmem>>, %arg2: memref<1x512xf32, #tpu.memory_space<vmem>>, %arg3: memref<512x512xf32, #tpu.memory_space<vmem>>, %arg4: memref<1x512xf32, #tpu.memory_space<vmem>>, %arg5: memref<1536x512xf32, #tpu.memory_space<vmem>>) attributes {dimension_semantics = [], scalar_prefetch = 0 : i64, scratch_operands = 0 : i64, tpu.core_type = #tpu.core_type<tc>} {
    %get3A = arith.constant 0 : index
    %get3A_0 = arith.constant 0 : index
    %get3A_1 = vector.load %arg0[%get3A, %get3A_0] : memref<1536x512xf32, #tpu.memory_space<vmem>>, vector<1536x512xf32>
    %get3A_2 = arith.constant 0 : index
    %get3A_3 = arith.constant 0 : index
    %get3A_4 = vector.load %arg1[%get3A_2, %get3A_3] : memref<512x512xf32, #tpu.memory_space<vmem>>, vector<512x512xf32>
    %dot_general3A = arith.constant dense<0.000000e+00> : vector<1536x512xf32>
    %dot_general3A_5 = tpu.matmul %get3A_1, %get3A_4, %dot_general3A {dimension_numbers = #tpu.dot_dimension_numbers<[1], [0], [0], [1], [0, 0, 1, 1], [], []>, transpose_lhs_hint = false} : vector<1536x512xf32>, vector<512x512xf32>, vector<1536x512xf32> -> vector<1536x512xf32>
    %get3A_6 = arith.constant 0 : index
    %get3A_7 = arith.constant 0 : index
    %get3A_8 = vector.load %arg2[%get3A_6, %get3A_7] : memref<1x512xf32, #tpu.memory_space<vmem>>, vector<1x512xf32>
    %add3A = vector.broadcast %get3A_8 : vector<1x512xf32> to vector<1536x512xf32>
    %add3A_9 = arith.addf %dot_general3A_5, %add3A : vector<1536x512xf32>
    %max3A = arith.constant 0.000000e+00 : f32
    %max3A_10 = vector.broadcast %max3A : f32 to vector<1536x512xf32>
    %max3A_11 = arith.maximumf %add3A_9, %max3A_10 : vector<1536x512xf32>
    %get3A_12 = arith.constant 0 : index
    %get3A_13 = arith.constant 0 : index
    %get3A_14 = vector.load %arg3[%get3A_12, %get3A_13] : memref<512x512xf32, #tpu.memory_space<vmem>>, vector<512x512xf32>
    %dot_general3A_15 = arith.constant dense<0.000000e+00> : vector<1536x512xf32>
    %dot_general3A_16 = tpu.matmul %max3A_11, %get3A_14, %dot_general3A_15 {dimension_numbers = #tpu.dot_dimension_numbers<[1], [0], [0], [1], [0, 0, 1, 1], [], []>, transpose_lhs_hint = false} : vector<1536x512xf32>, vector<512x512xf32>, vector<1536x512xf32> -> vector<1536x512xf32>
    %get3A_17 = arith.constant 0 : index
    %get3A_18 = arith.constant 0 : index
    %get3A_19 = vector.load %arg4[%get3A_17, %get3A_18] : memref<1x512xf32, #tpu.memory_space<vmem>>, vector<1x512xf32>
    %add3A_20 = vector.broadcast %get3A_19 : vector<1x512xf32> to vector<1536x512xf32>
    %add3A_21 = arith.addf %dot_general3A_16, %add3A_20 : vector<1536x512xf32>
    %swap3A = arith.constant 0 : index
    %swap3A_22 = arith.constant 0 : index
    %swap3A_23 = vector.load %arg5[%swap3A, %swap3A_22] : memref<1536x512xf32, #tpu.memory_space<vmem>>, vector<1536x512xf32>
    tpu.vector_store %arg5[%swap3A, %swap3A_22], %add3A_21 {strides = array<i32>} : memref<1536x512xf32, #tpu.memory_space<vmem>>, vector<1536x512xf32>,
    return
  }
}

module attributes {stable_mosaic.version = 14 : i64} {
  func.func @_thresh_body(%arg0: memref<1024x128xf32, #tpu.memory_space<vmem>>, %arg1: memref<8x128xi32, #tpu.memory_space<vmem>>) attributes {dimension_semantics = [], scalar_prefetch = 0 : i64, scratch_operands = 0 : i64, tpu.core_type = #tpu.core_type<tc>} {
    %get3A = arith.constant 0 : index
    %get3A_0 = arith.constant 0 : index
    %get3A_1 = vector.load %arg0[%get3A, %get3A_0] : memref<1024x128xf32, #tpu.memory_space<vmem>>, vector<1024x128xf32>
    %bitcast_convert_type3A = tpu.bitcast %get3A_1 : vector<1024x128xf32> -> vector<1024x128xi32>
    %shift_right_arithmetic3A = arith.constant 31 : i32
    %shift_right_arithmetic3A_2 = vector.broadcast %shift_right_arithmetic3A : i32 to vector<1024x128xi32>
    %shift_right_arithmetic3A_3 = arith.shrsi %bitcast_convert_type3A, %shift_right_arithmetic3A_2 : vector<1024x128xi32>
    %and3A = arith.constant 2147483647 : i32
    %and3A_4 = vector.broadcast %and3A : i32 to vector<1024x128xi32>
    %and3A_5 = arith.andi %and3A_4, %shift_right_arithmetic3A_3 : vector<1024x128xi32>
    %xor3A = arith.xori %bitcast_convert_type3A, %and3A_5 : vector<1024x128xi32>
    %scan3A = arith.constant -2147483648 : i32
    %scan3A_6 = arith.constant 0 : i32
    %scan3A_7 = arith.constant 32 : i32
    %scan3A_8 = arith.addi %scan3A_6, %scan3A_7 : i32
    %scan3A_9 = arith.constant 1 : i32
    %scan3A_10 = scf.for %scan3A_33 = %scan3A_6 to %scan3A_8 step %scan3A_9 iter_args(%scan3A_34 = %scan3A) -> (i32)  : i32 {
      %sub3A_35 = arith.constant 31 : i32
      %sub3A_36 = arith.subi %sub3A_35, %scan3A_33 : i32
      %shift_left3A = arith.constant 1 : i32
      %shift_left3A_37 = arith.shli %shift_left3A, %sub3A_36 : i32
      %add3A = arith.addi %scan3A_34, %shift_left3A_37 : i32
      %ge3A = vector.broadcast %add3A : i32 to vector<1024x128xi32>
      %ge3A_38 = arith.cmpi sge, %xor3A, %ge3A : vector<1024x128xi32>
      %convert_element_type3A_39 = arith.extui %ge3A_38 : vector<1024x128xi1> to vector<1024x128xi32>
      %reduce_sum3A_40 = vector.shape_cast %convert_element_type3A_39 : vector<1024x128xi32> to vector<1x1024x128xi32>
      %reduce_sum3A_41 = arith.constant dense<0> : vector<1xi32>
      %reduce_sum3A_42 = vector.multi_reduction <add>, %reduce_sum3A_40, %reduce_sum3A_41 [1, 2] : vector<1x1024x128xi32> to vector<1xi32>
      %reduce_sum3A_43 = vector.shape_cast %reduce_sum3A_42 : vector<1xi32> to vector<1x1x1xi32>
      %reduce_sum3A_44 = vector.extract %reduce_sum3A_43[0, 0, 0] : i32 from vector<1x1x1xi32>
      %ge3A_45 = arith.constant 1310 : i32
      %ge3A_46 = arith.cmpi sge, %reduce_sum3A_44, %ge3A_45 : i32
      %select_n3A_47 = arith.select %ge3A_46, %add3A, %scan3A_34 : i32
      scf.yield %select_n3A_47 : i32
    }
    %scan3A_11 = arith.constant 32 : i32
    %gt3A = vector.broadcast %scan3A_10 : i32 to vector<1024x128xi32>
    %gt3A_12 = arith.cmpi sgt, %xor3A, %gt3A : vector<1024x128xi32>
    %convert_element_type3A = arith.extui %gt3A_12 : vector<1024x128xi1> to vector<1024x128xi32>
    %reduce_sum3A = vector.shape_cast %convert_element_type3A : vector<1024x128xi32> to vector<1x1024x128xi32>
    %reduce_sum3A_13 = arith.constant dense<0> : vector<1xi32>
    %reduce_sum3A_14 = vector.multi_reduction <add>, %reduce_sum3A, %reduce_sum3A_13 [1, 2] : vector<1x1024x128xi32> to vector<1xi32>
    %reduce_sum3A_15 = vector.shape_cast %reduce_sum3A_14 : vector<1xi32> to vector<1x1x1xi32>
    %reduce_sum3A_16 = vector.extract %reduce_sum3A_15[0, 0, 0] : i32 from vector<1x1x1xi32>
    %sub3A = arith.constant 1310 : i32
    %sub3A_17 = arith.subi %sub3A, %reduce_sum3A_16 : i32
    %iota3A = tpu.iota {dimensions = array<i32: 0>} : vector<8x128xi32>
    %eq3A = arith.constant 0 : i32
    %eq3A_18 = vector.broadcast %eq3A : i32 to vector<8x128xi32>
    %eq3A_19 = arith.cmpi eq, %iota3A, %eq3A_18 : vector<8x128xi32>
    %eq3A_20 = arith.constant 1 : i32
    %eq3A_21 = vector.broadcast %eq3A_20 : i32 to vector<8x128xi32>
    %eq3A_22 = arith.cmpi eq, %iota3A, %eq3A_21 : vector<8x128xi32>
    %eq3A_23 = arith.constant 2 : i32
    %eq3A_24 = vector.broadcast %eq3A_23 : i32 to vector<8x128xi32>
    %eq3A_25 = arith.cmpi eq, %iota3A, %eq3A_24 : vector<8x128xi32>
    %jit3A = arith.constant 0 : i32
    %broadcast_in_dim3A = vector.broadcast %sub3A_17 : i32 to vector<8x128xi32>
    %broadcast_in_dim3A_26 = vector.broadcast %jit3A : i32 to vector<8x128xi32>
    %select_n3A = arith.select %eq3A_25, %broadcast_in_dim3A, %broadcast_in_dim3A_26 : vector<8x128xi1>, vector<8x128xi32>
    %broadcast_in_dim3A_27 = vector.broadcast %reduce_sum3A_16 : i32 to vector<8x128xi32>
    %select_n3A_28 = arith.select %eq3A_22, %broadcast_in_dim3A_27, %select_n3A : vector<8x128xi1>, vector<8x128xi32>
    %broadcast_in_dim3A_29 = vector.broadcast %scan3A_10 : i32 to vector<8x128xi32>
    %select_n3A_30 = arith.select %eq3A_19, %broadcast_in_dim3A_29, %select_n3A_28 : vector<8x128xi1>, vector<8x128xi32>
    %swap3A = arith.constant 0 : index
    %swap3A_31 = arith.constant 0 : index
    %swap3A_32 = vector.load %arg1[%swap3A, %swap3A_31] : memref<8x128xi32, #tpu.memory_space<vmem>>, vector<8x128xi32>
    tpu.vector_store %arg1[%swap3A, %swap3A_31], %select_n3A_30 {strides = array<i32>} : memref<8x128xi32, #tpu.memory_space<vmem>>, vector<8x128xi32>,
    return
  }
}

module attributes {stable_mosaic.version = 14 : i64} {
  func.func @_gate_body(%arg0: i32, %arg1: memref<1024x512xf32, #tpu.memory_space<vmem>>, %arg2: memref<1x512xf32, #tpu.memory_space<vmem>>, %arg3: memref<1xf32, #tpu.memory_space<vmem>>, %arg4: memref<1x1024xf32, #tpu.memory_space<vmem>>, %arg5: memref<1024x512xf32, #tpu.memory_space<vmem>>) attributes {dimension_semantics = [#tpu.dimension_semantics<arbitrary>], iteration_bounds = array<i64: 128>, scalar_prefetch = 0 : i64, scratch_operands = 0 : i64, tpu.core_type = #tpu.core_type<tc>, window_params = [{transform_indices = @transform_0, window_bounds = array<i64: 1024, 512>}, {pipeline_mode = #tpu.pipeline_mode<synchronous>, transform_indices = @transform_1, window_bounds = array<i64: 1, 512>}, {pipeline_mode = #tpu.pipeline_mode<synchronous>, transform_indices = @transform_2, window_bounds = array<i64: 1>}, {transform_indices = @transform_3, window_bounds = array<i64: 1, 1024>}, {transform_indices = @transform_4, window_bounds = array<i64: 1024, 512>}]} {
    %get3A = arith.constant 0 : index
    %get3A_0 = arith.constant 0 : index
    %get3A_1 = vector.load %arg1[%get3A, %get3A_0] : memref<1024x512xf32, #tpu.memory_space<vmem>>, vector<1024x512xf32>
    %get3A_2 = arith.constant 0 : index
    %get3A_3 = arith.constant 0 : index
    %get3A_4 = vector.load %arg2[%get3A_2, %get3A_3] : memref<1x512xf32, #tpu.memory_space<vmem>>, vector<1x512xf32>
    %slice3A = vector.extract_strided_slice %get3A_4 {offsets = [0, 0], sizes = [1, 128], strides = [1, 1]} : vector<1x512xf32> to vector<1x128xf32>
    %slice3A_5 = vector.extract_strided_slice %get3A_1 {offsets = [0, 0], sizes = [1024, 128], strides = [1, 1]} : vector<1024x512xf32> to vector<1024x128xf32>
    %dot_general3A = arith.constant dense<0.000000e+00> : vector<1x1024xf32>
    %dot_general3A_6 = tpu.matmul %slice3A, %slice3A_5, %dot_general3A {dimension_numbers = #tpu.dot_dimension_numbers<[1], [1], [0], [0], [0, 0, 1, 0], [], []>, transpose_lhs_hint = false} : vector<1x128xf32>, vector<1024x128xf32>, vector<1x1024xf32> -> vector<1x1024xf32>
    %slice3A_7 = vector.extract_strided_slice %get3A_4 {offsets = [0, 128], sizes = [1, 128], strides = [1, 1]} : vector<1x512xf32> to vector<1x128xf32>
    %slice3A_8 = vector.extract_strided_slice %get3A_1 {offsets = [0, 128], sizes = [1024, 128], strides = [1, 1]} : vector<1024x512xf32> to vector<1024x128xf32>
    %dot_general3A_9 = arith.constant dense<0.000000e+00> : vector<1x1024xf32>
    %dot_general3A_10 = tpu.matmul %slice3A_7, %slice3A_8, %dot_general3A_9 {dimension_numbers = #tpu.dot_dimension_numbers<[1], [1], [0], [0], [0, 0, 1, 0], [], []>, transpose_lhs_hint = false} : vector<1x128xf32>, vector<1024x128xf32>, vector<1x1024xf32> -> vector<1x1024xf32>
    %add3A = arith.addf %dot_general3A_6, %dot_general3A_10 : vector<1x1024xf32>
    %slice3A_11 = vector.extract_strided_slice %get3A_4 {offsets = [0, 256], sizes = [1, 128], strides = [1, 1]} : vector<1x512xf32> to vector<1x128xf32>
    %slice3A_12 = vector.extract_strided_slice %get3A_1 {offsets = [0, 256], sizes = [1024, 128], strides = [1, 1]} : vector<1024x512xf32> to vector<1024x128xf32>
    %dot_general3A_13 = arith.constant dense<0.000000e+00> : vector<1x1024xf32>
    %dot_general3A_14 = tpu.matmul %slice3A_11, %slice3A_12, %dot_general3A_13 {dimension_numbers = #tpu.dot_dimension_numbers<[1], [1], [0], [0], [0, 0, 1, 0], [], []>, transpose_lhs_hint = false} : vector<1x128xf32>, vector<1024x128xf32>, vector<1x1024xf32> -> vector<1x1024xf32>
    %add3A_15 = arith.addf %add3A, %dot_general3A_14 : vector<1x1024xf32>
    %slice3A_16 = vector.extract_strided_slice %get3A_4 {offsets = [0, 384], sizes = [1, 128], strides = [1, 1]} : vector<1x512xf32> to vector<1x128xf32>
    %slice3A_17 = vector.extract_strided_slice %get3A_1 {offsets = [0, 384], sizes = [1024, 128], strides = [1, 1]} : vector<1024x512xf32> to vector<1024x128xf32>
    %dot_general3A_18 = arith.constant dense<0.000000e+00> : vector<1x1024xf32>
    %dot_general3A_19 = tpu.matmul %slice3A_16, %slice3A_17, %dot_general3A_18 {dimension_numbers = #tpu.dot_dimension_numbers<[1], [1], [0], [0], [0, 0, 1, 0], [], []>, transpose_lhs_hint = false} : vector<1x128xf32>, vector<1024x128xf32>, vector<1x1024xf32> -> vector<1x1024xf32>
    %add3A_20 = arith.addf %add3A_15, %dot_general3A_19 : vector<1x1024xf32>
    %get3A_21 = arith.constant 0 : index
    %get3A_22 = vector.load %arg3[%get3A_21] : memref<1xf32, #tpu.memory_space<vmem>>, vector<1xf32>
    %squeeze3A = vector.extract %get3A_22[0] : f32 from vector<1xf32>
    %add3A_23 = vector.broadcast %squeeze3A : f32 to vector<1x1024xf32>
    %add3A_24 = arith.addf %add3A_20, %add3A_23 : vector<1x1024xf32>
    %swap3A = arith.constant 0 : index
    %swap3A_25 = arith.constant 0 : index
    %swap3A_26 = vector.load %arg4[%swap3A, %swap3A_25] : memref<1x1024xf32, #tpu.memory_space<vmem>>, vector<1x1024xf32>
    tpu.vector_store %arg4[%swap3A, %swap3A_25], %add3A_24 {strides = array<i32>} : memref<1x1024xf32, #tpu.memory_space<vmem>>, vector<1x1024xf32>,
    %broadcast_in_dim3A = arith.constant 0.000000e+00 : f32
    %broadcast_in_dim3A_27 = vector.broadcast %broadcast_in_dim3A : f32 to vector<1024x512xf32>
    %swap3A_28 = arith.constant 0 : index
    %swap3A_29 = arith.constant 0 : index
    %swap3A_30 = vector.load %arg5[%swap3A_28, %swap3A_29] : memref<1024x512xf32, #tpu.memory_space<vmem>>, vector<1024x512xf32>
    tpu.vector_store %arg5[%swap3A_28, %swap3A_29], %broadcast_in_dim3A_27 {strides = array<i32>} : memref<1024x512xf32, #tpu.memory_space<vmem>>, vector<1024x512xf32>,
    return
  }
  func.func @transform_0(%arg0: i32) -> (i32, i32) {
    %c0_i32 = arith.constant 0 : i32
    %c0_i32_0 = arith.constant 0 : i32
    return %arg0, %c0_i32 : i32, i32
  }
  func.func @transform_1(%arg0: i32) -> (i32, i32) {
    %c0_i32 = arith.constant 0 : i32
    %c0_i32_0 = arith.constant 0 : i32
    %c0_i32_1 = arith.constant 0 : i32
    return %c0_i32, %c0_i32_0 : i32, i32
  }
  func.func @transform_2(%arg0: i32) -> i32 {
    %c0_i32 = arith.constant 0 : i32
    %c0_i32_0 = arith.constant 0 : i32
    return %c0_i32 : i32
  }
  func.func @transform_3(%arg0: i32) -> (i32, i32) {
    %c0_i32 = arith.constant 0 : i32
    %c0_i32_0 = arith.constant 0 : i32
    return %c0_i32, %arg0 : i32, i32
  }
  func.func @transform_4(%arg0: i32) -> (i32, i32) {
    %c0_i32 = arith.constant 0 : i32
    %c0_i32_0 = arith.constant 0 : i32
    return %arg0, %c0_i32 : i32, i32
  }
}

</mosaic_0001>

<sc_bundles>
// kernel: kernel.11.cloned.1.call-start
scs
__scs_entry_jumppad:
0x0: {  	(pc) =	sbr.rel $0x88, $3  }
0x1: {  	(tag) =	ssettag $0x0;
	lr =	simm.s32 $0x1  }
0x2: {  	[smem:$0x3F9A] =	sst lr;
	_ =	strace $0xD0000000  }
0x3: {  	_ = 	snop  }
0x4: {  	_ = 	snop  }
0x5: {  	_ = 	snop  }
0x6: {  	_ = 	snop  }
0x7: {  	_ = 	snop  }
__scs_overlays_trampoline_lowered:
0x8: {  	[smem:$0x3FA9] =	sst s0  }
0x9: {  	[smem:$0x3FAA] =	sst s1  }
0xa: {  	[smem:$0x3FAB] =	sst s2  }
0xb: {  	[smem:$0x3FAC] =	sst s3  }
0xc: {  	[smem:$0x3FAD] =	sst s4  }
0xd: {  	[smem:$0x3FAE] =	sst s5  }
0xe: {  	[smem:$0x3FAF] =	sst s6  }
0xf: {  	[smem:$0x3FB0] =	sst s7  }
0x10: {  	[smem:$0x3FB1] =	sst s8  }
0x11: {  	[smem:$0x3FB2] =	sst s9;
	s0 =	simm.s32 @!p0 $0x0  }
0x12: {  	s1 =	sld [smem:$0x3F98];
	s0 =	simm.s32 @p0 $0x1  }
0x13: {  	[smem:$0x3FB3] =	sst s0;
	s0 =	simm.s32 @!p1 $0x0  }
0x14: {  	s2 =	sld [smem:$0x3F97];
	s0 =	simm.s32 @p1 $0x1  }
0x15: {  	[smem:$0x3FB4] =	sst s0;
	s0 =	simm.s32 @!p2 $0x0  }
0x16: {  	s3 =	sld [smem:$0x3FDB];
	s0 =	simm.s32 @p2 $0x1  }
0x17: {  	s4 =	simm.s32 $0x1BF5;
	[smem:$0x3FB6] =	sst s0  }
0x18: {  	s0 =	sld [smem:$0x3F99];
	_ =	swait.ge [sflag:s4], $0x0  }
0x19: {  	s7 =	sld [smem:$0x3F9A]  }
0x1a: {  	s8 =	sadd.s32 $0xFFFFE003, lr  }
0x1b: {  	s9 =	sadd.s32 $0xFFFFFEF7, lr;
	s5 =	simm.s32 $0xFFFFFFFF;
	p2 =	slt.u32 s8, $0xFFFFF086  }
0x1c: {  	p1 =	slt.u32 s9, $0xF7A;
	s5 =	simm.s32 @!p2 $0x0  }
0x1d: {  	s5 =	simm.s32 @p1 $0x1;
	p0 =	seq.s32 s7, s2  }
0x1e: {  	s7 =	smul.u32 @!p0 $0xF7A, s2;
	p2 =	seq.s32 @!p0 s5, $0x0  }
0x1f: {  	s9 =	smul.u32 $0xF7A, s1;
	s8 =	simm.s32 @!p0 $0x1BF5;
	p2 =	por !p2, p0  }
0x20: {  	[sflag:s8] =	ssyncset.s32 @!p0 $0xFFFFF086;
	s6 =	sadd.s32 @!p0 s3, s7;
	s7 =	simm.s32 @!p0 $0x108  }
0x21: {  	s3 =	sadd.s32 s3, s9;
	s6 =	sadd.s32 @!p0 $0x88, s6;
	s7 =	simm.s32 @p2 $0x1082  }
0x22: {  	[simem:s7], [sflag:s8] =	dma.local @!p0 [hbm:s6], $0xF7A  }
0x23: {  	s9 =	sor.u32 $0xD0000000, s2;
	s6 =	simm.s32 $0x108;
	_ =	swait.ge @!p0 [sflag:s8], $0x0  }
0x24: {  	s3 =	sadd.s32 $0x88, s3;
	s6 =	simm.s32 @!p1 $0x1082;
	[sflag:s4] =	ssyncset.s32 $0xFFFFF086  }
0x25: {  	[simem:s6], [sflag:s4] =	dma.local [hbm:s3], $0xF7A  }
0x26: {  	[smem:$0x3F9A] =	sst s1;
	(tag) =	ssettag s2;
	_ =	strace s9  }
0x27: {  	s1 =	sld [smem:$0x3FAA]  }
0x28: {  	s2 =	sld [smem:$0x3FAB]  }
0x29: {  	s4 =	sld [smem:$0x3FAD]  }
0x2a: {  	p0 =	seq.s32 s5, $0x0;
	s5 =	sld [smem:$0x3FAE]  }
0x2b: {  	s6 =	sld [smem:$0x3FAF]  }
0x2c: {  	s7 =	sld [smem:$0x3FB0]  }
0x2d: {  	s3 =	simm.s32 $0x108;
	s8 =	sld [smem:$0x3FB1]  }
0x2e: {  	s3 =	simm.s32 @!p0 $0x1082;
	s9 =	sld [smem:$0x3FB2]  }
0x2f: {  	lr =	sadd.s32 s0, s3;
	s0 =	sld [smem:$0x3FA9]  }
0x30: {  	s3 =	sld [smem:$0x3FAC]  }
0x31: {  	[smem:$0x3FB5] =	sst s10  }
0x32: {  	s10 =	sld [smem:$0x3FB3];
	_ =	sdelay $0x3  }
0x33: {  	p0 =	seq.s32 s10, $0x1;
	s10 =	sld [smem:$0x3FB5];
	_ =	sdelay $0x3  }
0x34: {  	[smem:$0x3FB5] =	sst s10  }
0x35: {  	s10 =	sld [smem:$0x3FB4];
	_ =	sdelay $0x3  }
0x36: {  	p1 =	seq.s32 s10, $0x1;
	s10 =	sld [smem:$0x3FB5];
	_ =	sdelay $0x3  }
0x37: {  	[smem:$0x3FB5] =	sst s10  }
0x38: {  	s10 =	sld [smem:$0x3FB6]  }
0x39: {  	_ = 	snop;
	(pc) =	sbr.ind lr, $3  }
0x3a: {  	_ = 	snop  }
0x3b: {  	_ = 	snop  }
0x3c: {  	p2 =	seq.s32 s10, $0x1;
	s10 =	sld [smem:$0x3FB5]  }
0x3d: {  	_ =	shalt  }
0x3e: {  	_ =	shalt  }
0x3f: {  	_ =	shalt  }
0x40: {  	_ =	shalt  }
0x41: {  	_ =	shalt  }
0x42: {  	_ =	shalt  }
0x43: {  	_ =	shalt  }
0x44: {  	_ =	shalt  }
0x45: {  	_ =	shalt  }
0x46: {  	_ =	shalt  }
0x47: {  	_ =	shalt  }
0x48: {  	_ =	shalt  }
0x49: {  	_ =	shalt  }
0x4a: {  	_ =	shalt  }
0x4b: {  	_ =	shalt  }
0x4c: {  	_ =	shalt  }
0x4d: {  	_ =	shalt  }
0x4e: {  	_ =	shalt  }
0x4f: {  	_ =	shalt  }
0x50: {  	_ =	shalt  }
0x51: {  	_ =	shalt  }
0x52: {  	_ =	shalt  }
0x53: {  	_ =	shalt  }
0x54: {  	_ =	shalt  }
0x55: {  	_ =	shalt  }
0x56: {  	_ =	shalt  }
0x57: {  	_ =	shalt  }
0x58: {  	_ =	shalt  }
0x59: {  	_ =	shalt  }
0x5a: {  	_ =	shalt  }
0x5b: {  	_ =	shalt  }
0x5c: {  	_ =	shalt  }
0x5d: {  	_ =	shalt  }
0x5e: {  	_ =	shalt  }
0x5f: {  	_ =	shalt  }
0x60: {  	_ =	shalt  }
0x61: {  	_ =	shalt  }
0x62: {  	_ =	shalt  }
0x63: {  	_ =	shalt  }
0x64: {  	_ =	shalt  }
0x65: {  	_ =	shalt  }
0x66: {  	_ =	shalt  }
0x67: {  	_ =	shalt  }
0x68: {  	_ =	shalt  }
0x69: {  	_ =	shalt  }
0x6a: {  	_ =	shalt  }
0x6b: {  	_ =	shalt  }
0x6c: {  	_ =	shalt  }
0x6d: {  	_ =	shalt  }
0x6e: {  	_ =	shalt  }
0x6f: {  	_ =	shalt  }
0x70: {  	_ =	shalt  }
0x71: {  	_ =	shalt  }
0x72: {  	_ =	shalt  }
0x73: {  	_ =	shalt  }
0x74: {  	_ =	shalt  }
0x75: {  	_ =	shalt  }
0x76: {  	_ =	shalt  }
0x77: {  	_ =	shalt  }
0x78: {  	_ =	shalt  }
0x79: {  	_ =	shalt  }
0x7a: {  	_ =	shalt  }
0x7b: {  	_ =	shalt  }
0x7c: {  	_ =	shalt  }
0x7d: {  	_ =	shalt  }
0x7e: {  	_ =	shalt  }
0x7f: {  	_ =	shalt  }
0x80: {  	_ =	shalt  }
0x81: {  	_ =	shalt  }
0x82: {  	_ =	shalt  }
0x83: {  	_ =	shalt  }
0x84: {  	_ =	shalt  }
0x85: {  	_ =	shalt  }
0x86: {  	_ =	shalt  }
0x87: {  	_ =	shalt  }
.Lfunc_end0:
.L_simem_size_0:
called_computation.1_lowered:
.L_overlay_start_0:
0x88: {  	s2 =	sld [smem:$0x3FD9]  }
0x89: {  	s3 =	sld [smem:$0x3FFE];
	_ =	sdelay $0x1  }
0x8a: {  	s1 =	srdreg.scid  }
0x8b: {  	s0 =	sand.u32 $0x1, s1  }
0x8c: {  	s17 =	sshll.u32 s0, $0xA;
	s2 =	sadd.s32 s3, s2  }
0x8d: {  	s2 =	sadd.s32 s2, s17  }
0x8e: {  	[smem:$0x3FC1] =	sst s2  }
0x8f: {  	_ = 	snop  }
0x90: {  	s2 =	sld [smem:$0x3FC9];
	(tm) =	ssettm $0x1  }
0x91: {  	s18 =	sld [smem:$0x3FFB];
	_ =	sdelay $0x3  }
0x92: {  	_ =	strace s18  }
0x93: {  	s3 =	sld [smem:$0x3FFC];
	_ =	sdelay $0x3  }
0x94: {  	_ =	strace s3  }
0x95: {  	s3 =	sld [smem:$0x3FFD];
	_ =	sdelay $0x3  }
0x96: {  	_ =	strace s3  }
0x97: {  	_ =	strace $0x8FFFFFFF  }
0x98: {  	s19 =	sld [smem:$0x3FDB];
	_ =	sdelay $0x1  }
0x99: {  	s4 =	simm.s32 $_scs_section_size  }
0x9a: {  	s5 =	simm.s32 $_size__tile_overlayer_lowered;
	s6 =	simm.s32 $_tile_overlayer_lowered  }
0x9b: {  	s22 =	simm.s32 $0x1BFF;
	s21 =	sshll.u32 s6, $0x1;
	s3 =	sadd.s32 s4, s19  }
0x9c: {  	s7 =	simm.s32 $0x0;
	s20 =	sshll.u32 s5, $0x1;
	s5 =	sadd.s32 s21, s3  }
0x9d: {  	[timem:s7], [sflag:s22] =	dma.local [hbm:s5], s20  }
0x9e: {  	_ =	swait.ge [sflag:s22], s20  }
0x9f: {  	s4 =	ssub.s32 $0x0, s20;
	[sflag:s22] =	ssyncset.done $0x0  }
0xa0: {  	[sflag:s22] =	ssyncadd.s32 s4;
	_ =	sdelay $0x1  }
0xa1: {  	s23 =	simm.s32 $0x1B8B  }
0xa2: {  	_ =	swait.ge [sflag:s23], $0x1  }
0xa3: {  	[sflag:s23] =	ssyncset.done $0x0  }
0xa4: {  	s25 =	simm.s32 $0x1B8E;
	s24 =	sld [smem:$0x3FFE];
	[sflag:s23] =	ssyncadd.s32 $0xFFFFFFFF  }
0xa5: {  	s26 =	simm.s32 $execute0_lowered;
	[smem:$0x3FD2] =	sst s25  }
0xa6: {  	s5 =	sshll.u32 s26, $0x1;
	_ =	strace $0x80000049;
	[dreg:$0x1] =	wrdreg $0xFFFFFFFF  }
0xa7: {  	s28 =	simm.s32 $_size_execute0_lowered;
	s3 =	sadd.s32 s3, s5;
	[dreg:$0x0] =	wrdreg $0x0  }
0xa8: {  	s5 =	sshll.u32 s28, $0x1;
	[dreg:$0x2] =	wrdreg s3  }
0xa9: {  	[dreg:$0x3] =	wrdreg s5  }
0xaa: {  	[dreg:$0x4] =	wrdreg $0xC0  }
0xab: {  	_ =	task [dreg:s7], $0x5FFFF  }
0xac: {  	[dreg:$0x1] =	wrdreg $0xFFFFFFFF  }
0xad: {  	[dreg:$0x0] =	wrdreg $0x60  }
0xae: {  	[dreg:$0x2] =	wrdreg s2  }
0xaf: {  	[dreg:$0x3] =	wrdreg s24  }
0xb0: {  	[dreg:$0x4] =	wrdreg $0x9  }
0xb1: {  	_ =	task.clear_ibuf [dreg:s7], $0x5FFFF;
	_ =	strace $0x90000049  }
0xb2: {  	s29 =	simm.s32 $0x9;
	_ =	strace $0x8000004B  }
0xb3: {  	_ =	swait.ge [sflag:s29], $0x1  }
0xb4: {  	[sflag:s29] =	ssyncadd.s32 $0xFFFFFFFF  }
0xb5: {  	_ =	strace $0x9000004B  }
0xb6: {  	_ =	sfence  }
0xb7: {  	s30 =	sld [smem:$0x0];
	_ =	sdelay $0x2  }
0xb8: {  	s31 =	sshll.u32 s1, $0xD;
	s1 =	sshrl.u32 s1, $0x2  }
0xb9: {  	s3 =	sand.u32 $0x4000, s31;
	s1 =	sadd.s32 s1, s30  }
0xba: {  	s0 =	sor.u32 s3, s0;
	s1 =	sshll.u32 s1, $0x11  }
0xbb: {  	s0 =	sor.u32 s1, s0  }
0xbc: {  	s0 =	sadd.s32 $0x8F2B, s0  }
0xbd: {  	[sflag:s0] =	ssyncadd.remote.s32 $0x1  }
0xbe: {  	_ =	sfence.sel $0xFFFF  }
0xbf: {  	[dreg:$0x0] =	wrdreg $0xFFFFFFFF;
	(pc) =	sbr.abs _section_cstart, $3  }
0xc0: {  	[dreg:$0x1] =	wrdreg $0xFFFFFFFF  }
0xc1: {  	_ =	task.clear_ibuf [dreg:s7], $0x2FFFF;
	_ =	strace $0x9FFFFFFF  }
0xc2: {  	(tm) =	ssettm $0x7FFFFFFF  }
0xc3: {  	_ =	shalt  }
tec
execute0_lowered:
.L_overlay_start_1:
0x0: {  	(tag) =	ssettag $0x1  }
0x1: {  	s1 =	srdreg.scid  }
0x2: {  	s0 =	stileid.u32;
	s2 =	rddreg [dreg:$0x0]  }
0x3: {  	s5 =	rddreg [dreg:$0x1];
	s3 =	simm.s32 $0x0;
	s9 =	simm.s32 $0x80  }
0x4: {  	s10 =	simm.s32 $0x880;
	s11 =	simm.s32 $0x1080;
	s12 =	simm.s32 $0x1880  }
0x5: {  	s13 =	simm.s32 $0x2080;
	s14 =	simm.s32 $0x2880;
	s15 =	simm.s32 $0x3080  }
0x6: {  	s16 =	simm.s32 $0x3880;
	s17 =	simm.s32 $0x4080;
	s18 =	simm.s32 $0x4880  }
0x7: {  	s19 =	simm.s32 $0x5080;
	s4 =	sand.u32 $0x1, s1;
	s31 =	sshll.u32 s0, $0x1  }
0x8: {  	s20 =	simm.s32 $0x5880;
	s21 =	simm.s32 $0x1;
	s6 =	sor.u32 s4, s31  }
0x9: {  	s1 =	rddreg [dreg:$0x2];
	s4 =	ssub.s32 $0x2, s4;
	s7 =	smul.u32 $0x6, s6  }
0xa: {  	[smem:$0x7FF] =	sst s3;
	s6 =	smul.u32 $0xC00, s6;
	s8 =	sshrl.u32 s4, $0x1  }
0xb: {  	v2 =	vlaneseq.u32;
	_ =	strace $0x8000004A;
	s8 =	ssub.s32 s4, s8;
	s7 =	sadd.s32 s7, s5  }
0xc: {  	vm0 =	vmmov $0xffff;
	v1 =	vshrl.u32 v2, $0x3;
	s6 =	sadd.s32 s6, s5;
	s5 =	sadd.s32 $0x100, s2;
	s4 =	sadd.s32 $0x6600, s7  }
0xd: {  	v0 =	vand.u32 $0x7, v2;
	v2 =	vor.u32 $0x8, v2;
	v1 =	vmul.u32 $0x8, v1;
	s6 =	sadd.s32 $0x6800, s6;
	s7 =	smax.u32 s8, $0x1;
	s8 =	simm.s32 $0x2  }
.LBB2_1:
0xe: {  	[tilespmem:s3], [sflag:$0x2] =	stream.linear.gather [hbm4b:s4+s3], $0x30, $0x38;
	[tilespmem:$0x6080] =	vst v63  }
0xf: {  	_ =	swait.ge [sflag:s8], $0x30  }
0x10: {  	[sflag:s8] =	ssyncset.done $0x0  }
0x11: {  	[sflag:s8] =	ssyncadd.s32 $0xFFFFFFD0  }
0x12: {  	v3 =	vld [tilespmem:$0x0];
	_ =	sdelay $0x4  }
0x13: {  	v4 =	vshll.u32 v3, $0x2  }
0x14: {  	v3 =	vand.u32 $0x7, v3;
	v4 =	vand.u32 $0xFFFFFFE0, v4  }
0x15: {  	v3 =	vor.u32 v3, v4  }
0x16: {  	v4 =	vperm.xlane v3, v0;
	_ =	sdelay $0x1  }
0x17: {  	v4 =	vadd.s32 v1, v4;
	_ =	sdelay $0x1  }
0x18: {  	v3 =	vperm.xlane v3, v2;
	_ =	sdelay $0x1  }
0x19: {  	v3 =	vadd.s32 v1, v3  }
0x1a: {  	[tilespmem:s9], [sflag:$0x1] =	stream.indirect_vreg.gather [hbm4b:s2+s3], $0x80, v4, vm0, $0xb8;
	[tilespmem:$0x6080] =	vst v63  }
0x1b: {  	_ = 	snop  }
0x1c: {  	[tilespmem:s10], [sflag:$0x1] =	stream.indirect_vreg.gather [hbm4b:s5+s3], $0x80, v4, vm0, $0xb8;
	[tilespmem:$0x6080] =	vst v63  }
0x1d: {  	_ = 	snop  }
0x1e: {  	[tilespmem:s11], [sflag:$0x1] =	stream.indirect_vreg.gather [hbm4b:s2+s3], $0x80, v3, vm0, $0xb8;
	[tilespmem:$0x6080] =	vst v63  }
0x1f: {  	_ = 	snop  }
0x20: {  	[tilespmem:s12], [sflag:$0x1] =	stream.indirect_vreg.gather [hbm4b:s5+s3], $0x80, v3, vm0, $0xb8;
	[tilespmem:$0x6080] =	vst v63  }
0x21: {  	v3 =	vld [tilespmem:$0x10];
	_ =	sdelay $0x4  }
0x22: {  	v62 =	vshll.u32 v3, $0x2  }
0x23: {  	v3 =	vand.u32 $0x7, v3;
	v4 =	vand.u32 $0xFFFFFFE0, v62  }
0x24: {  	v3 =	vor.u32 v3, v4  }
0x25: {  	v4 =	vperm.xlane v3, v0;
	_ =	sdelay $0x1  }
0x26: {  	v4 =	vadd.s32 v1, v4;
	_ =	sdelay $0x1  }
0x27: {  	v3 =	vperm.xlane v3, v2;
	_ =	sdelay $0x1  }
0x28: {  	v3 =	vadd.s32 v1, v3  }
0x29: {  	[tilespmem:s13], [sflag:$0x1] =	stream.indirect_vreg.gather [hbm4b:s2+s3], $0x80, v4, vm0, $0xb8;
	[tilespmem:$0x6080] =	vst v63  }
0x2a: {  	_ = 	snop  }
0x2b: {  	[tilespmem:s14], [sflag:$0x1] =	stream.indirect_vreg.gather [hbm4b:s5+s3], $0x80, v4, vm0, $0xb8;
	[tilespmem:$0x6080] =	vst v63  }
0x2c: {  	_ = 	snop  }
0x2d: {  	[tilespmem:s15], [sflag:$0x1] =	stream.indirect_vreg.gather [hbm4b:s2+s3], $0x80, v3, vm0, $0xb8;
	[tilespmem:$0x6080] =	vst v63  }
0x2e: {  	_ = 	snop  }
0x2f: {  	[tilespmem:s16], [sflag:$0x1] =	stream.indirect_vreg.gather [hbm4b:s5+s3], $0x80, v3, vm0, $0xb8;
	[tilespmem:$0x6080] =	vst v63  }
0x30: {  	v3 =	vld [tilespmem:$0x20];
	_ =	sdelay $0x4  }
0x31: {  	v63 =	vshll.u32 v3, $0x2  }
0x32: {  	v3 =	vand.u32 $0x7, v3;
	v4 =	vand.u32 $0xFFFFFFE0, v63  }
0x33: {  	v3 =	vor.u32 v3, v4  }
0x34: {  	v4 =	vperm.xlane v3, v0;
	_ =	sdelay $0x1  }
0x35: {  	v4 =	vadd.s32 v1, v4;
	_ =	sdelay $0x1  }
0x36: {  	v3 =	vperm.xlane v3, v2;
	_ =	sdelay $0x1  }
0x37: {  	v3 =	vadd.s32 v1, v3  }
0x38: {  	[tilespmem:s17], [sflag:$0x1] =	stream.indirect_vreg.gather [hbm4b:s2+s3], $0x80, v4, vm0, $0xb8;
	[tilespmem:$0x6080] =	vst v63  }
0x39: {  	_ = 	snop  }
0x3a: {  	[tilespmem:s18], [sflag:$0x1] =	stream.indirect_vreg.gather [hbm4b:s5+s3], $0x80, v4, vm0, $0xb8;
	[tilespmem:$0x6080] =	vst v63  }
0x3b: {  	_ = 	snop  }
0x3c: {  	[tilespmem:s19], [sflag:$0x1] =	stream.indirect_vreg.gather [hbm4b:s2+s3], $0x80, v3, vm0, $0xb8;
	[tilespmem:$0x6080] =	vst v63  }
0x3d: {  	_ = 	snop  }
0x3e: {  	[tilespmem:s20], [sflag:$0x1] =	stream.indirect_vreg.gather [hbm4b:s5+s3], $0x80, v3, vm0, $0xb8;
	[tilespmem:$0x6080] =	vst v63  }
0x3f: {  	_ =	swait.ge [sflag:s21], $0x6000  }
0x40: {  	p0 =	sne.s32 s7, $0x1;
	[sflag:s21] =	ssyncset.done $0x0  }
.Ltmp0:
0x41: {  	[sflag:s21] =	ssyncadd.s32 $0xFFFFA000;
	(pc) =	sbr.rel @p0 .LBB2_1-.Ltmp0, $4  }
0x42: {  	[hbm4b:s6+s3] =	stream.linear.scatter [tilespmem:s9], [sflag:$0x2], $0x6000, $0x38;
	[tilespmem:$0x6080] =	vst v63  }
0x43: {  	_ =	swait.ge [sflag:s8], $0x6000  }
0x44: {  	[sflag:s8] =	ssyncset.done $0x0  }
0x45: {  	s7 =	sadd.s32 $0xFFFFFFFF, s7;
	[sflag:s8] =	ssyncadd.s32 $0xFFFFA000  }
0x46: {  	_ =	sfence.sel $0x180000  }
0x47: {  	[bflag:$0x0] =	sbarrier.arrive $0xFFFF  }
0x48: {  	p0 =	sne.s32 s0, $0x0;
	_ =	strace $0x9000004A  }
0x49: {  	s0 =	sadd.s32 @!p0 $0x100000, s1;
	[bflag:$0x2] =	sbarrier.arrive $0xFFFF  }
0x4a: {  	[sflag:s0] =	ssyncadd.tile.s32 @!p0 $0x1;
	_ =	shalt  }
.Lfunc_end2:
_tile_overlayer_lowered:
.L_overlay_start_2:
0x4b: {  	(tag) =	ssettag $0x2  }
0x4c: {  	s0 =	rddreg [dreg:$0x0];
	s2 =	stileid.u32  }
0x4d: {  	s1 =	rddreg [dreg:$0x1];
	p0 =	sne.s32 s2, $0x0  }
0x4e: {  	s3 =	rddreg [dreg:$0x2];
	[bflag:$0x3] =	sbarrier.arrive $0xFFFF;
	s2 =	simm.s32 @!p0 $0x1C02  }
0x4f: {  	[timem:s3], [sflag:s2] =	dma.local @!p0 [hbm:s0], s1  }
0x50: {  	s0 =	simm.s32 @!p0 $0x2  }
0x51: {  	_ =	swait.ge @!p0 [sflag:s0], s1  }
0x52: {  	s1 =	ssub.s32 @!p0 $0x0, s1;
	[sflag:s0] =	ssyncset.done @!p0 $0x0  }
0x53: {  	[sflag:s0] =	ssyncadd.s32 @!p0 s1  }
0x54: {  	[bflag:$0x3] =	sbarrier.arrive $0xFFFF  }
0x55: {  	_ =	shalt  }

// kernel: kernel.14.cloned.1.call-start
scs
__scs_entry_jumppad:
0x0: {  	(pc) =	sbr.rel $0x88, $3  }
0x1: {  	(tag) =	ssettag $0x0;
	lr =	simm.s32 $0x1  }
0x2: {  	[smem:$0x3F9A] =	sst lr;
	_ =	strace $0xD0000000  }
0x3: {  	_ = 	snop  }
0x4: {  	_ = 	snop  }
0x5: {  	_ = 	snop  }
0x6: {  	_ = 	snop  }
0x7: {  	_ = 	snop  }
__scs_overlays_trampoline_lowered:
0x8: {  	[smem:$0x3FA9] =	sst s0  }
0x9: {  	[smem:$0x3FAA] =	sst s1  }
0xa: {  	[smem:$0x3FAB] =	sst s2  }
0xb: {  	[smem:$0x3FAC] =	sst s3  }
0xc: {  	[smem:$0x3FAD] =	sst s4  }
0xd: {  	[smem:$0x3FAE] =	sst s5  }
0xe: {  	[smem:$0x3FAF] =	sst s6  }
0xf: {  	[smem:$0x3FB0] =	sst s7  }
0x10: {  	[smem:$0x3FB1] =	sst s8  }
0x11: {  	[smem:$0x3FB2] =	sst s9;
	s0 =	simm.s32 @!p0 $0x0  }
0x12: {  	s1 =	sld [smem:$0x3F98];
	s0 =	simm.s32 @p0 $0x1  }
0x13: {  	[smem:$0x3FB3] =	sst s0;
	s0 =	simm.s32 @!p1 $0x0  }
0x14: {  	s2 =	sld [smem:$0x3F97];
	s0 =	simm.s32 @p1 $0x1  }
0x15: {  	[smem:$0x3FB4] =	sst s0;
	s0 =	simm.s32 @!p2 $0x0  }
0x16: {  	s3 =	sld [smem:$0x3FDB];
	s0 =	simm.s32 @p2 $0x1  }
0x17: {  	s4 =	simm.s32 $0x1BF5;
	[smem:$0x3FB6] =	sst s0  }
0x18: {  	s0 =	sld [smem:$0x3F99];
	_ =	swait.ge [sflag:s4], $0x0  }
0x19: {  	s7 =	sld [smem:$0x3F9A]  }
0x1a: {  	s8 =	sadd.s32 $0xFFFFE003, lr  }
0x1b: {  	s9 =	sadd.s32 $0xFFFFFEF7, lr;
	s5 =	simm.s32 $0xFFFFFFFF;
	p2 =	slt.u32 s8, $0xFFFFF086  }
0x1c: {  	p1 =	slt.u32 s9, $0xF7A;
	s5 =	simm.s32 @!p2 $0x0  }
0x1d: {  	s5 =	simm.s32 @p1 $0x1;
	p0 =	seq.s32 s7, s2  }
0x1e: {  	s7 =	smul.u32 @!p0 $0xF7A, s2;
	p2 =	seq.s32 @!p0 s5, $0x0  }
0x1f: {  	s9 =	smul.u32 $0xF7A, s1;
	s8 =	simm.s32 @!p0 $0x1BF5;
	p2 =	por !p2, p0  }
0x20: {  	[sflag:s8] =	ssyncset.s32 @!p0 $0xFFFFF086;
	s6 =	sadd.s32 @!p0 s3, s7;
	s7 =	simm.s32 @!p0 $0x108  }
0x21: {  	s3 =	sadd.s32 s3, s9;
	s6 =	sadd.s32 @!p0 $0x88, s6;
	s7 =	simm.s32 @p2 $0x1082  }
0x22: {  	[simem:s7], [sflag:s8] =	dma.local @!p0 [hbm:s6], $0xF7A  }
0x23: {  	s9 =	sor.u32 $0xD0000000, s2;
	s6 =	simm.s32 $0x108;
	_ =	swait.ge @!p0 [sflag:s8], $0x0  }
0x24: {  	s3 =	sadd.s32 $0x88, s3;
	s6 =	simm.s32 @!p1 $0x1082;
	[sflag:s4] =	ssyncset.s32 $0xFFFFF086  }
0x25: {  	[simem:s6], [sflag:s4] =	dma.local [hbm:s3], $0xF7A  }
0x26: {  	[smem:$0x3F9A] =	sst s1;
	(tag) =	ssettag s2;
	_ =	strace s9  }
0x27: {  	s1 =	sld [smem:$0x3FAA]  }
0x28: {  	s2 =	sld [smem:$0x3FAB]  }
0x29: {  	s4 =	sld [smem:$0x3FAD]  }
0x2a: {  	p0 =	seq.s32 s5, $0x0;
	s5 =	sld [smem:$0x3FAE]  }
0x2b: {  	s6 =	sld [smem:$0x3FAF]  }
0x2c: {  	s7 =	sld [smem:$0x3FB0]  }
0x2d: {  	s3 =	simm.s32 $0x108;
	s8 =	sld [smem:$0x3FB1]  }
0x2e: {  	s3 =	simm.s32 @!p0 $0x1082;
	s9 =	sld [smem:$0x3FB2]  }
0x2f: {  	lr =	sadd.s32 s0, s3;
	s0 =	sld [smem:$0x3FA9]  }
0x30: {  	s3 =	sld [smem:$0x3FAC]  }
0x31: {  	[smem:$0x3FB5] =	sst s10  }
0x32: {  	s10 =	sld [smem:$0x3FB3];
	_ =	sdelay $0x3  }
0x33: {  	p0 =	seq.s32 s10, $0x1;
	s10 =	sld [smem:$0x3FB5];
	_ =	sdelay $0x3  }
0x34: {  	[smem:$0x3FB5] =	sst s10  }
0x35: {  	s10 =	sld [smem:$0x3FB4];
	_ =	sdelay $0x3  }
0x36: {  	p1 =	seq.s32 s10, $0x1;
	s10 =	sld [smem:$0x3FB5];
	_ =	sdelay $0x3  }
0x37: {  	[smem:$0x3FB5] =	sst s10  }
0x38: {  	s10 =	sld [smem:$0x3FB6]  }
0x39: {  	_ = 	snop;
	(pc) =	sbr.ind lr, $3  }
0x3a: {  	_ = 	snop  }
0x3b: {  	_ = 	snop  }
0x3c: {  	p2 =	seq.s32 s10, $0x1;
	s10 =	sld [smem:$0x3FB5]  }
0x3d: {  	_ =	shalt  }
0x3e: {  	_ =	shalt  }
0x3f: {  	_ =	shalt  }
0x40: {  	_ =	shalt  }
0x41: {  	_ =	shalt  }
0x42: {  	_ =	shalt  }
0x43: {  	_ =	shalt  }
0x44: {  	_ =	shalt  }
0x45: {  	_ =	shalt  }
0x46: {  	_ =	shalt  }
0x47: {  	_ =	shalt  }
0x48: {  	_ =	shalt  }
0x49: {  	_ =	shalt  }
0x4a: {  	_ =	shalt  }
0x4b: {  	_ =	shalt  }
0x4c: {  	_ =	shalt  }
0x4d: {  	_ =	shalt  }
0x4e: {  	_ =	shalt  }
0x4f: {  	_ =	shalt  }
0x50: {  	_ =	shalt  }
0x51: {  	_ =	shalt  }
0x52: {  	_ =	shalt  }
0x53: {  	_ =	shalt  }
0x54: {  	_ =	shalt  }
0x55: {  	_ =	shalt  }
0x56: {  	_ =	shalt  }
0x57: {  	_ =	shalt  }
0x58: {  	_ =	shalt  }
0x59: {  	_ =	shalt  }
0x5a: {  	_ =	shalt  }
0x5b: {  	_ =	shalt  }
0x5c: {  	_ =	shalt  }
0x5d: {  	_ =	shalt  }
0x5e: {  	_ =	shalt  }
0x5f: {  	_ =	shalt  }
0x60: {  	_ =	shalt  }
0x61: {  	_ =	shalt  }
0x62: {  	_ =	shalt  }
0x63: {  	_ =	shalt  }
0x64: {  	_ =	shalt  }
0x65: {  	_ =	shalt  }
0x66: {  	_ =	shalt  }
0x67: {  	_ =	shalt  }
0x68: {  	_ =	shalt  }
0x69: {  	_ =	shalt  }
0x6a: {  	_ =	shalt  }
0x6b: {  	_ =	shalt  }
0x6c: {  	_ =	shalt  }
0x6d: {  	_ =	shalt  }
0x6e: {  	_ =	shalt  }
0x6f: {  	_ =	shalt  }
0x70: {  	_ =	shalt  }
0x71: {  	_ =	shalt  }
0x72: {  	_ =	shalt  }
0x73: {  	_ =	shalt  }
0x74: {  	_ =	shalt  }
0x75: {  	_ =	shalt  }
0x76: {  	_ =	shalt  }
0x77: {  	_ =	shalt  }
0x78: {  	_ =	shalt  }
0x79: {  	_ =	shalt  }
0x7a: {  	_ =	shalt  }
0x7b: {  	_ =	shalt  }
0x7c: {  	_ =	shalt  }
0x7d: {  	_ =	shalt  }
0x7e: {  	_ =	shalt  }
0x7f: {  	_ =	shalt  }
0x80: {  	_ =	shalt  }
0x81: {  	_ =	shalt  }
0x82: {  	_ =	shalt  }
0x83: {  	_ =	shalt  }
0x84: {  	_ =	shalt  }
0x85: {  	_ =	shalt  }
0x86: {  	_ =	shalt  }
0x87: {  	_ =	shalt  }
.Lfunc_end0:
.L_simem_size_0:
called_computation.2_lowered:
.L_overlay_start_0:
0x88: {  	s2 =	sld [smem:$0x3FD9]  }
0x89: {  	s3 =	sld [smem:$0x3FFE];
	_ =	sdelay $0x1  }
0x8a: {  	s1 =	srdreg.scid  }
0x8b: {  	s0 =	sand.u32 $0x1, s1  }
0x8c: {  	s14 =	sshll.u32 s0, $0xA;
	s2 =	sadd.s32 s3, s2  }
0x8d: {  	s2 =	sadd.s32 s2, s14  }
0x8e: {  	[smem:$0x3FC1] =	sst s2  }
0x8f: {  	_ = 	snop  }
0x90: {  	s2 =	sld [smem:$0x3FD0];
	_ =	sdelay $0x2  }
0x91: {  	s15 =	simm.s32 $0xA;
	s4 =	simm.s32 $0x10  }
0x92: {  	[smem:s4], [sflag:s15] =	dma.local [hbm:s2], $0x1  }
0x93: {  	_ =	swait.eq [sflag:s15], $0x1  }
0x94: {  	[sflag:s15] =	ssyncset.done $0x0  }
0x95: {  	[sflag:s15] =	ssyncadd.s32 $0xFFFFFFFF  }
0x96: {  	s16 =	sld [smem:$0x10];
	(tm) =	ssettm $0x1  }
0x97: {  	s17 =	sld [smem:$0x3FFB];
	_ =	sdelay $0x3  }
0x98: {  	_ =	strace s17  }
0x99: {  	s3 =	sld [smem:$0x3FFC];
	_ =	sdelay $0x3  }
0x9a: {  	_ =	strace s3  }
0x9b: {  	s3 =	sld [smem:$0x3FFD];
	_ =	sdelay $0x3  }
0x9c: {  	_ =	strace s3  }
0x9d: {  	_ =	strace $0x8FFFFFFF  }
0x9e: {  	s18 =	sld [smem:$0x3FDB];
	_ =	sdelay $0x1  }
0x9f: {  	s19 =	simm.s32 $_scs_section_size  }
0xa0: {  	s5 =	simm.s32 $_size__tile_overlayer_lowered;
	s6 =	simm.s32 $_tile_overlayer_lowered  }
0xa1: {  	s22 =	simm.s32 $0x1BFF;
	s21 =	sshll.u32 s6, $0x1;
	s3 =	sadd.s32 s19, s18  }
0xa2: {  	s7 =	simm.s32 $0x0;
	s20 =	sshll.u32 s5, $0x1;
	s5 =	sadd.s32 s21, s3  }
0xa3: {  	[timem:s7], [sflag:s22] =	dma.local [hbm:s5], s20  }
0xa4: {  	_ =	swait.ge [sflag:s22], s20  }
0xa5: {  	s4 =	ssub.s32 $0x0, s20;
	[sflag:s22] =	ssyncset.done $0x0  }
0xa6: {  	[sflag:s22] =	ssyncadd.s32 s4;
	_ =	sdelay $0x1  }
0xa7: {  	s23 =	simm.s32 $0x1B8B  }
0xa8: {  	_ =	swait.ge [sflag:s23], $0x1  }
0xa9: {  	[sflag:s23] =	ssyncset.done $0x0  }
0xaa: {  	s25 =	simm.s32 $0x1B8E;
	s24 =	sld [smem:$0x3FFE];
	[sflag:s23] =	ssyncadd.s32 $0xFFFFFFFF  }
0xab: {  	s26 =	simm.s32 $execute0_lowered;
	[smem:$0x3FD2] =	sst s25  }
0xac: {  	s5 =	sshll.u32 s26, $0x1;
	_ =	strace $0x8000004C;
	[dreg:$0x1] =	wrdreg $0xFFFFFFFF  }
0xad: {  	s28 =	simm.s32 $_size_execute0_lowered;
	s3 =	sadd.s32 s3, s5;
	[dreg:$0x0] =	wrdreg $0x0  }
0xae: {  	s5 =	sshll.u32 s28, $0x1;
	[dreg:$0x2] =	wrdreg s3  }
0xaf: {  	[dreg:$0x3] =	wrdreg s5  }
0xb0: {  	[dreg:$0x4] =	wrdreg $0xC0  }
0xb1: {  	_ =	task [dreg:s7], $0x5FFFF  }
0xb2: {  	[dreg:$0x1] =	wrdreg $0xFFFFFFFF  }
0xb3: {  	[dreg:$0x0] =	wrdreg $0x60  }
0xb4: {  	[dreg:$0x2] =	wrdreg s24  }
0xb5: {  	[dreg:$0x3] =	wrdreg s16  }
0xb6: {  	[dreg:$0x4] =	wrdreg $0x9  }
0xb7: {  	_ =	task.clear_ibuf [dreg:s7], $0x5FFFF;
	_ =	strace $0x9000004C  }
0xb8: {  	s29 =	simm.s32 $0x9;
	_ =	strace $0x8000004E  }
0xb9: {  	_ =	swait.ge [sflag:s29], $0x1  }
0xba: {  	[sflag:s29] =	ssyncadd.s32 $0xFFFFFFFF  }
0xbb: {  	_ =	strace $0x9000004E  }
0xbc: {  	_ =	sfence  }
0xbd: {  	s30 =	sld [smem:$0x0];
	_ =	sdelay $0x2  }
0xbe: {  	s31 =	sshll.u32 s1, $0xD;
	s1 =	sshrl.u32 s1, $0x2  }
0xbf: {  	s3 =	sand.u32 $0x4000, s31;
	s1 =	sadd.s32 s1, s30  }
0xc0: {  	s0 =	sor.u32 s3, s0;
	s1 =	sshll.u32 s1, $0x11  }
0xc1: {  	s0 =	sor.u32 s1, s0  }
0xc2: {  	s0 =	sadd.s32 $0x8F2B, s0  }
0xc3: {  	[sflag:s0] =	ssyncadd.remote.s32 $0x1  }
0xc4: {  	_ =	sfence.sel $0xFFFF  }
0xc5: {  	[dreg:$0x0] =	wrdreg $0xFFFFFFFF;
	(pc) =	sbr.abs _section_cstart, $3  }
0xc6: {  	[dreg:$0x1] =	wrdreg $0xFFFFFFFF  }
0xc7: {  	_ =	task.clear_ibuf [dreg:s7], $0x2FFFF;
	_ =	strace $0x9FFFFFFF  }
0xc8: {  	(tm) =	ssettm $0x7FFFFFFF  }
0xc9: {  	_ =	shalt  }
tec
execute0_lowered:
.L_overlay_start_1:
0x0: {  	(tag) =	ssettag $0x1  }
0x1: {  	s1 =	srdreg.scid  }
0x2: {  	s0 =	stileid.u32;
	s4 =	rddreg [dreg:$0x0]  }
0x3: {  	s2 =	rddreg [dreg:$0x1];
	s3 =	simm.s32 $0x0;
	s9 =	simm.s32 $0x80  }
0x4: {  	s10 =	simm.s32 $0x880;
	s11 =	simm.s32 $0x1080;
	s12 =	simm.s32 $0x1880  }
0x5: {  	s13 =	simm.s32 $0x2080;
	s14 =	simm.s32 $0x2880;
	s15 =	simm.s32 $0x3080  }
0x6: {  	s16 =	simm.s32 $0x3880;
	s5 =	sand.u32 $0x1, s1;
	s31 =	sshll.u32 s0, $0x1  }
0x7: {  	s17 =	simm.s32 $0x4080;
	s18 =	simm.s32 $0x4880;
	s6 =	sor.u32 s5, s31  }
0x8: {  	s19 =	simm.s32 $0x5080;
	s20 =	simm.s32 $0x5880;
	s7 =	smul.u32 $0xC00, s6  }
0x9: {  	s21 =	simm.s32 $0x1;
	[smem:$0x7FF] =	sst s3;
	s6 =	smul.u32 $0x6, s6  }
0xa: {  	s1 =	rddreg [dreg:$0x2];
	s5 =	ssub.s32 $0x2, s5;
	_ =	strace $0x8000004D  }
0xb: {  	v2 =	vlaneseq.u32;
	s8 =	sshrl.u32 s5, $0x1;
	s7 =	sadd.s32 s7, s4;
	s4 =	sadd.s32 s6, s4  }
0xc: {  	vm0 =	vmmov $0xffff;
	v1 =	vshrl.u32 v2, $0x3;
	s8 =	ssub.s32 s5, s8;
	s6 =	sadd.s32 $0x100, s2;
	s4 =	sadd.s32 $0x6600, s4  }
0xd: {  	v0 =	vand.u32 $0x7, v2;
	v2 =	vor.u32 $0x8, v2;
	v1 =	vmul.u32 $0x8, v1;
	s5 =	sadd.s32 $0x6800, s7;
	s7 =	smax.u32 s8, $0x1;
	s8 =	simm.s32 $0x2  }
.LBB2_1:
0xe: {  	[tilespmem:s3], [sflag:$0x2] =	stream.linear.gather [hbm4b:s4+s3], $0x30, $0x38;
	[tilespmem:$0x6080] =	vst v63  }
0xf: {  	_ =	swait.ge [sflag:s8], $0x30  }
0x10: {  	[sflag:s8] =	ssyncset.done $0x0  }
0x11: {  	[sflag:s8] =	ssyncadd.s32 $0xFFFFFFD0  }
0x12: {  	[tilespmem:s9], [sflag:$0x2] =	stream.linear.gather [hbm4b:s5+s3], $0x6000, $0x38;
	[tilespmem:$0x6080] =	vst v63  }
0x13: {  	_ =	swait.ge [sflag:s8], $0x6000  }
0x14: {  	[sflag:s8] =	ssyncset.done $0x0  }
0x15: {  	[sflag:s8] =	ssyncadd.s32 $0xFFFFA000  }
0x16: {  	v3 =	vld [tilespmem:$0x0];
	_ =	sdelay $0x4  }
0x17: {  	v4 =	vshll.u32 v3, $0x2  }
0x18: {  	v3 =	vand.u32 $0x7, v3;
	v4 =	vand.u32 $0xFFFFFFE0, v4  }
0x19: {  	v3 =	vor.u32 v3, v4  }
0x1a: {  	v4 =	vperm.xlane v3, v0;
	_ =	sdelay $0x1  }
0x1b: {  	v4 =	vadd.s32 v1, v4;
	_ =	sdelay $0x1  }
0x1c: {  	v3 =	vperm.xlane v3, v2;
	_ =	sdelay $0x1  }
0x1d: {  	v3 =	vadd.s32 v1, v3  }
0x1e: {  	[hbm4b:s2+s3] =	stream.indirect_vreg.scatter [tilespmem:s9], [sflag:$0x1], $0x80, v4, vm0, $0xb8;
	[tilespmem:$0x6080] =	vst v63  }
0x1f: {  	_ = 	snop  }
0x20: {  	[hbm4b:s6+s3] =	stream.indirect_vreg.scatter [tilespmem:s10], [sflag:$0x1], $0x80, v4, vm0, $0xb8;
	[tilespmem:$0x6080] =	vst v63  }
0x21: {  	_ = 	snop  }
0x22: {  	[hbm4b:s2+s3] =	stream.indirect_vreg.scatter [tilespmem:s11], [sflag:$0x1], $0x80, v3, vm0, $0xb8;
	[tilespmem:$0x6080] =	vst v63  }
0x23: {  	_ = 	snop  }
0x24: {  	[hbm4b:s6+s3] =	stream.indirect_vreg.scatter [tilespmem:s12], [sflag:$0x1], $0x80, v3, vm0, $0xb8;
	[tilespmem:$0x6080] =	vst v63  }
0x25: {  	v3 =	vld [tilespmem:$0x10];
	_ =	sdelay $0x4  }
0x26: {  	v62 =	vshll.u32 v3, $0x2  }
0x27: {  	v3 =	vand.u32 $0x7, v3;
	v4 =	vand.u32 $0xFFFFFFE0, v62  }
0x28: {  	v3 =	vor.u32 v3, v4  }
0x29: {  	v4 =	vperm.xlane v3, v0;
	_ =	sdelay $0x1  }
0x2a: {  	v4 =	vadd.s32 v1, v4;
	_ =	sdelay $0x1  }
0x2b: {  	v3 =	vperm.xlane v3, v2;
	_ =	sdelay $0x1  }
0x2c: {  	v3 =	vadd.s32 v1, v3  }
0x2d: {  	[hbm4b:s2+s3] =	stream.indirect_vreg.scatter [tilespmem:s13], [sflag:$0x1], $0x80, v4, vm0, $0xb8;
	[tilespmem:$0x6080] =	vst v63  }
0x2e: {  	_ = 	snop  }
0x2f: {  	[hbm4b:s6+s3] =	stream.indirect_vreg.scatter [tilespmem:s14], [sflag:$0x1], $0x80, v4, vm0, $0xb8;
	[tilespmem:$0x6080] =	vst v63  }
0x30: {  	_ = 	snop  }
0x31: {  	[hbm4b:s2+s3] =	stream.indirect_vreg.scatter [tilespmem:s15], [sflag:$0x1], $0x80, v3, vm0, $0xb8;
	[tilespmem:$0x6080] =	vst v63  }
0x32: {  	_ = 	snop  }
0x33: {  	[hbm4b:s6+s3] =	stream.indirect_vreg.scatter [tilespmem:s16], [sflag:$0x1], $0x80, v3, vm0, $0xb8;
	[tilespmem:$0x6080] =	vst v63  }
0x34: {  	v3 =	vld [tilespmem:$0x20];
	_ =	sdelay $0x4  }
0x35: {  	v63 =	vshll.u32 v3, $0x2  }
0x36: {  	v3 =	vand.u32 $0x7, v3;
	v4 =	vand.u32 $0xFFFFFFE0, v63  }
0x37: {  	v3 =	vor.u32 v3, v4  }
0x38: {  	v4 =	vperm.xlane v3, v0;
	_ =	sdelay $0x1  }
0x39: {  	v4 =	vadd.s32 v1, v4;
	_ =	sdelay $0x1  }
0x3a: {  	v3 =	vperm.xlane v3, v2;
	_ =	sdelay $0x1  }
0x3b: {  	v3 =	vadd.s32 v1, v3  }
0x3c: {  	[hbm4b:s2+s3] =	stream.indirect_vreg.scatter [tilespmem:s17], [sflag:$0x1], $0x80, v4, vm0, $0xb8;
	[tilespmem:$0x6080] =	vst v63  }
0x3d: {  	_ = 	snop  }
0x3e: {  	[hbm4b:s6+s3] =	stream.indirect_vreg.scatter [tilespmem:s18], [sflag:$0x1], $0x80, v4, vm0, $0xb8;
	[tilespmem:$0x6080] =	vst v63  }
0x3f: {  	p0 =	sne.s32 s7, $0x1  }
0x40: {  	[hbm4b:s2+s3] =	stream.indirect_vreg.scatter [tilespmem:s19], [sflag:$0x1], $0x80, v3, vm0, $0xb8;
	[tilespmem:$0x6080] =	vst v63  }
.Ltmp0:
0x41: {  	_ = 	snop;
	(pc) =	sbr.rel @p0 .LBB2_1-.Ltmp0, $4  }
0x42: {  	[hbm4b:s6+s3] =	stream.indirect_vreg.scatter [tilespmem:s20], [sflag:$0x1], $0x80, v3, vm0, $0xb8;
	[tilespmem:$0x6080] =	vst v63  }
0x43: {  	_ =	swait.ge [sflag:s21], $0x6000  }
0x44: {  	[sflag:s21] =	ssyncset.done $0x0  }
0x45: {  	s7 =	sadd.s32 $0xFFFFFFFF, s7;
	[sflag:s21] =	ssyncadd.s32 $0xFFFFA000  }
0x46: {  	_ =	sfence.sel $0x180000  }
0x47: {  	[bflag:$0x0] =	sbarrier.arrive $0xFFFF  }
0x48: {  	p0 =	sne.s32 s0, $0x0;
	_ =	strace $0x9000004D  }
0x49: {  	s0 =	sadd.s32 @!p0 $0x100000, s1;
	[bflag:$0x2] =	sbarrier.arrive $0xFFFF  }
0x4a: {  	[sflag:s0] =	ssyncadd.tile.s32 @!p0 $0x1;
	_ =	shalt  }
.Lfunc_end2:
_tile_overlayer_lowered:
.L_overlay_start_2:
0x4b: {  	(tag) =	ssettag $0x2  }
0x4c: {  	s0 =	rddreg [dreg:$0x0];
	s2 =	stileid.u32  }
0x4d: {  	s1 =	rddreg [dreg:$0x1];
	p0 =	sne.s32 s2, $0x0  }
0x4e: {  	s3 =	rddreg [dreg:$0x2];
	[bflag:$0x3] =	sbarrier.arrive $0xFFFF;
	s2 =	simm.s32 @!p0 $0x1C02  }
0x4f: {  	[timem:s3], [sflag:s2] =	dma.local @!p0 [hbm:s0], s1  }
0x50: {  	s0 =	simm.s32 @!p0 $0x2  }
0x51: {  	_ =	swait.ge @!p0 [sflag:s0], s1  }
0x52: {  	s1 =	ssub.s32 @!p0 $0x0, s1;
	[sflag:s0] =	ssyncset.done @!p0 $0x0  }
0x53: {  	[sflag:s0] =	ssyncadd.s32 @!p0 s1  }
0x54: {  	[bflag:$0x3] =	sbarrier.arrive $0xFFFF  }
0x55: {  	_ =	shalt  }

// kernel: kernel.8.cloned.1.call-start
scs
__scs_entry_jumppad:
0x0: {  	(pc) =	sbr.rel $0x88, $3  }
0x1: {  	(tag) =	ssettag $0x0;
	lr =	simm.s32 $0x1  }
0x2: {  	[smem:$0x3F9A] =	sst lr;
	_ =	strace $0xD0000000  }
0x3: {  	_ = 	snop  }
0x4: {  	_ = 	snop  }
0x5: {  	_ = 	snop  }
0x6: {  	_ = 	snop  }
0x7: {  	_ = 	snop  }
__scs_overlays_trampoline_lowered:
0x8: {  	[smem:$0x3FA9] =	sst s0  }
0x9: {  	[smem:$0x3FAA] =	sst s1  }
0xa: {  	[smem:$0x3FAB] =	sst s2  }
0xb: {  	[smem:$0x3FAC] =	sst s3  }
0xc: {  	[smem:$0x3FAD] =	sst s4  }
0xd: {  	[smem:$0x3FAE] =	sst s5  }
0xe: {  	[smem:$0x3FAF] =	sst s6  }
0xf: {  	[smem:$0x3FB0] =	sst s7  }
0x10: {  	[smem:$0x3FB1] =	sst s8  }
0x11: {  	[smem:$0x3FB2] =	sst s9;
	s0 =	simm.s32 @!p0 $0x0  }
0x12: {  	s1 =	sld [smem:$0x3F98];
	s0 =	simm.s32 @p0 $0x1  }
0x13: {  	[smem:$0x3FB3] =	sst s0;
	s0 =	simm.s32 @!p1 $0x0  }
0x14: {  	s2 =	sld [smem:$0x3F97];
	s0 =	simm.s32 @p1 $0x1  }
0x15: {  	[smem:$0x3FB4] =	sst s0;
	s0 =	simm.s32 @!p2 $0x0  }
0x16: {  	s3 =	sld [smem:$0x3FDB];
	s0 =	simm.s32 @p2 $0x1  }
0x17: {  	s4 =	simm.s32 $0x1BF5;
	[smem:$0x3FB6] =	sst s0  }
0x18: {  	s0 =	sld [smem:$0x3F99];
	_ =	swait.ge [sflag:s4], $0x0  }
0x19: {  	s7 =	sld [smem:$0x3F9A]  }
0x1a: {  	s8 =	sadd.s32 $0xFFFFE003, lr  }
0x1b: {  	s9 =	sadd.s32 $0xFFFFFEF7, lr;
	s5 =	simm.s32 $0xFFFFFFFF;
	p2 =	slt.u32 s8, $0xFFFFF086  }
0x1c: {  	p1 =	slt.u32 s9, $0xF7A;
	s5 =	simm.s32 @!p2 $0x0  }
0x1d: {  	s5 =	simm.s32 @p1 $0x1;
	p0 =	seq.s32 s7, s2  }
0x1e: {  	s7 =	smul.u32 @!p0 $0xF7A, s2;
	p2 =	seq.s32 @!p0 s5, $0x0  }
0x1f: {  	s9 =	smul.u32 $0xF7A, s1;
	s8 =	simm.s32 @!p0 $0x1BF5;
	p2 =	por !p2, p0  }
0x20: {  	[sflag:s8] =	ssyncset.s32 @!p0 $0xFFFFF086;
	s6 =	sadd.s32 @!p0 s3, s7;
	s7 =	simm.s32 @!p0 $0x108  }
0x21: {  	s3 =	sadd.s32 s3, s9;
	s6 =	sadd.s32 @!p0 $0x88, s6;
	s7 =	simm.s32 @p2 $0x1082  }
0x22: {  	[simem:s7], [sflag:s8] =	dma.local @!p0 [hbm:s6], $0xF7A  }
0x23: {  	s9 =	sor.u32 $0xD0000000, s2;
	s6 =	simm.s32 $0x108;
	_ =	swait.ge @!p0 [sflag:s8], $0x0  }
0x24: {  	s3 =	sadd.s32 $0x88, s3;
	s6 =	simm.s32 @!p1 $0x1082;
	[sflag:s4] =	ssyncset.s32 $0xFFFFF086  }
0x25: {  	[simem:s6], [sflag:s4] =	dma.local [hbm:s3], $0xF7A  }
0x26: {  	[smem:$0x3F9A] =	sst s1;
	(tag) =	ssettag s2;
	_ =	strace s9  }
0x27: {  	s1 =	sld [smem:$0x3FAA]  }
0x28: {  	s2 =	sld [smem:$0x3FAB]  }
0x29: {  	s4 =	sld [smem:$0x3FAD]  }
0x2a: {  	p0 =	seq.s32 s5, $0x0;
	s5 =	sld [smem:$0x3FAE]  }
0x2b: {  	s6 =	sld [smem:$0x3FAF]  }
0x2c: {  	s7 =	sld [smem:$0x3FB0]  }
0x2d: {  	s3 =	simm.s32 $0x108;
	s8 =	sld [smem:$0x3FB1]  }
0x2e: {  	s3 =	simm.s32 @!p0 $0x1082;
	s9 =	sld [smem:$0x3FB2]  }
0x2f: {  	lr =	sadd.s32 s0, s3;
	s0 =	sld [smem:$0x3FA9]  }
0x30: {  	s3 =	sld [smem:$0x3FAC]  }
0x31: {  	[smem:$0x3FB5] =	sst s10  }
0x32: {  	s10 =	sld [smem:$0x3FB3];
	_ =	sdelay $0x3  }
0x33: {  	p0 =	seq.s32 s10, $0x1;
	s10 =	sld [smem:$0x3FB5];
	_ =	sdelay $0x3  }
0x34: {  	[smem:$0x3FB5] =	sst s10  }
0x35: {  	s10 =	sld [smem:$0x3FB4];
	_ =	sdelay $0x3  }
0x36: {  	p1 =	seq.s32 s10, $0x1;
	s10 =	sld [smem:$0x3FB5];
	_ =	sdelay $0x3  }
0x37: {  	[smem:$0x3FB5] =	sst s10  }
0x38: {  	s10 =	sld [smem:$0x3FB6]  }
0x39: {  	_ = 	snop;
	(pc) =	sbr.ind lr, $3  }
0x3a: {  	_ = 	snop  }
0x3b: {  	_ = 	snop  }
0x3c: {  	p2 =	seq.s32 s10, $0x1;
	s10 =	sld [smem:$0x3FB5]  }
0x3d: {  	_ =	shalt  }
0x3e: {  	_ =	shalt  }
0x3f: {  	_ =	shalt  }
0x40: {  	_ =	shalt  }
0x41: {  	_ =	shalt  }
0x42: {  	_ =	shalt  }
0x43: {  	_ =	shalt  }
0x44: {  	_ =	shalt  }
0x45: {  	_ =	shalt  }
0x46: {  	_ =	shalt  }
0x47: {  	_ =	shalt  }
0x48: {  	_ =	shalt  }
0x49: {  	_ =	shalt  }
0x4a: {  	_ =	shalt  }
0x4b: {  	_ =	shalt  }
0x4c: {  	_ =	shalt  }
0x4d: {  	_ =	shalt  }
0x4e: {  	_ =	shalt  }
0x4f: {  	_ =	shalt  }
0x50: {  	_ =	shalt  }
0x51: {  	_ =	shalt  }
0x52: {  	_ =	shalt  }
0x53: {  	_ =	shalt  }
0x54: {  	_ =	shalt  }
0x55: {  	_ =	shalt  }
0x56: {  	_ =	shalt  }
0x57: {  	_ =	shalt  }
0x58: {  	_ =	shalt  }
0x59: {  	_ =	shalt  }
0x5a: {  	_ =	shalt  }
0x5b: {  	_ =	shalt  }
0x5c: {  	_ =	shalt  }
0x5d: {  	_ =	shalt  }
0x5e: {  	_ =	shalt  }
0x5f: {  	_ =	shalt  }
0x60: {  	_ =	shalt  }
0x61: {  	_ =	shalt  }
0x62: {  	_ =	shalt  }
0x63: {  	_ =	shalt  }
0x64: {  	_ =	shalt  }
0x65: {  	_ =	shalt  }
0x66: {  	_ =	shalt  }
0x67: {  	_ =	shalt  }
0x68: {  	_ =	shalt  }
0x69: {  	_ =	shalt  }
0x6a: {  	_ =	shalt  }
0x6b: {  	_ =	shalt  }
0x6c: {  	_ =	shalt  }
0x6d: {  	_ =	shalt  }
0x6e: {  	_ =	shalt  }
0x6f: {  	_ =	shalt  }
0x70: {  	_ =	shalt  }
0x71: {  	_ =	shalt  }
0x72: {  	_ =	shalt  }
0x73: {  	_ =	shalt  }
0x74: {  	_ =	shalt  }
0x75: {  	_ =	shalt  }
0x76: {  	_ =	shalt  }
0x77: {  	_ =	shalt  }
0x78: {  	_ =	shalt  }
0x79: {  	_ =	shalt  }
0x7a: {  	_ =	shalt  }
0x7b: {  	_ =	shalt  }
0x7c: {  	_ =	shalt  }
0x7d: {  	_ =	shalt  }
0x7e: {  	_ =	shalt  }
0x7f: {  	_ =	shalt  }
0x80: {  	_ =	shalt  }
0x81: {  	_ =	shalt  }
0x82: {  	_ =	shalt  }
0x83: {  	_ =	shalt  }
0x84: {  	_ =	shalt  }
0x85: {  	_ =	shalt  }
0x86: {  	_ =	shalt  }
0x87: {  	_ =	shalt  }
.Lfunc_end0:
.L_simem_size_0:
called_computation_lowered:
.L_overlay_start_0:
0x88: {  	s0 =	sld [smem:$0x3FD9]  }
0x89: {  	s1 =	sld [smem:$0x3FFE];
	_ =	sdelay $0x3  }
0x8a: {  	s0 =	sadd.s32 s1, s0  }
0x8b: {  	[smem:$0x3FC1] =	sst s0  }
0x8c: {  	_ = 	snop  }
0x8d: {  	s0 =	sld [smem:$0x3FD0];
	_ =	sdelay $0x2  }
0x8e: {  	s13 =	simm.s32 $0xA;
	s2 =	simm.s32 $0x10  }
0x8f: {  	[smem:s2], [sflag:s13] =	dma.local [hbm:s0], $0x1  }
0x90: {  	_ =	swait.eq [sflag:s13], $0x1  }
0x91: {  	[sflag:s13] =	ssyncset.done $0x0  }
0x92: {  	[sflag:s13] =	ssyncadd.s32 $0xFFFFFFFF  }
0x93: {  	s14 =	sld [smem:$0x11];
	(tm) =	ssettm $0x1  }
0x94: {  	s15 =	sld [smem:$0x3FFB];
	_ =	sdelay $0x3  }
0x95: {  	_ =	strace s15  }
0x96: {  	s1 =	sld [smem:$0x3FFC];
	_ =	sdelay $0x3  }
0x97: {  	_ =	strace s1  }
0x98: {  	s1 =	sld [smem:$0x3FFD];
	_ =	sdelay $0x3  }
0x99: {  	_ =	strace s1  }
0x9a: {  	_ =	strace $0x8FFFFFFF  }
0x9b: {  	s16 =	sld [smem:$0x3FDB];
	_ =	sdelay $0x1  }
0x9c: {  	s17 =	simm.s32 $_scs_section_size  }
0x9d: {  	s3 =	simm.s32 $_size__tile_overlayer_lowered;
	s4 =	simm.s32 $_tile_overlayer_lowered  }
0x9e: {  	s20 =	simm.s32 $0x1BFF;
	s19 =	sshll.u32 s4, $0x1;
	s1 =	sadd.s32 s17, s16  }
0x9f: {  	s5 =	simm.s32 $0x0;
	s18 =	sshll.u32 s3, $0x1;
	s3 =	sadd.s32 s19, s1  }
0xa0: {  	[timem:s5], [sflag:s20] =	dma.local [hbm:s3], s18  }
0xa1: {  	_ =	swait.ge [sflag:s20], s18  }
0xa2: {  	s2 =	ssub.s32 $0x0, s18;
	[sflag:s20] =	ssyncset.done $0x0  }
0xa3: {  	[sflag:s20] =	ssyncadd.s32 s2;
	_ =	sdelay $0x1  }
0xa4: {  	s21 =	simm.s32 $0x1B8B  }
0xa5: {  	_ =	swait.ge [sflag:s21], $0x1  }
0xa6: {  	[sflag:s21] =	ssyncset.done $0x0  }
0xa7: {  	s23 =	simm.s32 $0x1B8E;
	s22 =	sld [smem:$0x3FFE];
	[sflag:s21] =	ssyncadd.s32 $0xFFFFFFFF  }
0xa8: {  	s24 =	simm.s32 $execute0_lowered;
	[smem:$0x3FD2] =	sst s23  }
0xa9: {  	s3 =	sshll.u32 s24, $0x1;
	_ =	strace $0x80000046;
	[dreg:$0x1] =	wrdreg $0xFFFFFFFF  }
0xaa: {  	s25 =	simm.s32 $_size_execute0_lowered;
	s1 =	sadd.s32 s1, s3;
	[dreg:$0x0] =	wrdreg $0x0  }
0xab: {  	s3 =	sshll.u32 s25, $0x1;
	[dreg:$0x2] =	wrdreg s1  }
0xac: {  	[dreg:$0x3] =	wrdreg s3  }
0xad: {  	[dreg:$0x4] =	wrdreg $0xC0  }
0xae: {  	_ =	task [dreg:s5], $0x5FFFF  }
0xaf: {  	[dreg:$0x1] =	wrdreg $0xFFFFFFFF  }
0xb0: {  	[dreg:$0x0] =	wrdreg $0x60  }
0xb1: {  	[dreg:$0x2] =	wrdreg s22  }
0xb2: {  	[dreg:$0x3] =	wrdreg s14  }
0xb3: {  	[dreg:$0x4] =	wrdreg $0x62800  }
0xb4: {  	[dreg:$0x5] =	wrdreg $0x62A00  }
0xb5: {  	[dreg:$0x6] =	wrdreg $0x6AA00  }
0xb6: {  	[dreg:$0x7] =	wrdreg $0x9  }
0xb7: {  	_ =	task.clear_ibuf [dreg:s5], $0x8FFFF;
	_ =	strace $0x90000046  }
0xb8: {  	s26 =	simm.s32 $0x9;
	_ =	strace $0x80000048  }
0xb9: {  	_ =	swait.ge [sflag:s26], $0x1  }
0xba: {  	[sflag:s26] =	ssyncadd.s32 $0xFFFFFFFF  }
0xbb: {  	_ =	strace $0x90000048  }
0xbc: {  	_ =	sfence  }
0xbd: {  	s28 =	sld [smem:$0x0];
	_ =	sdelay $0x1  }
0xbe: {  	s29 =	srdreg.scid  }
0xbf: {  	s30 =	sshll.u32 s29, $0xD;
	s31 =	sshrl.u32 s29, $0x2  }
0xc0: {  	s2 =	sand.u32 $0x4000, s30;
	s1 =	sand.u32 $0x1, s29;
	s0 =	sadd.s32 s31, s28  }
0xc1: {  	s1 =	sor.u32 s2, s1;
	s0 =	sshll.u32 s0, $0x11  }
0xc2: {  	s0 =	sor.u32 s0, s1  }
0xc3: {  	s0 =	sadd.s32 $0x8F2B, s0  }
0xc4: {  	[sflag:s0] =	ssyncadd.remote.s32 $0x1  }
0xc5: {  	_ =	sfence.sel $0xFFFF  }
0xc6: {  	[dreg:$0x0] =	wrdreg $0xFFFFFFFF;
	(pc) =	sbr.abs _section_cstart, $3  }
0xc7: {  	[dreg:$0x1] =	wrdreg $0xFFFFFFFF  }
0xc8: {  	_ =	task.clear_ibuf [dreg:s5], $0x2FFFF;
	_ =	strace $0x9FFFFFFF  }
0xc9: {  	(tm) =	ssettm $0x7FFFFFFF  }
tec
execute0_lowered:
.L_overlay_start_1:
0x0: {  	(tag) =	ssettag $0x1  }
0x1: {  	s2 =	rddreg [dreg:$0x0]  }
0x2: {  	s7 =	rddreg [dreg:$0x1]  }
0x3: {  	s8 =	rddreg [dreg:$0x2]  }
0x4: {  	s5 =	rddreg [dreg:$0x3]  }
0x5: {  	s3 =	rddreg [dreg:$0x4];
	s1 =	stileid.u32  }
0x6: {  	s0 =	rddreg [dreg:$0x5];
	s4 =	simm.s32 $0x0;
	s6 =	sshll.u32 s1, $0xA  }
0x7: {  	[smem:$0x7FF] =	sst s4;
	s9 =	sadd.s32 s6, s2  }
0x8: {  	s29 =	simm.s32 $0x1;
	_ =	strace $0x80000047;
	s9 =	sadd.s32 $0x2400, s9  }
0x9: {  	[tilespmem:s4], [sflag:$0x1] =	stream.linear.gather [hbm4b:s9+s4], $0x2000, $0x38;
	[tilespmem:$0x6AA8] =	vst v63  }
0xa: {  	_ =	swait.ge [sflag:s29], $0x2000  }
0xb: {  	[sflag:s29] =	ssyncset.done $0x0  }
0xc: {  	s11 =	simm.s32 $0x4000;
	s10 =	sadd.s32 $0x6400, s2;
	[sflag:s29] =	ssyncadd.s32 $0xFFFFE000  }
0xd: {  	[tilespmem:s11], [sflag:$0x1] =	stream.linear.gather [hbm4b:s10+s4], $0x10, $0x38;
	[tilespmem:$0x6AA8] =	vst v63  }
0xe: {  	_ =	swait.ge [sflag:s29], $0x10  }
0xf: {  	[sflag:s29] =	ssyncset.done $0x0  }
0x10: {  	s31 =	simm.s32 $0x4080;
	s30 =	sadd.s32 $0x6420, s2;
	[sflag:s29] =	ssyncadd.s32 $0xFFFFFFF0  }
0x11: {  	[tilespmem:s31], [sflag:$0x1] =	stream.linear.gather [hbm4b:s30+s4], $0x10, $0x38;
	[tilespmem:$0x6AA8] =	vst v63  }
0x12: {  	_ =	swait.ge [sflag:s29], $0x10  }
0x13: {  	[sflag:s29] =	ssyncset.done $0x0  }
0x14: {  	[sflag:s29] =	ssyncadd.s32 $0xFFFFFFF0  }
0x15: {  	v1 =	vld [tilespmem:$0x4000]  }
0x16: {  	v2 =	vimm.s32 $0x0;
	s2 =	sadd.s32 $0x6600, s2;
	v0 =	vld [tilespmem:$0x4080]  }
.LBB2_1:
0x17: {  	p0 =	sne.s32 s4, $0x1FC0  }
.Ltmp0:
0x18: {  	_ = 	snop;
	(pc) =	sbr.rel @p0 .LBB2_1-.Ltmp0, $3  }
0x19: {  	_ =	sdelay $0x1  }
0x1a: {  	s9 =	sshra.s32 s4, $0x2  }
0x1b: {  	s4 =	sadd.s32 $0x40, s4;
	[tilespmem:s9+$0x5180] =	vst v2  }
0x1c: {  	s4 =	simm.s32 $0x0  }
0x1d: {  	v3 =	vld [tilespmem:s4+$0x0];
	_ =	sdelay $0x4  }
0x1e: {  	s9 =	simm.s32 $0x10;
	v4 =	vshra.s32 v3, $0x1F  }
0x1f: {  	v5 =	vld [tilespmem:s9+$0x0];
	v4 =	vand.u32 $0x7FFFFFFF, v4  }
0x20: {  	v3 =	vxor.u32 v3, v4  }
0x21: {  	vm0 =	vgt.s32 v3, v1;
	vm1 =	veq.s32 v3, v1  }
0x22: {  	s4 =	simm.s32 $0x80;
	v3 =	vimm.s32 $0x0;
	v6 =	vmpcnt.ones.xlane vm0;
	v4 =	vmpcnt.ones.xlane vm1  }
.LBB2_3:
0x23: {  	p0 =	sne.s32 s4, $0x7FC0  }
.Ltmp1:
0x24: {  	s9 =	sshra.s32 s4, $0x2;
	s4 =	sadd.s32 $0x40, s4;
	v7 =	vshra.s32 v5, $0x1F;
	v2 =	vadd.s32 v2, v6;
	v3 =	vadd.s32 v3, v4;
	v4 =	vmovc v5;
	(pc) =	sbr.rel @p0 .LBB2_3-.Ltmp1, $4  }
0x25: {  	v5 =	vld [tilespmem:s9+$0x0];
	v6 =	vand.u32 $0x7FFFFFFF, v7  }
0x26: {  	v4 =	vxor.u32 v4, v6  }
0x27: {  	vm0 =	vgt.s32 v4, v1;
	vm1 =	veq.s32 v4, v1  }
0x28: {  	v6 =	vmpcnt.ones.xlane vm0;
	v4 =	vmpcnt.ones.xlane vm1  }
0x29: {  	_ = 	snop  }
0x2a: {  	v7 =	vshra.s32 v5, $0x1F  }
0x2b: {  	v7 =	vand.u32 $0x7FFFFFFF, v7  }
0x2c: {  	v5 =	vxor.u32 v5, v7  }
0x2d: {  	vm0 =	vgt.s32 v5, v1  }
0x2e: {  	v7 =	vmpcnt.ones.xlane vm0  }
0x2f: {  	v2 =	vadd.s32 v2, v6  }
0x30: {  	s4 =	sshll.u32 s1, $0x7;
	v2 =	vadd.s32 v2, v7  }
0x31: {  	s10 =	simm.s32 $0x4100;
	s11 =	simm.s32 $0x1;
	s9 =	sadd.s32 s4, s8;
	[tilespmem:$0x4100] =	vst v2  }
0x32: {  	vm14 =	veq.s32 v5, v1;
	[spmem:s9] =	stream.linear.scatter [tilespmem:s10], [sflag:$0x1], $0x80, $0x38;
	[tilespmem:$0x6AA8] =	vst v63  }
0x33: {  	v2 =	vmpcnt.ones.xlane vm14;
	_ =	swait.ge [sflag:s11], $0x80  }
0x34: {  	v3 =	vadd.s32 v3, v4;
	[sflag:s11] =	ssyncset.done $0x0  }
0x35: {  	v2 =	vadd.s32 v3, v2;
	[sflag:s11] =	ssyncadd.s32 $0xFFFFFF80  }
0x36: {  	s9 =	sadd.s32 $0x800, s9;
	[tilespmem:$0x4100] =	vst v2  }
0x37: {  	[spmem:s9] =	stream.linear.scatter [tilespmem:s10], [sflag:$0x1], $0x80, $0x38;
	[tilespmem:$0x6AA8] =	vst v63  }
0x38: {  	_ =	swait.ge [sflag:s11], $0x80  }
0x39: {  	[sflag:s11] =	ssyncset.done $0x0  }
0x3a: {  	[sflag:s11] =	ssyncadd.s32 $0xFFFFFF80  }
0x3b: {  	s31 =	simm.s32 $0x4180;
	[bflag:$0x0] =	sbarrier.arrive $0xFFFF  }
0x3c: {  	[tilespmem:s31], [sflag:$0x1] =	stream.linear.gather [spmem:s8], $0x1000, $0x38;
	[tilespmem:$0x6AA8] =	vst v63  }
0x3d: {  	_ =	swait.ge [sflag:s11], $0x1000  }
0x3e: {  	[sflag:s11] =	ssyncset.done $0x0  }
0x3f: {  	[sflag:s11] =	ssyncadd.s32 $0xFFFFF000  }
0x40: {  	v2 =	vld [tilespmem:$0x4180]  }
0x41: {  	v3 =	vld [tilespmem:$0x4980]  }
0x42: {  	v4 =	vld [tilespmem:$0x4200]  }
0x43: {  	v5 =	vld [tilespmem:$0x4A00]  }
0x44: {  	v6 =	vld [tilespmem:$0x4280]  }
0x45: {  	v7 =	vld [tilespmem:$0x4A80]  }
0x46: {  	v8 =	vld [tilespmem:$0x4300]  }
0x47: {  	v9 =	vld [tilespmem:$0x4B00]  }
0x48: {  	v10 =	vld [tilespmem:$0x4380]  }
0x49: {  	v11 =	vld [tilespmem:$0x4B80]  }
0x4a: {  	v12 =	vld [tilespmem:$0x4400]  }
0x4b: {  	v13 =	vld [tilespmem:$0x4C00]  }
0x4c: {  	v14 =	vld [tilespmem:$0x4480]  }
0x4d: {  	v15 =	vld [tilespmem:$0x4C80]  }
0x4e: {  	v16 =	vld [tilespmem:$0x4500]  }
0x4f: {  	v17 =	vld [tilespmem:$0x4D00]  }
0x50: {  	v18 =	vld [tilespmem:$0x4580]  }
0x51: {  	v19 =	vld [tilespmem:$0x4D80]  }
0x52: {  	v20 =	vld [tilespmem:$0x4600]  }
0x53: {  	v21 =	vld [tilespmem:$0x4E00]  }
0x54: {  	v22 =	vld [tilespmem:$0x4680]  }
0x55: {  	p0 =	seq.s32 s1, $0x0;
	v23 =	vld [tilespmem:$0x4E80]  }
0x56: {  	p1 =	sgt.u32 s1, $0x1;
	v24 =	vld [tilespmem:$0x4700];
	v26 =	vpsel p0, $0x0, v2  }
0x57: {  	p4 =	sgt.u32 s1, $0x2;
	p5 =	sgt.u32 s1, $0x3;
	v25 =	vld [tilespmem:$0x4F00];
	v3 =	vpsel p0, $0x0, v3;
	v28 =	vpsel !p1, $0x0, v4;
	v5 =	vpsel !p1, $0x0, v5  }
0x58: {  	p6 =	sgt.u32 s1, $0x4;
	v27 =	vld [tilespmem:$0x4780];
	v30 =	vpsel !p4, $0x0, v6;
	v7 =	vpsel !p4, $0x0, v7;
	v31 =	vpsel !p5, $0x0, v8  }
0x59: {  	p2 =	sgt.u32 s1, $0x5;
	p3 =	sgt.u32 s1, $0x6;
	v29 =	vld [tilespmem:$0x4F80];
	v9 =	vpsel !p5, $0x0, v9;
	v33 =	vpsel !p6, $0x0, v10;
	v11 =	vpsel !p6, $0x0, v11  }
0x5a: {  	s8 =	simm.s32 $0x0;
	v32 =	vld [tilespmem:$0x4800];
	v35 =	vpsel !p2, $0x0, v12;
	v13 =	vpsel !p2, $0x0, v13;
	p4 =	sgt.u32 s1, $0x7;
	v36 =	vpsel !p3, $0x0, v14  }
0x5b: {  	v63 =	vld [tilespmem:s8+$0x0];
	v15 =	vpsel !p3, $0x0, v15;
	p5 =	sgt.u32 s1, $0x8;
	v2 =	vadd.s32 v2, v4;
	v38 =	vpsel !p4, $0x0, v16  }
0x5c: {  	v34 =	vld [tilespmem:$0x5000];
	p6 =	sgt.u32 s1, $0x9;
	p2 =	sgt.u32 s1, $0xA;
	v17 =	vpsel !p4, $0x0, v17;
	v40 =	vpsel !p5, $0x0, v18;
	v19 =	vpsel !p5, $0x0, v19  }
0x5d: {  	p3 =	sgt.u32 s1, $0xB;
	v41 =	vpsel !p6, $0x0, v20;
	v21 =	vpsel !p6, $0x0, v21;
	v42 =	vpsel !p2, $0x0, v22  }
0x5e: {  	v23 =	vpsel !p2, $0x0, v23;
	v43 =	vpsel !p3, $0x0, v24;
	v25 =	vpsel !p3, $0x0, v25  }
0x5f: {  	p4 =	sgt.u32 s1, $0xC;
	v26 =	vadd.s32 v26, v28;
	v3 =	vadd.s32 v3, v5;
	v2 =	vadd.s32 v6, v2  }
0x60: {  	p5 =	sgt.u32 s1, $0xD;
	v5 =	vshra.s32 v63, $0x1F;
	v44 =	vpsel !p4, $0x0, v27;
	v29 =	vpsel !p4, $0x0, v29  }
0x61: {  	v45 =	vpsel !p5, $0x0, v32;
	v34 =	vpsel !p5, $0x0, v34;
	v4 =	vadd.s32 v30, v26  }
0x62: {  	v3 =	vadd.s32 v7, v3;
	v2 =	vadd.s32 v8, v2;
	v5 =	vand.u32 $0x7FFFFFFF, v5  }
0x63: {  	v4 =	vadd.s32 v31, v4;
	v3 =	vadd.s32 v9, v3;
	v2 =	vadd.s32 v10, v2  }
0x64: {  	v5 =	vxor.u32 v63, v5;
	v4 =	vadd.s32 v33, v4;
	v3 =	vadd.s32 v11, v3  }
0x65: {  	v2 =	vadd.s32 v12, v2;
	vm15 =	veq.s32 v5, v1;
	v3 =	vadd.s32 v13, v3  }
0x66: {  	vm1 =	vgt.s32 v5, v1;
	v4 =	vadd.s32 v35, v4;
	v3 =	vadd.s32 v15, v3  }
0x67: {  	v6 =	vadd.s32 v14, v2;
	v2 =	vimm.s32 $0x0;
	v3 =	vadd.s32 v17, v3  }
0x68: {  	v4 =	vadd.s32 v36, v4;
	v6 =	vadd.s32 v16, v6;
	v3 =	vadd.s32 v19, v3  }
0x69: {  	v37 =	vld [tilespmem:$0x4880];
	v7 =	vsel vm15, $0x1, v2;
	v4 =	vadd.s32 v38, v4;
	v3 =	vadd.s32 v21, v3  }
0x6a: {  	v39 =	vld [tilespmem:$0x5080];
	v5 =	vsel vm1, $0x1, v2;
	(xrf0) =	vadd.scan.msk.s32 $0xffff, v7;
	v4 =	vadd.s32 v40, v4;
	v3 =	vadd.s32 v23, v3  }
0x6b: {  	v6 =	vadd.s32 v18, v6;
	v4 =	vadd.s32 v41, v4;
	v3 =	vadd.s32 v25, v3  }
0x6c: {  	v6 =	vadd.s32 v20, v6;
	(xrf0) =	vadd.scan.msk.s32 $0xffff, v5;
	v4 =	vadd.s32 v42, v4;
	v3 =	vadd.s32 v29, v3  }
0x6d: {  	p6 =	seq.s32 s1, $0xF;
	v5 =	vadd.s32 v22, v6;
	v6 =	vld [tilespmem:$0x4900];
	v4 =	vadd.s32 v43, v4;
	v3 =	vadd.s32 v34, v3  }
0x6e: {  	v46 =	vpsel !p6, $0x0, v37;
	v5 =	vadd.s32 v24, v5;
	v4 =	vadd.s32 v44, v4  }
0x6f: {  	v39 =	vpsel !p6, $0x0, v39;
	v5 =	vadd.s32 v27, v5;
	v4 =	vadd.s32 v45, v4  }
0x70: {  	v5 =	vadd.s32 v32, v5;
	v8 =	vadd.s32 v46, v4;
	v9 =	vadd.s32 v39, v3;
	v3, _, _ =	vpop (xrf0)  }
0x71: {  	v4 =	vadd.s32 v37, v5;
	v5 =	vsel vm1, $0xFFFFFFFF, v2;
	v7 =	vsub.s32 v3, v7  }
0x72: {  	v5 =	vadd.s32 v5, v8;
	v3 =	vadd.s32 v6, v4;
	v6, _, _ =	vpop (xrf0);
	v4 =	vadd.s32 v9, v7  }
0x73: {  	v5 =	vadd.s32 v6, v5;
	v6 =	vadd.s32 v4, v3  }
0x74: {  	vm2 =	vlt.s32 v4, v0;
	v4 =	vsel vm1, v5, v6  }
0x75: {  	vm2 =	vmand vm15, vm2;
	vm3 =	vgt.s32 v4, $0x0  }
0x76: {  	vm2 =	vmor vm1, vm2;
	v4 =	vnsel vm3, $0x0, v4  }
0x77: {  	v6 =	vmpcnt.ones.xlane vm15;
	v5 =	vmin.u32 v4, $0x7FF  }
0x78: {  	s10 =	sshll.u32 s1, $0xD;
	v4 =	vlaneseq.u32  }
0x79: {  	v10 =	vmpcnt.ones.xlane vm1;
	v7 =	vadd.s32 v9, v6;
	v6 =	vor.u32 s10, v4;
	_ =	sdelay $0x1  }
0x7a: {  	s9 =	simm.s32 $0x5180;
	v8 =	vadd.s32 v8, v10  }
0x7b: {  	s12 =	simm.s32 $0x10;
	s11 =	simm.s32 $0x80;
	v9 =	vsel vm2, $0x3F800000, v2;
	[tilespmem:v5+s9+$0x0] =	vst.idx.msk vm2, v6;
	v5 =	vmov v7;
	v6 =	vmov v8  }
.LBB2_5:
0x7c: {  	p0 =	sne.s32 s11, $0x7FC0;
	v10 =	vld [tilespmem:s12+$0x0];
	[tilespmem:s8+$0x2000] =	vst v9;
	s8 =	smov.u32 s12;
	_ =	sdelay $0x4  }
0x7d: {  	v9 =	vshra.s32 v10, $0x1F  }
0x7e: {  	v9 =	vand.u32 $0x7FFFFFFF, v9  }
0x7f: {  	v9 =	vxor.u32 v10, v9  }
0x80: {  	vm0 =	veq.s32 v9, v1  }
0x81: {  	v10 =	vsel vm0, $0x1, v2;
	v11 =	vmpcnt.ones.xlane vm0  }
0x82: {  	vm1 =	vgt.s32 v9, v1;
	(xrf0) =	vadd.scan.msk.s32 $0xffff, v10  }
0x83: {  	v9 =	vsel vm1, $0x1, v2;
	v12 =	vmpcnt.ones.xlane vm1;
	v7 =	vadd.s32 v7, v11  }
0x84: {  	(xrf0) =	vadd.scan.msk.s32 $0xffff, v9  }
0x85: {  	v8 =	vadd.s32 v8, v12;
	_ =	sdelay $0x2  }
0x86: {  	v9, _, _ =	vpop (xrf0)  }
0x87: {  	v11 =	vsel vm1, $0xFFFFFFFF, v2;
	v9 =	vsub.s32 v9, v10  }
0x88: {  	v12 =	vadd.s32 v11, v6;
	v9 =	vadd.s32 v5, v9;
	v10, _, _ =	vpop (xrf0);
	v5 =	vmov v7  }
0x89: {  	v6 =	vmov v8;
	v10 =	vadd.s32 v10, v12;
	v11 =	vadd.s32 v9, v3  }
0x8a: {  	vm2 =	vlt.s32 v9, v0;
	v9 =	vsel vm1, v10, v11  }
0x8b: {  	vm0 =	vmand vm0, vm2;
	vm2 =	vgt.s32 v9, $0x0  }
0x8c: {  	vm0 =	vmor vm1, vm0;
	v9 =	vnsel vm2, $0x0, v9  }
0x8d: {  	v10 =	vmin.u32 v9, $0x7FF;
	v9 =	vsel vm0, $0x3F800000, v2  }
.Ltmp2:
0x8e: {  	(pc) =	sbr.rel @p0 .LBB2_5-.Ltmp2, $4  }
0x8f: {  	_ = 	snop  }
0x90: {  	s10 =	sadd.s32 $0x10, s10  }
0x91: {  	v11 =	vor.u32 s10, v4  }
0x92: {  	s12 =	sshra.s32 s11, $0x2;
	s11 =	sadd.s32 $0x40, s11;
	[tilespmem:v10+s9+$0x0] =	vst.idx.msk vm0, v11  }
0x93: {  	v7 =	vld [tilespmem:s12+$0x0];
	_ =	sdelay $0x4  }
0x94: {  	v8 =	vshra.s32 v7, $0x1F  }
0x95: {  	v8 =	vand.u32 $0x7FFFFFFF, v8  }
0x96: {  	v7 =	vxor.u32 v7, v8  }
0x97: {  	vm0 =	veq.s32 v7, v1  }
0x98: {  	v50 =	vsel vm0, $0x1, v2  }
0x99: {  	vm1 =	vgt.s32 v7, v1;
	(xrf0) =	vadd.scan.msk.s32 $0xffff, v50  }
0x9a: {  	v1 =	vsel vm1, $0x1, v2  }
0x9b: {  	(xrf0) =	vadd.scan.msk.s32 $0xffff, v1;
	_ =	sdelay $0x3  }
0x9c: {  	v51, _, _ =	vpop (xrf0)  }
0x9d: {  	v7 =	vsel vm1, $0xFFFFFFFF, v2;
	v1 =	vsub.s32 v51, v50  }
0x9e: {  	v52 =	vadd.s32 v7, v6;
	v53, _, _ =	vpop (xrf0);
	v1 =	vadd.s32 v5, v1  }
0x9f: {  	v5 =	vadd.s32 v53, v52;
	v3 =	vadd.s32 v1, v3  }
0xa0: {  	vm2 =	vlt.s32 v1, v0;
	v54 =	vsel vm1, v5, v3  }
0xa1: {  	vm0 =	vmand vm0, vm2;
	vm15 =	vgt.s32 v54, $0x0  }
0xa2: {  	vm0 =	vmor vm1, vm0;
	v0 =	vnsel vm15, $0x0, v54  }
0xa3: {  	v0 =	vmin.u32 v0, $0x7FF;
	_ =	sdelay $0x2  }
0xa4: {  	s10 =	sadd.s32 $0x10, s10  }
0xa5: {  	[tilespmem:s8+$0x2000] =	vst v9;
	v55 =	vor.u32 s10, v4  }
0xa6: {  	v56 =	vsel vm0, $0x3F800000, v2;
	[tilespmem:v0+s9+$0x0] =	vst.idx.msk vm0, v55  }
0xa7: {  	s7 =	sadd.s32 s7, s6;
	s22 =	simm.s32 $0x0;
	s23 =	simm.s32 $0x2000;
	[tilespmem:s12+$0x2000] =	vst v56  }
0xa8: {  	[hbm4b:s7+s22] =	stream.linear.scatter [tilespmem:s23], [sflag:$0x1], $0x2000, $0x38;
	[tilespmem:$0x6AA8] =	vst v63  }
0xa9: {  	s24 =	sshll.u32 s1, $0xB;
	s25 =	sand.u32 $0x380, s4;
	s7 =	simm.s32 $0x1  }
0xaa: {  	s26 =	simm.s32 $0x80;
	s8 =	sand.u32 $0x4000, s24;
	_ =	swait.ge [sflag:s7], $0x2000  }
0xab: {  	s28 =	simm.s32 $0x400;
	s8 =	sadd.s32 s8, s5;
	[sflag:s7] =	ssyncset.done $0x0  }
0xac: {  	s11 =	simm.s32 $0x5180;
	s8 =	sadd.s32 s25, s8;
	[sflag:s7] =	ssyncadd.s32 $0xFFFFE000  }
0xad: {  	[spmem:s8] =	stream.strided.scatter [tilespmem:s11], [sflag:$0x1], $0x800, s28, s26, $0x38;
	[tilespmem:$0x6AA8] =	vst v63  }
0xae: {  	_ =	swait.ge [sflag:s7], $0x800  }
0xaf: {  	[sflag:s7] =	ssyncset.done $0x0  }
0xb0: {  	s29 =	sadd.s32 s6, s5;
	[sflag:s7] =	ssyncadd.s32 $0xFFFFF800  }
0xb1: {  	s30 =	simm.s32 $0x4000;
	s31 =	simm.s32 $0x5980;
	[bflag:$0x0] =	sbarrier.arrive $0xFFFF  }
0xb2: {  	[tilespmem:s31], [sflag:$0x1] =	stream.strided.gather [spmem:s29], $0x800, s30, s28, $0x38;
	[tilespmem:$0x6AA8] =	vst v63  }
0xb3: {  	_ =	swait.ge [sflag:s7], $0x800  }
0xb4: {  	[sflag:s7] =	ssyncset.done $0x0  }
0xb5: {  	[sflag:s7] =	ssyncadd.s32 $0xFFFFF800  }
0xb6: {  	v7 =	vld [tilespmem:$0x5980]  }
0xb7: {  	v6 =	vld [tilespmem:$0x5A00]  }
0xb8: {  	v8 =	vld [tilespmem:$0x5A80]  }
0xb9: {  	v10 =	vld [tilespmem:$0x5B00]  }
0xba: {  	v11 =	vld [tilespmem:$0x5B80]  }
0xbb: {  	v13 =	vld [tilespmem:$0x5C00]  }
0xbc: {  	v15 =	vld [tilespmem:$0x5C80]  }
0xbd: {  	v16 =	vld [tilespmem:$0x5D00]  }
0xbe: {  	v18 =	vld [tilespmem:$0x5D80]  }
0xbf: {  	v39 =	vld [tilespmem:$0x5E00]  }
0xc0: {  	v41 =	vld [tilespmem:$0x5E80]  }
0xc1: {  	v44 =	vld [tilespmem:$0x5F00]  }
0xc2: {  	v47 =	vld [tilespmem:$0x5F80]  }
0xc3: {  	v58 =	vld [tilespmem:$0x6000]  }
0xc4: {  	v57 =	vld [tilespmem:$0x6080]  }
0xc5: {  	v59 =	vld [tilespmem:$0x6100]  }
0xc6: {  	v19 =	vld [tilespmem:$0x5990]  }
0xc7: {  	v20 =	vld [tilespmem:$0x5A10]  }
0xc8: {  	v21 =	vld [tilespmem:$0x5A90]  }
0xc9: {  	v22 =	vld [tilespmem:$0x5B10]  }
0xca: {  	v23 =	vld [tilespmem:$0x5B90]  }
0xcb: {  	v24 =	vld [tilespmem:$0x5C10]  }
0xcc: {  	v25 =	vld [tilespmem:$0x5C90]  }
0xcd: {  	v26 =	vld [tilespmem:$0x5D10]  }
0xce: {  	v27 =	vld [tilespmem:$0x5D90]  }
0xcf: {  	v28 =	vld [tilespmem:$0x5E10]  }
0xd0: {  	v29 =	vld [tilespmem:$0x5E90]  }
0xd1: {  	v30 =	vld [tilespmem:$0x5F10]  }
0xd2: {  	v31 =	vld [tilespmem:$0x5F90]  }
0xd3: {  	v32 =	vld [tilespmem:$0x6010]  }
0xd4: {  	v33 =	vld [tilespmem:$0x6090]  }
0xd5: {  	v40 =	vld [tilespmem:$0x6110]  }
0xd6: {  	v35 =	vld [tilespmem:$0x59A0]  }
0xd7: {  	v36 =	vld [tilespmem:$0x5A20]  }
0xd8: {  	v37 =	vld [tilespmem:$0x5AA0]  }
0xd9: {  	v38 =	vld [tilespmem:$0x5B20]  }
0xda: {  	v43 =	vld [tilespmem:$0x5BA0]  }
0xdb: {  	v46 =	vld [tilespmem:$0x5C20]  }
0xdc: {  	v62 =	vld [tilespmem:$0x5CA0]  }
0xdd: {  	v60 =	vld [tilespmem:$0x5D20]  }
0xde: {  	v61 =	vld [tilespmem:$0x5DA0]  }
0xdf: {  	v63 =	vld [tilespmem:$0x5E20]  }
0xe0: {  	v4 =	vld [tilespmem:$0x5EA0]  }
0xe1: {  	v5 =	vld [tilespmem:$0x5F20]  }
0xe2: {  	v9 =	vld [tilespmem:$0x5FA0]  }
0xe3: {  	v12 =	vld [tilespmem:$0x6020]  }
0xe4: {  	v14 =	vld [tilespmem:$0x60A0]  }
0xe5: {  	v17 =	vld [tilespmem:$0x6120]  }
0xe6: {  	v48 =	vld [tilespmem:$0x59B0]  }
0xe7: {  	v49 =	vld [tilespmem:$0x5A30]  }
0xe8: {  	v50 =	vld [tilespmem:$0x5AB0]  }
0xe9: {  	v51 =	vld [tilespmem:$0x5B30]  }
0xea: {  	v52 =	vld [tilespmem:$0x5BB0]  }
0xeb: {  	v53 =	vld [tilespmem:$0x5C30]  }
0xec: {  	v54 =	vld [tilespmem:$0x5CB0]  }
0xed: {  	v55 =	vld [tilespmem:$0x5D30]  }
0xee: {  	v56 =	vld [tilespmem:$0x5DB0]  }
0xef: {  	v34 =	vld [tilespmem:$0x5EB0]  }
0xf0: {  	v42 =	vld [tilespmem:$0x5F30]  }
0xf1: {  	v45 =	vld [tilespmem:$0x5FB0]  }
0xf2: {  	v1 =	vld [tilespmem:$0x59C0]  }
0xf3: {  	v0 =	vld [tilespmem:$0x5A40]  }
0xf4: {  	v2 =	vld [tilespmem:$0x5AC0]  }
0xf5: {  	v3 =	vld [tilespmem:$0x5B40]  }
0xf6: {  	[tilespmem:$0x1FE80] =	vst v57;
	v57 =	vld [tilespmem:$0x5E30]  }
0xf7: {  	[tilespmem:$0x1FE90] =	vst v59;
	v59 =	vld [tilespmem:$0x6030]  }
0xf8: {  	[tilespmem:$0x1FEA0] =	vst v60;
	v60 =	vld [tilespmem:$0x60B0]  }
0xf9: {  	[tilespmem:$0x1FEB0] =	vst v61;
	v61 =	vld [tilespmem:$0x6130]  }
0xfa: {  	[tilespmem:$0x1FED0] =	vst v4;
	v4 =	vld [tilespmem:$0x5BC0]  }
0xfb: {  	[tilespmem:$0x1FEE0] =	vst v5;
	v5 =	vld [tilespmem:$0x5C40]  }
0xfc: {  	[tilespmem:$0x1FF00] =	vst v9;
	v9 =	vld [tilespmem:$0x5CC0]  }
0xfd: {  	[tilespmem:$0x1FF20] =	vst v12;
	v12 =	vld [tilespmem:$0x5D40]  }
0xfe: {  	[tilespmem:$0x1FF40] =	vst v14;
	v14 =	vld [tilespmem:$0x5DC0]  }
0xff: {  	[tilespmem:$0x1FF60] =	vst v17;
	v17 =	vld [tilespmem:$0x5E40]  }
0x100: {  	[tilespmem:$0x1FEF0] =	vst v34;
	v34 =	vld [tilespmem:$0x5EC0]  }
0x101: {  	[tilespmem:$0x1FF10] =	vst v42;
	v42 =	vld [tilespmem:$0x5F40]  }
0x102: {  	[tilespmem:$0x1FF30] =	vst v45;
	v45 =	vld [tilespmem:$0x5FC0]  }
0x103: {  	[tilespmem:$0x1FEC0] =	vst v63;
	v63 =	vld [tilespmem:$0x5AD0]  }
0x104: {  	v6 =	vadd.s32 v7, v6;
	v7 =	vld [tilespmem:$0x5D50]  }
0x105: {  	v0 =	vadd.s32 v1, v0;
	v1 =	vld [tilespmem:$0x5D60]  }
0x106: {  	v6 =	vadd.s32 v8, v6;
	v0 =	vadd.s32 v2, v0;
	v2 =	vld [tilespmem:$0x5DE0]  }
0x107: {  	v6 =	vadd.s32 v10, v6;
	v0 =	vadd.s32 v3, v0;
	v3 =	vld [tilespmem:$0x5E60]  }
0x108: {  	v6 =	vadd.s32 v11, v6;
	v11 =	vld [tilespmem:$0x6050]  }
0x109: {  	[tilespmem:$0x1FFB0] =	vst v63;
	v63 =	vld [tilespmem:$0x5B50]  }
0x10a: {  	v6 =	vadd.s32 v13, v6;
	v13 =	vld [tilespmem:$0x5F50]  }
0x10b: {  	[tilespmem:$0x1FF50] =	vst v59;
	v59 =	vld [tilespmem:$0x6040]  }
0x10c: {  	[tilespmem:$0x1FF70] =	vst v60;
	v60 =	vld [tilespmem:$0x60C0]  }
0x10d: {  	[tilespmem:$0x1FF80] =	vst v61;
	v61 =	vld [tilespmem:$0x59D0]  }
0x10e: {  	v0 =	vadd.s32 v4, v0;
	[tilespmem:$0x1FFC0] =	vst v63;
	v63 =	vld [tilespmem:$0x5BD0]  }
0x10f: {  	v4 =	vld [tilespmem:$0x5EE0];
	v0 =	vadd.s32 v5, v0  }
0x110: {  	v5 =	vld [tilespmem:$0x5F60];
	v0 =	vadd.s32 v9, v0  }
0x111: {  	v9 =	vld [tilespmem:$0x5FE0];
	v0 =	vadd.s32 v12, v0  }
0x112: {  	v12 =	vld [tilespmem:$0x6060];
	v0 =	vadd.s32 v14, v0  }
0x113: {  	v0 =	vadd.s32 v17, v0;
	[tilespmem:$0x1FFD0] =	vst v63;
	v63 =	vld [tilespmem:$0x5C50]  }
0x114: {  	v14 =	vld [tilespmem:$0x60E0];
	v0 =	vadd.s32 v34, v0  }
0x115: {  	[tilespmem:$0x1FF90] =	vst v60;
	v60 =	vld [tilespmem:$0x6140];
	v0 =	vadd.s32 v42, v0  }
0x116: {  	v17 =	vld [tilespmem:$0x6160];
	v0 =	vadd.s32 v45, v0  }
0x117: {  	v0 =	vadd.s32 v59, v0;
	v59 =	vld [tilespmem:$0x1FF90]  }
0x118: {  	[tilespmem:$0x1FFE0] =	vst v63;
	v63 =	vld [tilespmem:$0x5CD0]  }
0x119: {  	v42 =	vld [tilespmem:$0x5C70]  }
0x11a: {  	v45 =	vld [tilespmem:$0x5CF0]  }
0x11b: {  	[tilespmem:$0x1FFA0] =	vst v60;
	v60 =	vld [tilespmem:$0x5A50]  }
0x11c: {  	v0 =	vadd.s32 v59, v0;
	v59 =	vld [tilespmem:$0x6170]  }
0x11d: {  	[tilespmem:$0x1FFF0] =	vst v63;
	v63 =	vadd.s32 v19, v20;
	v19 =	vld [tilespmem:$0x5DD0]  }
0x11e: {  	v20 =	vld [tilespmem:$0x5E50]  }
0x11f: {  	v8 =	vadd.s32 v21, v63;
	v21 =	vld [tilespmem:$0x5ED0]  }
0x120: {  	v63 =	vld [tilespmem:$0x5BF0]  }
0x121: {  	v8 =	vadd.s32 v22, v8;
	v22 =	vld [tilespmem:$0x5A60]  }
0x122: {  	v8 =	vadd.s32 v23, v8;
	v23 =	vadd.s32 v15, v6;
	v6 =	vld [tilespmem:$0x5FD0]  }
0x123: {  	v10 =	vadd.s32 v16, v23;
	v23 =	vld [tilespmem:$0x5AE0]  }
0x124: {  	v8 =	vadd.s32 v24, v8;
	v24 =	vld [tilespmem:$0x5B60]  }
0x125: {  	v8 =	vadd.s32 v25, v8;
	v25 =	vadd.s32 v18, v10;
	v18 =	vld [tilespmem:$0x59E0]  }
0x126: {  	v15 =	vadd.s32 v39, v25;
	v25 =	vld [tilespmem:$0x5BE0]  }
0x127: {  	v36 =	vadd.s32 v35, v36;
	v39 =	vld [tilespmem:$0x1FEB0]  }
0x128: {  	v8 =	vadd.s32 v26, v8;
	v26 =	vadd.s32 v37, v36;
	v37 =	vadd.s32 v48, v49;
	v48 =	vld [tilespmem:$0x59F0]  }
0x129: {  	v49 =	vld [tilespmem:$0x1FF20]  }
0x12a: {  	v26 =	vadd.s32 v38, v26;
	v38 =	vld [tilespmem:$0x1FEA0]  }
0x12b: {  	v27 =	vadd.s32 v27, v8;
	v15 =	vadd.s32 v41, v15;
	v41 =	vld [tilespmem:$0x1FED0]  }
0x12c: {  	v16 =	vadd.s32 v28, v27;
	v27 =	vld [tilespmem:$0x5C60]  }
0x12d: {  	v26 =	vadd.s32 v43, v26;
	v43 =	vld [tilespmem:$0x1FEE0]  }
0x12e: {  	v15 =	vadd.s32 v44, v15;
	v44 =	vld [tilespmem:$0x1FEF0]  }
0x12f: {  	v28 =	vadd.s32 v50, v37;
	v50 =	vld [tilespmem:$0x1FF30]  }
0x130: {  	v16 =	vadd.s32 v29, v16;
	v29 =	vld [tilespmem:$0x5CE0]  }
0x131: {  	v26 =	vadd.s32 v46, v26;
	v46 =	vld [tilespmem:$0x1FF00]  }
0x132: {  	v15 =	vadd.s32 v47, v15;
	v47 =	vld [tilespmem:$0x1FF10]  }
0x133: {  	v28 =	vadd.s32 v51, v28;
	v51 =	vld [tilespmem:$0x5A70]  }
0x134: {  	v28 =	vadd.s32 v52, v28;
	v52 =	vld [tilespmem:$0x1FF40]  }
0x135: {  	v16 =	vadd.s32 v30, v16;
	v15 =	vadd.s32 v58, v15;
	v58 =	vld [tilespmem:$0x1FF80]  }
0x136: {  	v16 =	vadd.s32 v31, v16;
	v31 =	vld [tilespmem:$0x1FE80]  }
0x137: {  	v28 =	vadd.s32 v53, v28;
	v53 =	vld [tilespmem:$0x1FF50]  }
0x138: {  	v16 =	vadd.s32 v32, v16;
	v32 =	vld [tilespmem:$0x1FE90]  }
0x139: {  	v28 =	vadd.s32 v54, v28;
	v54 =	vld [tilespmem:$0x5AF0];
	v16 =	vadd.s32 v33, v16  }
0x13a: {  	v16 =	vadd.s32 v40, v16;
	v40 =	vld [tilespmem:$0x1FEC0]  }
0x13b: {  	v26 =	vadd.s32 v62, v26;
	v18 =	vadd.s32 v18, v22;
	v28 =	vadd.s32 v55, v28;
	v55 =	vld [tilespmem:$0x1FF60]  }
0x13c: {  	v18 =	vadd.s32 v23, v18;
	v26 =	vadd.s32 v38, v26;
	v28 =	vadd.s32 v56, v28;
	v56 =	vld [tilespmem:$0x1FF70]  }
0x13d: {  	v18 =	vadd.s32 v24, v18;
	v26 =	vadd.s32 v39, v26;
	v28 =	vadd.s32 v57, v28;
	v57 =	vld [tilespmem:$0x5B70]  }
0x13e: {  	v18 =	vadd.s32 v25, v18;
	v28 =	vadd.s32 v44, v28;
	v44 =	vadd.s32 v48, v51;
	v48 =	vld [tilespmem:$0x1FFE0]  }
0x13f: {  	v18 =	vadd.s32 v27, v18;
	v51 =	vld [tilespmem:$0x5E70];
	v26 =	vadd.s32 v40, v26  }
0x140: {  	v62 =	vadd.s32 v61, v60;
	v18 =	vadd.s32 v29, v18;
	v26 =	vadd.s32 v41, v26;
	v41 =	vld [tilespmem:$0x1FFB0]  }
0x141: {  	v15 =	vadd.s32 v31, v15;
	v1 =	vadd.s32 v1, v18;
	v26 =	vadd.s32 v43, v26;
	v43 =	vld [tilespmem:$0x1FFC0]  }
0x142: {  	v28 =	vadd.s32 v47, v28;
	v1 =	vadd.s32 v2, v1;
	v26 =	vadd.s32 v46, v26;
	v46 =	vld [tilespmem:$0x1FFD0]  }
0x143: {  	v15 =	vadd.s32 v32, v15;
	v47 =	vld [tilespmem:$0x5D70];
	v28 =	vadd.s32 v50, v28;
	v1 =	vadd.s32 v3, v1  }
0x144: {  	v23 =	vadd.s32 v54, v44;
	v50 =	vld [tilespmem:$0x1FFF0];
	v28 =	vadd.s32 v53, v28;
	v1 =	vadd.s32 v4, v1  }
0x145: {  	v23 =	vadd.s32 v57, v23;
	v26 =	vadd.s32 v49, v26;
	v49 =	vld [tilespmem:$0x5DF0];
	v34 =	vadd.s32 v41, v62  }
0x146: {  	v54 =	vld [tilespmem:$0x5F70];
	v28 =	vadd.s32 v56, v28;
	v23 =	vadd.s32 v63, v23;
	v34 =	vadd.s32 v43, v34  }
0x147: {  	v22 =	vadd.s32 v42, v23;
	v26 =	vadd.s32 v52, v26;
	v52 =	vld [tilespmem:$0x5EF0];
	v31 =	vadd.s32 v46, v34  }
0x148: {  	v40 =	vld [tilespmem:$0x1FFA0];
	v1 =	vadd.s32 v5, v1;
	v53 =	vadd.s32 v45, v22;
	v31 =	vadd.s32 v48, v31  }
0x149: {  	v56 =	vld [tilespmem:$0x5FF0];
	v26 =	vadd.s32 v55, v26;
	v55 =	vadd.s32 v47, v53;
	v31 =	vadd.s32 v50, v31  }
0x14a: {  	v57 =	vld [tilespmem:$0x6070];
	v28 =	vadd.s32 v58, v28;
	v2 =	vadd.s32 v49, v55;
	v7 =	vadd.s32 v7, v31  }
0x14b: {  	v58 =	vld [tilespmem:$0x60F0];
	v1 =	vadd.s32 v9, v1;
	v2 =	vadd.s32 v51, v2;
	v7 =	vadd.s32 v19, v7  }
0x14c: {  	v10 =	vld [tilespmem:$0x60D0];
	[tilespmem:$0x6190] =	vst v16;
	v1 =	vadd.s32 v12, v1;
	v2 =	vadd.s32 v52, v2;
	v7 =	vadd.s32 v20, v7  }
0x14d: {  	v8 =	vld [tilespmem:$0x6150];
	[tilespmem:$0x6180] =	vst v15;
	v1 =	vadd.s32 v14, v1;
	v2 =	vadd.s32 v54, v2;
	v7 =	vadd.s32 v21, v7  }
0x14e: {  	p0 =	sne.s32 s1, $0x0;
	[tilespmem:$0x61B0] =	vst v28;
	v0 =	vadd.s32 v40, v0;
	v2 =	vadd.s32 v56, v2;
	v7 =	vadd.s32 v13, v7  }
.Ltmp3:
0x14f: {  	v61 =	vadd.s32 v17, v1;
	[tilespmem:$0x61C0] =	vst v0;
	v2 =	vadd.s32 v57, v2;
	v6 =	vadd.s32 v6, v7;
	(pc) =	sbr.rel @!p0 .LBB2_7-.Ltmp3, $4  }
0x150: {  	[tilespmem:$0x61E0] =	vst v61;
	v62 =	vadd.s32 v58, v2;
	v6 =	vadd.s32 v11, v6  }
0x151: {  	[tilespmem:$0x61A0] =	vst v26;
	v63 =	vadd.s32 v59, v62;
	v6 =	vadd.s32 v10, v6  }
0x152: {  	[tilespmem:$0x61F0] =	vst v63;
	v60 =	vadd.s32 v8, v6  }
0x153: {  	[tilespmem:$0x61D0] =	vst v60  }
0x154: {  	p1 =	slt.u32 s1, $0xA  }
0x155: {  	[bflag:$0x0] =	sbarrier.arrive $0xFFFF;
	s5 =	simm.s32 @!p1 $0x6200  }
0x156: {  	[tilespmem:s5], [sflag:$0x1] =	stream.linear.gather @!p1 [spmem:s3], $0x80, $0x38;
	[tilespmem:$0x6AA8] =	vst v63  }
0x157: {  	s3 =	simm.s32 @!p1 $0x1  }
0x158: {  	_ =	swait.ge @!p1 [sflag:s3], $0x80  }
0x159: {  	[sflag:s3] =	ssyncset.done @!p1 $0x0  }
0x15a: {  	[sflag:s3] =	ssyncadd.s32 @!p1 $0xFFFFFF80  }
0x15b: {  	v0 =	vld @!p1 [tilespmem:$0x6200]  }
0x15c: {  	v1 =	vlaneseq.u32 @!p1;
	v2 =	vld @!p1 [tilespmem:$0x6180]  }
0x15d: {  	v1 =	vmul.u32 @!p1 $0xFFFFFFFF, v1;
	v3 =	vld @!p1 [tilespmem:$0x6190]  }
0x15e: {  	v4 =	vld @!p1 [tilespmem:$0x61A0]  }
0x15f: {  	v5 =	vmov s4;
	s24 =	sor.u32 $0x10, s4;
	v1 =	vadd.s32 @!p1 $0x51E, v1;
	v6 =	vld @!p1 [tilespmem:$0x61B0]  }
0x160: {  	s25 =	sor.u32 $0x20, s4;
	v7 =	vmov s24;
	vm0 =	vlt.u32 @!p1 v5, v1;
	v5 =	vld @!p1 [tilespmem:$0x61C0]  }
0x161: {  	s26 =	sor.u32 $0x30, s4;
	v8 =	vmov s25;
	vm1 =	vlt.u32 @!p1 v7, v1;
	v7 =	vld @!p1 [tilespmem:$0x61D0];
	v2 =	vsel @!p1 vm0, v2, v0  }
0x162: {  	s28 =	sor.u32 $0x40, s4;
	vm0 =	vlt.u32 @!p1 v8, v1;
	v3 =	vsel @!p1 vm1, v3, v0;
	v8 =	vld @!p1 [tilespmem:$0x61E0];
	[tilespmem:$0x6180] =	vst @!p1 v2;
	v2 =	vmov s26  }
0x163: {  	s29 =	sor.u32 $0x50, s4;
	p2 =	sgt.u32 @!p1 s1, $0xB;
	[tilespmem:$0x6190] =	vst @!p1 v3;
	v3 =	vmov s28;
	vm1 =	vlt.u32 @!p1 v2, v1;
	v2 =	vsel @!p1 vm0, v4, v0;
	v4 =	vld @!p1 [tilespmem:$0x61F0]  }
0x164: {  	s30 =	sor.u32 $0x60, s4;
	p2 =	por p1, !p2;
	vm0 =	vlt.u32 @!p1 v3, v1;
	[tilespmem:$0x61A0] =	vst @!p1 v2;
	v2 =	vmov s29;
	v3 =	vsel @!p1 vm1, v6, v0  }
.Ltmp4:
0x165: {  	s31 =	sor.u32 $0x70, s4;
	v6 =	vmov s30;
	vm1 =	vlt.u32 @!p1 v2, v1;
	[tilespmem:$0x61B0] =	vst @!p1 v3;
	v2 =	vsel @!p1 vm0, v5, v0;
	(pc) =	sbr.rel @!p2 .LBB2_10-.Ltmp4, $4  }
.Ltmp5:
0x166: {  	v3 =	vmov s31;
	vm0 =	vlt.u32 @!p1 v6, v1;
	[tilespmem:$0x61C0] =	vst @!p1 v2;
	v2 =	vsel @!p1 vm1, v7, v0;
	(pc) =	sbr.rel @p2 .LBB2_9-.Ltmp5, $4  }
0x167: {  	vm1 =	vlt.u32 @!p1 v3, v1;
	v1 =	vsel @!p1 vm0, v8, v0;
	[tilespmem:$0x61D0] =	vst @!p1 v2  }
0x168: {  	[tilespmem:$0x61E0] =	vst @!p1 v1;
	v0 =	vsel @!p1 vm1, v4, v0  }
0x169: {  	[tilespmem:$0x61F0] =	vst @!p1 v0  }
0x16a: {  	_ = 	snop  }
.LBB2_7:
0x16b: {  	s4 =	simm.s32 $0x6180  }
0x16c: {  	[spmem:s3] =	stream.linear.scatter [tilespmem:s4], [sflag:$0x1], $0x10, $0x38;
	[tilespmem:$0x6AA8] =	vst v63  }
0x16d: {  	_ =	swait.ge [sflag:s7], $0x10  }
0x16e: {  	[sflag:s7] =	ssyncset.done $0x0  }
0x16f: {  	[sflag:s7] =	ssyncadd.s32 $0xFFFFFFF0  }
0x170: {  	[bflag:$0x0] =	sbarrier.arrive $0xFFFF  }
.LBB2_9:
0x171: {  	s1 =	sshll.u32 s1, $0x4;
	s30 =	simm.s32 $0x0  }
0x172: {  	s3 =	simm.s32 $0x6180;
	s31 =	simm.s32 $0x1;
	s1 =	sadd.s32 s2, s1  }
0x173: {  	[hbm4b:s1+s30] =	stream.linear.scatter [tilespmem:s3], [sflag:$0x1], $0x80, $0x38;
	[tilespmem:$0x6AA8] =	vst v63  }
0x174: {  	_ =	swait.ge [sflag:s31], $0x80  }
0x175: {  	[sflag:s31] =	ssyncset.done $0x0  }
0x176: {  	[sflag:s31] =	ssyncadd.s32 $0xFFFFFF80  }
.LBB2_10:
0x177: {  	_ =	sfence.sel $0x180000  }
0x178: {  	[bflag:$0x0] =	sbarrier.arrive $0xFFFF  }
0x179: {  	_ =	strace $0x90000047  }
0x17a: {  	s0 =	sadd.s32 @!p0 $0x100000, s0;
	[bflag:$0x2] =	sbarrier.arrive $0xFFFF  }
0x17b: {  	[sflag:s0] =	ssyncadd.tile.s32 @!p0 $0x1;
	_ =	shalt  }
.Lfunc_end2:
_tile_overlayer_lowered:
.L_overlay_start_2:
0x17c: {  	(tag) =	ssettag $0x2  }
0x17d: {  	s0 =	rddreg [dreg:$0x0];
	s2 =	stileid.u32  }
0x17e: {  	s1 =	rddreg [dreg:$0x1];
	p0 =	sne.s32 s2, $0x0  }
0x17f: {  	s3 =	rddreg [dreg:$0x2];
	[bflag:$0x3] =	sbarrier.arrive $0xFFFF;
	s2 =	simm.s32 @!p0 $0x1C01  }
0x180: {  	[timem:s3], [sflag:s2] =	dma.local @!p0 [hbm:s0], s1  }
0x181: {  	s0 =	simm.s32 @!p0 $0x1  }
0x182: {  	_ =	swait.ge @!p0 [sflag:s0], s1  }
0x183: {  	s1 =	ssub.s32 @!p0 $0x0, s1;
	[sflag:s0] =	ssyncset.done @!p0 $0x0  }
0x184: {  	[sflag:s0] =	ssyncadd.s32 @!p0 s1  }
0x185: {  	[bflag:$0x3] =	sbarrier.arrive $0xFFFF  }
0x186: {  	_ =	shalt  }

</sc_bundles>
